<compile_context>
chip_gen: v7x
topology: tpu7x:2x2x1
jax: 0.10.2.dev20260603
libtpu: 0.0.44.dev20260713+nightly
codegen_flags: <defaults>
</compile_context>

<pallas_src>
import functools

import jax
import jax.numpy as jnp
from jax import lax
from jax.experimental import pallas as pl
from jax.experimental.pallas import tpu as pltpu
from jax.experimental.pallas import tpu_sc as plsc

EMBED = 64
NUM_CORES = 2
NUM_SUBCORES = 16
NW = NUM_CORES * NUM_SUBCORES
CHUNK = 128
NBUF = 5


@functools.cache
def _make_gather1(nchunk):
    nsup = nchunk // 2
    assert nsup % NBUF == 0 and nsup > NBUF
    mesh = plsc.VectorSubcoreMesh(core_axis_name="c", subcore_axis_name="s")
    out_t = jax.ShapeDtypeStruct((NW, nsup, 2 * CHUNK, EMBED), jnp.float32)

    @functools.partial(
        pl.kernel,
        mesh=mesh,
        out_type=out_t,
        compiler_params=pltpu.CompilerParams(use_tc_tiling_on_sc=False),
        scratch_types=[
            pltpu.VMEM((nchunk, CHUNK), jnp.int32),
            pltpu.VMEM((NBUF, 2 * CHUNK, EMBED), jnp.float32),
        ]
        + [pltpu.SemaphoreType.DMA] * (2 * NBUF),
    )
    def gather1(tok_idx, tab_in, out_ref, idx_v, rows_v, *sems):
        wid = lax.axis_index("s") * NUM_CORES + lax.axis_index("c")
        sem_g = sems[:NBUF]
        sem_w = sems[NBUF:]

        def fire(tab, b, u):
            for h in range(2):
                pltpu.async_copy(
                    tab.at[idx_v.at[2 * u + h]],
                    rows_v.at[b, pl.ds(h * CHUNK, CHUNK)], sem_g[b])

        def drain(tab, b, u):
            for h in range(2):
                pltpu.make_async_copy(
                    tab.at[idx_v.at[2 * u + h]],
                    rows_v.at[b, pl.ds(h * CHUNK, CHUNK)], sem_g[b]).wait()

        def put(out, b, c):
            pltpu.async_copy(rows_v.at[b], out.at[wid, c], sem_w[b])

        def put_wait(out, b, c):
            pltpu.make_async_copy(rows_v.at[b], out.at[wid, c], sem_w[b]).wait()

        def run_table(idx_hbm, tab, out):
            pltpu.sync_copy(idx_hbm.at[pl.ds(wid * nchunk, nchunk)], idx_v)
            for c in range(NBUF - 1):
                fire(tab, c, c)

            def step(i, carry):
                for b in range(NBUF):
                    u = i * NBUF + b
                    drain(tab, b, u)
                    put(out, b, u)
                    bf = (b + NBUF - 1) % NBUF

                    @pl.when(u + NBUF - 1 < nsup)
                    def _():
                        @pl.when(u >= 1)
                        def _():
                            put_wait(out, bf, u - 1)

                        fire(tab, bf, u + NBUF - 1)
                return carry

            lax.fori_loop(0, nsup // NBUF, step, 0)
            for b in range(NBUF):
                put_wait(out, b, nsup - NBUF + b)

        run_table(tok_idx, tab_in, out_ref)

    return gather1


def kernel(num_tokens, unit_tokens, num_table, unit_table):
    B, S = num_tokens.shape
    rows = B * S
    assert rows % (NW * CHUNK) == 0
    nchunk = rows // (NW * CHUNK)
    ni = num_tokens.reshape(NW * nchunk, CHUNK).astype(jnp.int32)
    ui = unit_tokens.reshape(NW * nchunk, CHUNK).astype(jnp.int32)
    g = _make_gather1(nchunk)
    out_num = g(ni, num_table)
    out_unit = g(ui, unit_table)
    return (out_num.reshape(B, S, EMBED), out_unit.reshape(B, S, EMBED))

# --- scband reference (transcript-rebuilt; emitter-appended) ---
"""Pipeline reference for scband-numeric-unit-embeddings-25898652795100 (READ-ONLY COPY).

The authoritative reference and input builder live on the scoring server;
editing this copy changes nothing except your own understanding.
"""

import jax, jax.numpy as jnp
import numpy as np

VOCAB = 100000
EMBED = 64

def setup_inputs(seed: int = 0) -> dict:
    key = jax.random.key(seed)
    k1, k2, k3, k4 = jax.random.split(key, 4)
    num_tokens = jax.random.randint(k1, (4096, 50), 0, VOCAB, dtype=jnp.int64 if jax.config.jax_enable_x64 else jnp.int32)
    unit_tokens = jax.random.randint(k2, (4096, 50), 0, VOCAB, dtype=jnp.int64 if jax.config.jax_enable_x64 else jnp.int32)
    num_table = jax.random.normal(k3, (VOCAB, EMBED), dtype=jnp.float32)
    unit_table = jax.random.normal(k4, (VOCAB, EMBED), dtype=jnp.float32)
    return {"num_tokens": num_tokens, "unit_tokens": unit_tokens, "num_table": num_table, "unit_table": unit_table}

def reference(num_tokens, unit_tokens, num_table, unit_table):
    # get_embedding(word) -> embedding vector per token; implemented as a
    # deterministic learned-table lookup (the original returned untracked
    # np.random vectors, which is not reproducible; an nn.Embedding-style
    # gather is the standard production interpretation).
    num_embeds = jnp.take(num_table, num_tokens, axis=0)
    unit_embeds = jnp.take(unit_table, unit_tokens, axis=0)
    return (num_embeds, unit_embeds)

if __name__ == "__main__":
    import jax
    _d = setup_inputs()
    print(jax.jit(kernel)(*tuple(_d.values())))

</pallas_src>

<mosaic_0001>
#map = affine_map<(d0, d1) -> (0, 0)>
#map1 = affine_map<(d0, d1) -> (0, 0, 0, 0)>
module attributes {stable_mosaic.version = 14 : i64} {
  func.func @gather1(%arg0: i32, %arg1: i32, %arg2: memref<1600x128xi32, #tpu.memory_space<hbm>>, %arg3: memref<100000x64xf32, #tpu.memory_space<hbm>>, %arg4: memref<32x25x256x64xf32, #tpu.memory_space<hbm>>, %arg5: memref<50x128xi32, #tpu.memory_space<vmem>>, %arg6: memref<5x256x64xf32, #tpu.memory_space<vmem>>, %arg7: memref<!tpu.dma_semaphore, #tpu.memory_space<semaphore_mem>>, %arg8: memref<!tpu.dma_semaphore, #tpu.memory_space<semaphore_mem>>, %arg9: memref<!tpu.dma_semaphore, #tpu.memory_space<semaphore_mem>>, %arg10: memref<!tpu.dma_semaphore, #tpu.memory_space<semaphore_mem>>, %arg11: memref<!tpu.dma_semaphore, #tpu.memory_space<semaphore_mem>>, %arg12: memref<!tpu.dma_semaphore, #tpu.memory_space<semaphore_mem>>, %arg13: memref<!tpu.dma_semaphore, #tpu.memory_space<semaphore_mem>>, %arg14: memref<!tpu.dma_semaphore, #tpu.memory_space<semaphore_mem>>, %arg15: memref<!tpu.dma_semaphore, #tpu.memory_space<semaphore_mem>>, %arg16: memref<!tpu.dma_semaphore, #tpu.memory_space<semaphore_mem>>) attributes {dimension_semantics = [#tpu.dimension_semantics<core_parallel>, #tpu.dimension_semantics<subcore_parallel>], iteration_bounds = array<i64: 2, 16>, scalar_prefetch = 0 : i64, scratch_operands = 12 : i64, tpu.core_type = #tpu.core_type<sc_vector_subcore>, window_params = [{transform_indices = #map}, {transform_indices = #map}, {transform_indices = #map1}]} {
    %mul3A = arith.constant 2 : i32
    %mul3A_0 = arith.muli %arg1, %mul3A : i32
    %add3A = arith.addi %mul3A_0, %arg0 : i32
    %mul3A_1 = arith.constant 50 : i32
    %mul3A_2 = arith.muli %add3A, %mul3A_1 : i32
    "tpu.region"() ({
      %run_scoped3A = tpu.sem_alloc : memref<!tpu.dma_semaphore, #tpu.memory_space<semaphore_mem>>
      %dma_start3A_192 = arith.constant 0 : i32
      %dma_start3A_193 = tpu.memref_slice %arg2[%mul3A_2, %dma_start3A_192] : memref<1600x128xi32, #tpu.memory_space<hbm>> -> memref<50x128xi32, #tpu.memory_space<hbm>>
      %dma_start3A_194 = arith.constant 0 : i32
      %dma_start3A_195 = tpu.memref_slice %arg2[%mul3A_2, %dma_start3A_194] : memref<1600x128xi32, #tpu.memory_space<hbm>> -> memref<50x128xi32, #tpu.memory_space<hbm>>
      tpu.enqueue_dma source(%dma_start3A_195 : memref<50x128xi32, #tpu.memory_space<hbm>>) target(%arg5 : memref<50x128xi32, #tpu.memory_space<vmem>>) target_semaphore(%run_scoped3A : memref<!tpu.dma_semaphore, #tpu.memory_space<semaphore_mem>>)
      %dma_wait3A_196 = arith.constant 0 : i32
      %dma_wait3A_197 = tpu.memref_slice %arg2[%mul3A_2, %dma_wait3A_196] : memref<1600x128xi32, #tpu.memory_space<hbm>> -> memref<50x128xi32, #tpu.memory_space<hbm>>
      %dma_wait3A_198 = arith.constant 0 : i32
      %dma_wait3A_199 = tpu.memref_slice %arg2[%mul3A_2, %dma_wait3A_198] : memref<1600x128xi32, #tpu.memory_space<hbm>> -> memref<50x128xi32, #tpu.memory_space<hbm>>
      tpu.wait_dma2 semaphore(%run_scoped3A : memref<!tpu.dma_semaphore, #tpu.memory_space<semaphore_mem>>) src(%dma_wait3A_199 : memref<50x128xi32, #tpu.memory_space<hbm>>) dst(%arg5 : memref<50x128xi32, #tpu.memory_space<vmem>>)
      tpu.yield
    }) : () -> ()
    %dma_start3A = arith.constant 0 : i32
    %dma_start3A_3 = arith.constant 0 : i32
    %dma_start3A_4 = arith.constant 0 : i32
    %dma_start3A_5 = arith.constant 0 : i32
    %dma_start3A_6 = tpu.memref_slice %arg6[%dma_start3A_3, %dma_start3A_4, %dma_start3A_5] : memref<5x256x64xf32, #tpu.memory_space<vmem>> -> memref<1x128x64xf32, #tpu.memory_space<vmem>>
    %dma_start3A_7 = tpu.memref_squeeze %dma_start3A_6 : memref<1x128x64xf32, #tpu.memory_space<vmem>> -> memref<128x64xf32, #tpu.memory_space<vmem>>
    %dma_start3A_8 = arith.constant 0 : i32
    %dma_start3A_9 = tpu.memref_slice %arg5[%dma_start3A, %dma_start3A_8] : memref<50x128xi32, #tpu.memory_space<vmem>> -> memref<1x128xi32, #tpu.memory_space<vmem>>
    %dma_start3A_10 = tpu.memref_squeeze %dma_start3A_9 : memref<1x128xi32, #tpu.memory_space<vmem>> -> memref<128xi32, #tpu.memory_space<vmem>>
    %dma_start3A_11 = arith.constant 0 : i32
    %dma_start3A_12 = arith.constant 0 : i32
    %dma_start3A_13 = tpu.memref_slice %arg3[%dma_start3A_11, %dma_start3A_12] : memref<100000x64xf32, #tpu.memory_space<hbm>> -> memref<100000x64xf32, #tpu.memory_space<hbm>>
    tpu.enqueue_indirect_dma source(%dma_start3A_13 : memref<100000x64xf32, #tpu.memory_space<hbm>>) target(%dma_start3A_7 : memref<128x64xf32, #tpu.memory_space<vmem>>) offsets(%dma_start3A_10 : memref<128xi32, #tpu.memory_space<vmem>>) semaphore(%arg7 : memref<!tpu.dma_semaphore, #tpu.memory_space<semaphore_mem>>)
    %dma_start3A_14 = arith.constant 1 : i32
    %dma_start3A_15 = arith.constant 0 : i32
    %dma_start3A_16 = arith.constant 128 : i32
    %dma_start3A_17 = arith.constant 0 : i32
    %dma_start3A_18 = tpu.memref_slice %arg6[%dma_start3A_15, %dma_start3A_16, %dma_start3A_17] : memref<5x256x64xf32, #tpu.memory_space<vmem>> -> memref<1x128x64xf32, #tpu.memory_space<vmem>>
    %dma_start3A_19 = tpu.memref_squeeze %dma_start3A_18 : memref<1x128x64xf32, #tpu.memory_space<vmem>> -> memref<128x64xf32, #tpu.memory_space<vmem>>
    %dma_start3A_20 = arith.constant 0 : i32
    %dma_start3A_21 = tpu.memref_slice %arg5[%dma_start3A_14, %dma_start3A_20] : memref<50x128xi32, #tpu.memory_space<vmem>> -> memref<1x128xi32, #tpu.memory_space<vmem>>
    %dma_start3A_22 = tpu.memref_squeeze %dma_start3A_21 : memref<1x128xi32, #tpu.memory_space<vmem>> -> memref<128xi32, #tpu.memory_space<vmem>>
    %dma_start3A_23 = arith.constant 0 : i32
    %dma_start3A_24 = arith.constant 0 : i32
    %dma_start3A_25 = tpu.memref_slice %arg3[%dma_start3A_23, %dma_start3A_24] : memref<100000x64xf32, #tpu.memory_space<hbm>> -> memref<100000x64xf32, #tpu.memory_space<hbm>>
    tpu.enqueue_indirect_dma source(%dma_start3A_25 : memref<100000x64xf32, #tpu.memory_space<hbm>>) target(%dma_start3A_19 : memref<128x64xf32, #tpu.memory_space<vmem>>) offsets(%dma_start3A_22 : memref<128xi32, #tpu.memory_space<vmem>>) semaphore(%arg7 : memref<!tpu.dma_semaphore, #tpu.memory_space<semaphore_mem>>)
    %dma_start3A_26 = arith.constant 2 : i32
    %dma_start3A_27 = arith.constant 1 : i32
    %dma_start3A_28 = arith.constant 0 : i32
    %dma_start3A_29 = arith.constant 0 : i32
    %dma_start3A_30 = tpu.memref_slice %arg6[%dma_start3A_27, %dma_start3A_28, %dma_start3A_29] : memref<5x256x64xf32, #tpu.memory_space<vmem>> -> memref<1x128x64xf32, #tpu.memory_space<vmem>>
    %dma_start3A_31 = tpu.memref_squeeze %dma_start3A_30 : memref<1x128x64xf32, #tpu.memory_space<vmem>> -> memref<128x64xf32, #tpu.memory_space<vmem>>
    %dma_start3A_32 = arith.constant 0 : i32
    %dma_start3A_33 = tpu.memref_slice %arg5[%dma_start3A_26, %dma_start3A_32] : memref<50x128xi32, #tpu.memory_space<vmem>> -> memref<1x128xi32, #tpu.memory_space<vmem>>
    %dma_start3A_34 = tpu.memref_squeeze %dma_start3A_33 : memref<1x128xi32, #tpu.memory_space<vmem>> -> memref<128xi32, #tpu.memory_space<vmem>>
    %dma_start3A_35 = arith.constant 0 : i32
    %dma_start3A_36 = arith.constant 0 : i32
    %dma_start3A_37 = tpu.memref_slice %arg3[%dma_start3A_35, %dma_start3A_36] : memref<100000x64xf32, #tpu.memory_space<hbm>> -> memref<100000x64xf32, #tpu.memory_space<hbm>>
    tpu.enqueue_indirect_dma source(%dma_start3A_37 : memref<100000x64xf32, #tpu.memory_space<hbm>>) target(%dma_start3A_31 : memref<128x64xf32, #tpu.memory_space<vmem>>) offsets(%dma_start3A_34 : memref<128xi32, #tpu.memory_space<vmem>>) semaphore(%arg8 : memref<!tpu.dma_semaphore, #tpu.memory_space<semaphore_mem>>)
    %dma_start3A_38 = arith.constant 3 : i32
    %dma_start3A_39 = arith.constant 1 : i32
    %dma_start3A_40 = arith.constant 128 : i32
    %dma_start3A_41 = arith.constant 0 : i32
    %dma_start3A_42 = tpu.memref_slice %arg6[%dma_start3A_39, %dma_start3A_40, %dma_start3A_41] : memref<5x256x64xf32, #tpu.memory_space<vmem>> -> memref<1x128x64xf32, #tpu.memory_space<vmem>>
    %dma_start3A_43 = tpu.memref_squeeze %dma_start3A_42 : memref<1x128x64xf32, #tpu.memory_space<vmem>> -> memref<128x64xf32, #tpu.memory_space<vmem>>
    %dma_start3A_44 = arith.constant 0 : i32
    %dma_start3A_45 = tpu.memref_slice %arg5[%dma_start3A_38, %dma_start3A_44] : memref<50x128xi32, #tpu.memory_space<vmem>> -> memref<1x128xi32, #tpu.memory_space<vmem>>
    %dma_start3A_46 = tpu.memref_squeeze %dma_start3A_45 : memref<1x128xi32, #tpu.memory_space<vmem>> -> memref<128xi32, #tpu.memory_space<vmem>>
    %dma_start3A_47 = arith.constant 0 : i32
    %dma_start3A_48 = arith.constant 0 : i32
    %dma_start3A_49 = tpu.memref_slice %arg3[%dma_start3A_47, %dma_start3A_48] : memref<100000x64xf32, #tpu.memory_space<hbm>> -> memref<100000x64xf32, #tpu.memory_space<hbm>>
    tpu.enqueue_indirect_dma source(%dma_start3A_49 : memref<100000x64xf32, #tpu.memory_space<hbm>>) target(%dma_start3A_43 : memref<128x64xf32, #tpu.memory_space<vmem>>) offsets(%dma_start3A_46 : memref<128xi32, #tpu.memory_space<vmem>>) semaphore(%arg8 : memref<!tpu.dma_semaphore, #tpu.memory_space<semaphore_mem>>)
    %dma_start3A_50 = arith.constant 4 : i32
    %dma_start3A_51 = arith.constant 2 : i32
    %dma_start3A_52 = arith.constant 0 : i32
    %dma_start3A_53 = arith.constant 0 : i32
    %dma_start3A_54 = tpu.memref_slice %arg6[%dma_start3A_51, %dma_start3A_52, %dma_start3A_53] : memref<5x256x64xf32, #tpu.memory_space<vmem>> -> memref<1x128x64xf32, #tpu.memory_space<vmem>>
    %dma_start3A_55 = tpu.memref_squeeze %dma_start3A_54 : memref<1x128x64xf32, #tpu.memory_space<vmem>> -> memref<128x64xf32, #tpu.memory_space<vmem>>
    %dma_start3A_56 = arith.constant 0 : i32
    %dma_start3A_57 = tpu.memref_slice %arg5[%dma_start3A_50, %dma_start3A_56] : memref<50x128xi32, #tpu.memory_space<vmem>> -> memref<1x128xi32, #tpu.memory_space<vmem>>
    %dma_start3A_58 = tpu.memref_squeeze %dma_start3A_57 : memref<1x128xi32, #tpu.memory_space<vmem>> -> memref<128xi32, #tpu.memory_space<vmem>>
    %dma_start3A_59 = arith.constant 0 : i32
    %dma_start3A_60 = arith.constant 0 : i32
    %dma_start3A_61 = tpu.memref_slice %arg3[%dma_start3A_59, %dma_start3A_60] : memref<100000x64xf32, #tpu.memory_space<hbm>> -> memref<100000x64xf32, #tpu.memory_space<hbm>>
    tpu.enqueue_indirect_dma source(%dma_start3A_61 : memref<100000x64xf32, #tpu.memory_space<hbm>>) target(%dma_start3A_55 : memref<128x64xf32, #tpu.memory_space<vmem>>) offsets(%dma_start3A_58 : memref<128xi32, #tpu.memory_space<vmem>>) semaphore(%arg9 : memref<!tpu.dma_semaphore, #tpu.memory_space<semaphore_mem>>)
    %dma_start3A_62 = arith.constant 5 : i32
    %dma_start3A_63 = arith.constant 2 : i32
    %dma_start3A_64 = arith.constant 128 : i32
    %dma_start3A_65 = arith.constant 0 : i32
    %dma_start3A_66 = tpu.memref_slice %arg6[%dma_start3A_63, %dma_start3A_64, %dma_start3A_65] : memref<5x256x64xf32, #tpu.memory_space<vmem>> -> memref<1x128x64xf32, #tpu.memory_space<vmem>>
    %dma_start3A_67 = tpu.memref_squeeze %dma_start3A_66 : memref<1x128x64xf32, #tpu.memory_space<vmem>> -> memref<128x64xf32, #tpu.memory_space<vmem>>
    %dma_start3A_68 = arith.constant 0 : i32
    %dma_start3A_69 = tpu.memref_slice %arg5[%dma_start3A_62, %dma_start3A_68] : memref<50x128xi32, #tpu.memory_space<vmem>> -> memref<1x128xi32, #tpu.memory_space<vmem>>
    %dma_start3A_70 = tpu.memref_squeeze %dma_start3A_69 : memref<1x128xi32, #tpu.memory_space<vmem>> -> memref<128xi32, #tpu.memory_space<vmem>>
    %dma_start3A_71 = arith.constant 0 : i32
    %dma_start3A_72 = arith.constant 0 : i32
    %dma_start3A_73 = tpu.memref_slice %arg3[%dma_start3A_71, %dma_start3A_72] : memref<100000x64xf32, #tpu.memory_space<hbm>> -> memref<100000x64xf32, #tpu.memory_space<hbm>>
    tpu.enqueue_indirect_dma source(%dma_start3A_73 : memref<100000x64xf32, #tpu.memory_space<hbm>>) target(%dma_start3A_67 : memref<128x64xf32, #tpu.memory_space<vmem>>) offsets(%dma_start3A_70 : memref<128xi32, #tpu.memory_space<vmem>>) semaphore(%arg9 : memref<!tpu.dma_semaphore, #tpu.memory_space<semaphore_mem>>)
    %dma_start3A_74 = arith.constant 6 : i32
    %dma_start3A_75 = arith.constant 3 : i32
    %dma_start3A_76 = arith.constant 0 : i32
    %dma_start3A_77 = arith.constant 0 : i32
    %dma_start3A_78 = tpu.memref_slice %arg6[%dma_start3A_75, %dma_start3A_76, %dma_start3A_77] : memref<5x256x64xf32, #tpu.memory_space<vmem>> -> memref<1x128x64xf32, #tpu.memory_space<vmem>>
    %dma_start3A_79 = tpu.memref_squeeze %dma_start3A_78 : memref<1x128x64xf32, #tpu.memory_space<vmem>> -> memref<128x64xf32, #tpu.memory_space<vmem>>
    %dma_start3A_80 = arith.constant 0 : i32
    %dma_start3A_81 = tpu.memref_slice %arg5[%dma_start3A_74, %dma_start3A_80] : memref<50x128xi32, #tpu.memory_space<vmem>> -> memref<1x128xi32, #tpu.memory_space<vmem>>
    %dma_start3A_82 = tpu.memref_squeeze %dma_start3A_81 : memref<1x128xi32, #tpu.memory_space<vmem>> -> memref<128xi32, #tpu.memory_space<vmem>>
    %dma_start3A_83 = arith.constant 0 : i32
    %dma_start3A_84 = arith.constant 0 : i32
    %dma_start3A_85 = tpu.memref_slice %arg3[%dma_start3A_83, %dma_start3A_84] : memref<100000x64xf32, #tpu.memory_space<hbm>> -> memref<100000x64xf32, #tpu.memory_space<hbm>>
    tpu.enqueue_indirect_dma source(%dma_start3A_85 : memref<100000x64xf32, #tpu.memory_space<hbm>>) target(%dma_start3A_79 : memref<128x64xf32, #tpu.memory_space<vmem>>) offsets(%dma_start3A_82 : memref<128xi32, #tpu.memory_space<vmem>>) semaphore(%arg10 : memref<!tpu.dma_semaphore, #tpu.memory_space<semaphore_mem>>)
    %dma_start3A_86 = arith.constant 7 : i32
    %dma_start3A_87 = arith.constant 3 : i32
    %dma_start3A_88 = arith.constant 128 : i32
    %dma_start3A_89 = arith.constant 0 : i32
    %dma_start3A_90 = tpu.memref_slice %arg6[%dma_start3A_87, %dma_start3A_88, %dma_start3A_89] : memref<5x256x64xf32, #tpu.memory_space<vmem>> -> memref<1x128x64xf32, #tpu.memory_space<vmem>>
    %dma_start3A_91 = tpu.memref_squeeze %dma_start3A_90 : memref<1x128x64xf32, #tpu.memory_space<vmem>> -> memref<128x64xf32, #tpu.memory_space<vmem>>
    %dma_start3A_92 = arith.constant 0 : i32
    %dma_start3A_93 = tpu.memref_slice %arg5[%dma_start3A_86, %dma_start3A_92] : memref<50x128xi32, #tpu.memory_space<vmem>> -> memref<1x128xi32, #tpu.memory_space<vmem>>
    %dma_start3A_94 = tpu.memref_squeeze %dma_start3A_93 : memref<1x128xi32, #tpu.memory_space<vmem>> -> memref<128xi32, #tpu.memory_space<vmem>>
    %dma_start3A_95 = arith.constant 0 : i32
    %dma_start3A_96 = arith.constant 0 : i32
    %dma_start3A_97 = tpu.memref_slice %arg3[%dma_start3A_95, %dma_start3A_96] : memref<100000x64xf32, #tpu.memory_space<hbm>> -> memref<100000x64xf32, #tpu.memory_space<hbm>>
    tpu.enqueue_indirect_dma source(%dma_start3A_97 : memref<100000x64xf32, #tpu.memory_space<hbm>>) target(%dma_start3A_91 : memref<128x64xf32, #tpu.memory_space<vmem>>) offsets(%dma_start3A_94 : memref<128xi32, #tpu.memory_space<vmem>>) semaphore(%arg10 : memref<!tpu.dma_semaphore, #tpu.memory_space<semaphore_mem>>)
    %scan3A = arith.constant 0 : i32
    %scan3A_98 = arith.constant 0 : i32
    %scan3A_99 = arith.constant 5 : i32
    %scan3A_100 = arith.addi %scan3A_98, %scan3A_99 : i32
    %scan3A_101 = arith.constant 1 : i32
    scf.for %scan3A_192 = %scan3A_98 to %scan3A_100 step %scan3A_101  : i32 {
      %mul3A_193 = arith.constant 5 : i32
      %mul3A_194 = arith.muli %scan3A_192, %mul3A_193 : i32
      %add3A_195 = arith.constant 0 : i32
      %add3A_196 = arith.addi %mul3A_194, %add3A_195 : i32
      %mul3A_197 = arith.constant 2 : i32
      %mul3A_198 = arith.muli %mul3A_197, %add3A_196 : i32
      %add3A_199 = arith.constant 0 : i32
      %add3A_200 = arith.addi %mul3A_198, %add3A_199 : i32
      %dma_wait3A_201 = arith.constant 0 : i32
      %dma_wait3A_202 = arith.constant 0 : i32
      %dma_wait3A_203 = arith.constant 0 : i32
      %dma_wait3A_204 = tpu.memref_slice %arg6[%dma_wait3A_201, %dma_wait3A_202, %dma_wait3A_203] : memref<5x256x64xf32, #tpu.memory_space<vmem>> -> memref<1x128x64xf32, #tpu.memory_space<vmem>>
      %dma_wait3A_205 = tpu.memref_squeeze %dma_wait3A_204 : memref<1x128x64xf32, #tpu.memory_space<vmem>> -> memref<128x64xf32, #tpu.memory_space<vmem>>
      %dma_wait3A_206 = arith.constant 0 : i32
      %dma_wait3A_207 = tpu.memref_slice %arg5[%add3A_200, %dma_wait3A_206] : memref<50x128xi32, #tpu.memory_space<vmem>> -> memref<1x128xi32, #tpu.memory_space<vmem>>
      %dma_wait3A_208 = tpu.memref_squeeze %dma_wait3A_207 : memref<1x128xi32, #tpu.memory_space<vmem>> -> memref<128xi32, #tpu.memory_space<vmem>>
      %dma_wait3A_209 = arith.constant 0 : i32
      %dma_wait3A_210 = arith.constant 0 : i32
      %dma_wait3A_211 = tpu.memref_slice %arg3[%dma_wait3A_209, %dma_wait3A_210] : memref<100000x64xf32, #tpu.memory_space<hbm>> -> memref<100000x64xf32, #tpu.memory_space<hbm>>
      tpu.wait_indirect_dma semaphore(%arg7 : memref<!tpu.dma_semaphore, #tpu.memory_space<semaphore_mem>>) src(%dma_wait3A_211 : memref<100000x64xf32, #tpu.memory_space<hbm>>) dst(%dma_wait3A_205 : memref<128x64xf32, #tpu.memory_space<vmem>>)
      %mul3A_212 = arith.constant 2 : i32
      %mul3A_213 = arith.muli %mul3A_212, %add3A_196 : i32
      %add3A_214 = arith.constant 1 : i32
      %add3A_215 = arith.addi %mul3A_213, %add3A_214 : i32
      %dma_wait3A_216 = arith.constant 0 : i32
      %dma_wait3A_217 = arith.constant 128 : i32
      %dma_wait3A_218 = arith.constant 0 : i32
      %dma_wait3A_219 = tpu.memref_slice %arg6[%dma_wait3A_216, %dma_wait3A_217, %dma_wait3A_218] : memref<5x256x64xf32, #tpu.memory_space<vmem>> -> memref<1x128x64xf32, #tpu.memory_space<vmem>>
      %dma_wait3A_220 = tpu.memref_squeeze %dma_wait3A_219 : memref<1x128x64xf32, #tpu.memory_space<vmem>> -> memref<128x64xf32, #tpu.memory_space<vmem>>
      %dma_wait3A_221 = arith.constant 0 : i32
      %dma_wait3A_222 = tpu.memref_slice %arg5[%add3A_215, %dma_wait3A_221] : memref<50x128xi32, #tpu.memory_space<vmem>> -> memref<1x128xi32, #tpu.memory_space<vmem>>
      %dma_wait3A_223 = tpu.memref_squeeze %dma_wait3A_222 : memref<1x128xi32, #tpu.memory_space<vmem>> -> memref<128xi32, #tpu.memory_space<vmem>>
      %dma_wait3A_224 = arith.constant 0 : i32
      %dma_wait3A_225 = arith.constant 0 : i32
      %dma_wait3A_226 = tpu.memref_slice %arg3[%dma_wait3A_224, %dma_wait3A_225] : memref<100000x64xf32, #tpu.memory_space<hbm>> -> memref<100000x64xf32, #tpu.memory_space<hbm>>
      tpu.wait_indirect_dma semaphore(%arg7 : memref<!tpu.dma_semaphore, #tpu.memory_space<semaphore_mem>>) src(%dma_wait3A_226 : memref<100000x64xf32, #tpu.memory_space<hbm>>) dst(%dma_wait3A_220 : memref<128x64xf32, #tpu.memory_space<vmem>>)
      %dma_start3A_227 = arith.constant 0 : i32
      %dma_start3A_228 = arith.constant 0 : i32
      %dma_start3A_229 = arith.constant 0 : i32
      %dma_start3A_230 = tpu.memref_slice %arg6[%dma_start3A_227, %dma_start3A_228, %dma_start3A_229] : memref<5x256x64xf32, #tpu.memory_space<vmem>> -> memref<1x256x64xf32, #tpu.memory_space<vmem>>
      %dma_start3A_231 = tpu.memref_squeeze %dma_start3A_230 : memref<1x256x64xf32, #tpu.memory_space<vmem>> -> memref<256x64xf32, #tpu.memory_space<vmem>>
      %dma_start3A_232 = arith.constant 0 : i32
      %dma_start3A_233 = arith.constant 0 : i32
      %dma_start3A_234 = tpu.memref_slice %arg4[%add3A, %add3A_196, %dma_start3A_232, %dma_start3A_233] : memref<32x25x256x64xf32, #tpu.memory_space<hbm>> -> memref<1x1x256x64xf32, #tpu.memory_space<hbm>>
      %dma_start3A_235 = tpu.memref_squeeze %dma_start3A_234 : memref<1x1x256x64xf32, #tpu.memory_space<hbm>> -> memref<256x64xf32, #tpu.memory_space<hbm>>
      %dma_start3A_236 = arith.constant 0 : i32
      %dma_start3A_237 = arith.constant 0 : i32
      %dma_start3A_238 = tpu.memref_slice %arg4[%add3A, %add3A_196, %dma_start3A_236, %dma_start3A_237] : memref<32x25x256x64xf32, #tpu.memory_space<hbm>> -> memref<1x1x256x64xf32, #tpu.memory_space<hbm>>
      %dma_start3A_239 = tpu.memref_squeeze %dma_start3A_238 : memref<1x1x256x64xf32, #tpu.memory_space<hbm>> -> memref<256x64xf32, #tpu.memory_space<hbm>>
      %dma_start3A_240 = arith.constant 0 : i32
      %dma_start3A_241 = arith.constant 0 : i32
      %dma_start3A_242 = tpu.memref_slice %arg6[%dma_start3A_227, %dma_start3A_240, %dma_start3A_241] : memref<5x256x64xf32, #tpu.memory_space<vmem>> -> memref<1x256x64xf32, #tpu.memory_space<vmem>>
      %dma_start3A_243 = tpu.memref_squeeze %dma_start3A_242 : memref<1x256x64xf32, #tpu.memory_space<vmem>> -> memref<256x64xf32, #tpu.memory_space<vmem>>
      tpu.enqueue_dma source(%dma_start3A_243 : memref<256x64xf32, #tpu.memory_space<vmem>>) target(%dma_start3A_239 : memref<256x64xf32, #tpu.memory_space<hbm>>) target_semaphore(%arg12 : memref<!tpu.dma_semaphore, #tpu.memory_space<semaphore_mem>>)
      %add3A_244 = arith.constant 5 : i32
      %add3A_245 = arith.addi %add3A_196, %add3A_244 : i32
      %sub3A = arith.constant 1 : i32
      %sub3A_246 = arith.subi %add3A_245, %sub3A : i32
      %lt3A = arith.constant 25 : i32
      %lt3A_247 = arith.cmpi slt, %sub3A_246, %lt3A : i32
      %convert_element_type3A = arith.extui %lt3A_247 : i1 to i32
      %cond3A = arith.constant 0 : i32
      %cond3A_248 = arith.cmpi ne, %convert_element_type3A, %cond3A : i32
      scf.if %cond3A_248 {
        %ge3A = arith.constant 1 : i32
        %ge3A_489 = arith.cmpi sge, %add3A_196, %ge3A : i32
        %convert_element_type3A_490 = arith.extui %ge3A_489 : i1 to i32
        %cond3A_491 = arith.constant 0 : i32
        %cond3A_492 = arith.cmpi ne, %convert_element_type3A_490, %cond3A_491 : i32
        scf.if %cond3A_492 {
          %sub3A_527 = arith.constant 1 : i32
          %sub3A_528 = arith.subi %add3A_196, %sub3A_527 : i32
          %dma_wait3A_529 = arith.constant 4 : i32
          %dma_wait3A_530 = arith.constant 0 : i32
          %dma_wait3A_531 = arith.constant 0 : i32
          %dma_wait3A_532 = tpu.memref_slice %arg6[%dma_wait3A_529, %dma_wait3A_530, %dma_wait3A_531] : memref<5x256x64xf32, #tpu.memory_space<vmem>> -> memref<1x256x64xf32, #tpu.memory_space<vmem>>
          %dma_wait3A_533 = tpu.memref_squeeze %dma_wait3A_532 : memref<1x256x64xf32, #tpu.memory_space<vmem>> -> memref<256x64xf32, #tpu.memory_space<vmem>>
          %dma_wait3A_534 = arith.constant 0 : i32
          %dma_wait3A_535 = arith.constant 0 : i32
          %dma_wait3A_536 = tpu.memref_slice %arg4[%add3A, %sub3A_528, %dma_wait3A_534, %dma_wait3A_535] : memref<32x25x256x64xf32, #tpu.memory_space<hbm>> -> memref<1x1x256x64xf32, #tpu.memory_space<hbm>>
          %dma_wait3A_537 = tpu.memref_squeeze %dma_wait3A_536 : memref<1x1x256x64xf32, #tpu.memory_space<hbm>> -> memref<256x64xf32, #tpu.memory_space<hbm>>
          %dma_wait3A_538 = arith.constant 0 : i32
          %dma_wait3A_539 = arith.constant 0 : i32
          %dma_wait3A_540 = tpu.memref_slice %arg4[%add3A, %sub3A_528, %dma_wait3A_538, %dma_wait3A_539] : memref<32x25x256x64xf32, #tpu.memory_space<hbm>> -> memref<1x1x256x64xf32, #tpu.memory_space<hbm>>
          %dma_wait3A_541 = tpu.memref_squeeze %dma_wait3A_540 : memref<1x1x256x64xf32, #tpu.memory_space<hbm>> -> memref<256x64xf32, #tpu.memory_space<hbm>>
          %dma_wait3A_542 = arith.constant 0 : i32
          %dma_wait3A_543 = arith.constant 0 : i32
          %dma_wait3A_544 = tpu.memref_slice %arg6[%dma_wait3A_529, %dma_wait3A_542, %dma_wait3A_543] : memref<5x256x64xf32, #tpu.memory_space<vmem>> -> memref<1x256x64xf32, #tpu.memory_space<vmem>>
          %dma_wait3A_545 = tpu.memref_squeeze %dma_wait3A_544 : memref<1x256x64xf32, #tpu.memory_space<vmem>> -> memref<256x64xf32, #tpu.memory_space<vmem>>
          tpu.wait_dma2 semaphore(%arg16 : memref<!tpu.dma_semaphore, #tpu.memory_space<semaphore_mem>>) src(%dma_wait3A_545 : memref<256x64xf32, #tpu.memory_space<vmem>>) dst(%dma_wait3A_541 : memref<256x64xf32, #tpu.memory_space<hbm>>)
        } else {
        }
        %add3A_493 = arith.constant 5 : i32
        %add3A_494 = arith.addi %add3A_196, %add3A_493 : i32
        %sub3A_495 = arith.constant 1 : i32
        %sub3A_496 = arith.subi %add3A_494, %sub3A_495 : i32
        %mul3A_497 = arith.constant 2 : i32
        %mul3A_498 = arith.muli %mul3A_497, %sub3A_496 : i32
        %add3A_499 = arith.constant 0 : i32
        %add3A_500 = arith.addi %mul3A_498, %add3A_499 : i32
        %dma_start3A_501 = arith.constant 4 : i32
        %dma_start3A_502 = arith.constant 0 : i32
        %dma_start3A_503 = arith.constant 0 : i32
        %dma_start3A_504 = tpu.memref_slice %arg6[%dma_start3A_501, %dma_start3A_502, %dma_start3A_503] : memref<5x256x64xf32, #tpu.memory_space<vmem>> -> memref<1x128x64xf32, #tpu.memory_space<vmem>>
        %dma_start3A_505 = tpu.memref_squeeze %dma_start3A_504 : memref<1x128x64xf32, #tpu.memory_space<vmem>> -> memref<128x64xf32, #tpu.memory_space<vmem>>
        %dma_start3A_506 = arith.constant 0 : i32
        %dma_start3A_507 = tpu.memref_slice %arg5[%add3A_500, %dma_start3A_506] : memref<50x128xi32, #tpu.memory_space<vmem>> -> memref<1x128xi32, #tpu.memory_space<vmem>>
        %dma_start3A_508 = tpu.memref_squeeze %dma_start3A_507 : memref<1x128xi32, #tpu.memory_space<vmem>> -> memref<128xi32, #tpu.memory_space<vmem>>
        %dma_start3A_509 = arith.constant 0 : i32
        %dma_start3A_510 = arith.constant 0 : i32
        %dma_start3A_511 = tpu.memref_slice %arg3[%dma_start3A_509, %dma_start3A_510] : memref<100000x64xf32, #tpu.memory_space<hbm>> -> memref<100000x64xf32, #tpu.memory_space<hbm>>
        tpu.enqueue_indirect_dma source(%dma_start3A_511 : memref<100000x64xf32, #tpu.memory_space<hbm>>) target(%dma_start3A_505 : memref<128x64xf32, #tpu.memory_space<vmem>>) offsets(%dma_start3A_508 : memref<128xi32, #tpu.memory_space<vmem>>) semaphore(%arg11 : memref<!tpu.dma_semaphore, #tpu.memory_space<semaphore_mem>>)
        %mul3A_512 = arith.constant 2 : i32
        %mul3A_513 = arith.muli %mul3A_512, %sub3A_496 : i32
        %add3A_514 = arith.constant 1 : i32
        %add3A_515 = arith.addi %mul3A_513, %add3A_514 : i32
        %dma_start3A_516 = arith.constant 4 : i32
        %dma_start3A_517 = arith.constant 128 : i32
        %dma_start3A_518 = arith.constant 0 : i32
        %dma_start3A_519 = tpu.memref_slice %arg6[%dma_start3A_516, %dma_start3A_517, %dma_start3A_518] : memref<5x256x64xf32, #tpu.memory_space<vmem>> -> memref<1x128x64xf32, #tpu.memory_space<vmem>>
        %dma_start3A_520 = tpu.memref_squeeze %dma_start3A_519 : memref<1x128x64xf32, #tpu.memory_space<vmem>> -> memref<128x64xf32, #tpu.memory_space<vmem>>
        %dma_start3A_521 = arith.constant 0 : i32
        %dma_start3A_522 = tpu.memref_slice %arg5[%add3A_515, %dma_start3A_521] : memref<50x128xi32, #tpu.memory_space<vmem>> -> memref<1x128xi32, #tpu.memory_space<vmem>>
        %dma_start3A_523 = tpu.memref_squeeze %dma_start3A_522 : memref<1x128xi32, #tpu.memory_space<vmem>> -> memref<128xi32, #tpu.memory_space<vmem>>
        %dma_start3A_524 = arith.constant 0 : i32
        %dma_start3A_525 = arith.constant 0 : i32
        %dma_start3A_526 = tpu.memref_slice %arg3[%dma_start3A_524, %dma_start3A_525] : memref<100000x64xf32, #tpu.memory_space<hbm>> -> memref<100000x64xf32, #tpu.memory_space<hbm>>
        tpu.enqueue_indirect_dma source(%dma_start3A_526 : memref<100000x64xf32, #tpu.memory_space<hbm>>) target(%dma_start3A_520 : memref<128x64xf32, #tpu.memory_space<vmem>>) offsets(%dma_start3A_523 : memref<128xi32, #tpu.memory_space<vmem>>) semaphore(%arg11 : memref<!tpu.dma_semaphore, #tpu.memory_space<semaphore_mem>>)
      } else {
      }
      %mul3A_249 = arith.constant 5 : i32
      %mul3A_250 = arith.muli %scan3A_192, %mul3A_249 : i32
      %add3A_251 = arith.constant 1 : i32
      %add3A_252 = arith.addi %mul3A_250, %add3A_251 : i32
      %mul3A_253 = arith.constant 2 : i32
      %mul3A_254 = arith.muli %mul3A_253, %add3A_252 : i32
      %add3A_255 = arith.constant 0 : i32
      %add3A_256 = arith.addi %mul3A_254, %add3A_255 : i32
      %dma_wait3A_257 = arith.constant 1 : i32
      %dma_wait3A_258 = arith.constant 0 : i32
      %dma_wait3A_259 = arith.constant 0 : i32
      %dma_wait3A_260 = tpu.memref_slice %arg6[%dma_wait3A_257, %dma_wait3A_258, %dma_wait3A_259] : memref<5x256x64xf32, #tpu.memory_space<vmem>> -> memref<1x128x64xf32, #tpu.memory_space<vmem>>
      %dma_wait3A_261 = tpu.memref_squeeze %dma_wait3A_260 : memref<1x128x64xf32, #tpu.memory_space<vmem>> -> memref<128x64xf32, #tpu.memory_space<vmem>>
      %dma_wait3A_262 = arith.constant 0 : i32
      %dma_wait3A_263 = tpu.memref_slice %arg5[%add3A_256, %dma_wait3A_262] : memref<50x128xi32, #tpu.memory_space<vmem>> -> memref<1x128xi32, #tpu.memory_space<vmem>>
      %dma_wait3A_264 = tpu.memref_squeeze %dma_wait3A_263 : memref<1x128xi32, #tpu.memory_space<vmem>> -> memref<128xi32, #tpu.memory_space<vmem>>
      %dma_wait3A_265 = arith.constant 0 : i32
      %dma_wait3A_266 = arith.constant 0 : i32
      %dma_wait3A_267 = tpu.memref_slice %arg3[%dma_wait3A_265, %dma_wait3A_266] : memref<100000x64xf32, #tpu.memory_space<hbm>> -> memref<100000x64xf32, #tpu.memory_space<hbm>>
      tpu.wait_indirect_dma semaphore(%arg8 : memref<!tpu.dma_semaphore, #tpu.memory_space<semaphore_mem>>) src(%dma_wait3A_267 : memref<100000x64xf32, #tpu.memory_space<hbm>>) dst(%dma_wait3A_261 : memref<128x64xf32, #tpu.memory_space<vmem>>)
      %mul3A_268 = arith.constant 2 : i32
      %mul3A_269 = arith.muli %mul3A_268, %add3A_252 : i32
      %add3A_270 = arith.constant 1 : i32
      %add3A_271 = arith.addi %mul3A_269, %add3A_270 : i32
      %dma_wait3A_272 = arith.constant 1 : i32
      %dma_wait3A_273 = arith.constant 128 : i32
      %dma_wait3A_274 = arith.constant 0 : i32
      %dma_wait3A_275 = tpu.memref_slice %arg6[%dma_wait3A_272, %dma_wait3A_273, %dma_wait3A_274] : memref<5x256x64xf32, #tpu.memory_space<vmem>> -> memref<1x128x64xf32, #tpu.memory_space<vmem>>
      %dma_wait3A_276 = tpu.memref_squeeze %dma_wait3A_275 : memref<1x128x64xf32, #tpu.memory_space<vmem>> -> memref<128x64xf32, #tpu.memory_space<vmem>>
      %dma_wait3A_277 = arith.constant 0 : i32
      %dma_wait3A_278 = tpu.memref_slice %arg5[%add3A_271, %dma_wait3A_277] : memref<50x128xi32, #tpu.memory_space<vmem>> -> memref<1x128xi32, #tpu.memory_space<vmem>>
      %dma_wait3A_279 = tpu.memref_squeeze %dma_wait3A_278 : memref<1x128xi32, #tpu.memory_space<vmem>> -> memref<128xi32, #tpu.memory_space<vmem>>
      %dma_wait3A_280 = arith.constant 0 : i32
      %dma_wait3A_281 = arith.constant 0 : i32
      %dma_wait3A_282 = tpu.memref_slice %arg3[%dma_wait3A_280, %dma_wait3A_281] : memref<100000x64xf32, #tpu.memory_space<hbm>> -> memref<100000x64xf32, #tpu.memory_space<hbm>>
      tpu.wait_indirect_dma semaphore(%arg8 : memref<!tpu.dma_semaphore, #tpu.memory_space<semaphore_mem>>) src(%dma_wait3A_282 : memref<100000x64xf32, #tpu.memory_space<hbm>>) dst(%dma_wait3A_276 : memref<128x64xf32, #tpu.memory_space<vmem>>)
      %dma_start3A_283 = arith.constant 1 : i32
      %dma_start3A_284 = arith.constant 0 : i32
      %dma_start3A_285 = arith.constant 0 : i32
      %dma_start3A_286 = tpu.memref_slice %arg6[%dma_start3A_283, %dma_start3A_284, %dma_start3A_285] : memref<5x256x64xf32, #tpu.memory_space<vmem>> -> memref<1x256x64xf32, #tpu.memory_space<vmem>>
      %dma_start3A_287 = tpu.memref_squeeze %dma_start3A_286 : memref<1x256x64xf32, #tpu.memory_space<vmem>> -> memref<256x64xf32, #tpu.memory_space<vmem>>
      %dma_start3A_288 = arith.constant 0 : i32
      %dma_start3A_289 = arith.constant 0 : i32
      %dma_start3A_290 = tpu.memref_slice %arg4[%add3A, %add3A_252, %dma_start3A_288, %dma_start3A_289] : memref<32x25x256x64xf32, #tpu.memory_space<hbm>> -> memref<1x1x256x64xf32, #tpu.memory_space<hbm>>
      %dma_start3A_291 = tpu.memref_squeeze %dma_start3A_290 : memref<1x1x256x64xf32, #tpu.memory_space<hbm>> -> memref<256x64xf32, #tpu.memory_space<hbm>>
      %dma_start3A_292 = arith.constant 0 : i32
      %dma_start3A_293 = arith.constant 0 : i32
      %dma_start3A_294 = tpu.memref_slice %arg4[%add3A, %add3A_252, %dma_start3A_292, %dma_start3A_293] : memref<32x25x256x64xf32, #tpu.memory_space<hbm>> -> memref<1x1x256x64xf32, #tpu.memory_space<hbm>>
      %dma_start3A_295 = tpu.memref_squeeze %dma_start3A_294 : memref<1x1x256x64xf32, #tpu.memory_space<hbm>> -> memref<256x64xf32, #tpu.memory_space<hbm>>
      %dma_start3A_296 = arith.constant 0 : i32
      %dma_start3A_297 = arith.constant 0 : i32
      %dma_start3A_298 = tpu.memref_slice %arg6[%dma_start3A_283, %dma_start3A_296, %dma_start3A_297] : memref<5x256x64xf32, #tpu.memory_space<vmem>> -> memref<1x256x64xf32, #tpu.memory_space<vmem>>
      %dma_start3A_299 = tpu.memref_squeeze %dma_start3A_298 : memref<1x256x64xf32, #tpu.memory_space<vmem>> -> memref<256x64xf32, #tpu.memory_space<vmem>>
      tpu.enqueue_dma source(%dma_start3A_299 : memref<256x64xf32, #tpu.memory_space<vmem>>) target(%dma_start3A_295 : memref<256x64xf32, #tpu.memory_space<hbm>>) target_semaphore(%arg13 : memref<!tpu.dma_semaphore, #tpu.memory_space<semaphore_mem>>)
      %add3A_300 = arith.constant 5 : i32
      %add3A_301 = arith.addi %add3A_252, %add3A_300 : i32
      %sub3A_302 = arith.constant 1 : i32
      %sub3A_303 = arith.subi %add3A_301, %sub3A_302 : i32
      %lt3A_304 = arith.constant 25 : i32
      %lt3A_305 = arith.cmpi slt, %sub3A_303, %lt3A_304 : i32
      %convert_element_type3A_306 = arith.extui %lt3A_305 : i1 to i32
      %cond3A_307 = arith.constant 0 : i32
      %cond3A_308 = arith.cmpi ne, %convert_element_type3A_306, %cond3A_307 : i32
      scf.if %cond3A_308 {
        %ge3A = arith.constant 1 : i32
        %ge3A_489 = arith.cmpi sge, %add3A_252, %ge3A : i32
        %convert_element_type3A_490 = arith.extui %ge3A_489 : i1 to i32
        %cond3A_491 = arith.constant 0 : i32
        %cond3A_492 = arith.cmpi ne, %convert_element_type3A_490, %cond3A_491 : i32
        scf.if %cond3A_492 {
          %sub3A_527 = arith.constant 1 : i32
          %sub3A_528 = arith.subi %add3A_252, %sub3A_527 : i32
          %dma_wait3A_529 = arith.constant 0 : i32
          %dma_wait3A_530 = arith.constant 0 : i32
          %dma_wait3A_531 = arith.constant 0 : i32
          %dma_wait3A_532 = tpu.memref_slice %arg6[%dma_wait3A_529, %dma_wait3A_530, %dma_wait3A_531] : memref<5x256x64xf32, #tpu.memory_space<vmem>> -> memref<1x256x64xf32, #tpu.memory_space<vmem>>
          %dma_wait3A_533 = tpu.memref_squeeze %dma_wait3A_532 : memref<1x256x64xf32, #tpu.memory_space<vmem>> -> memref<256x64xf32, #tpu.memory_space<vmem>>
          %dma_wait3A_534 = arith.constant 0 : i32
          %dma_wait3A_535 = arith.constant 0 : i32
          %dma_wait3A_536 = tpu.memref_slice %arg4[%add3A, %sub3A_528, %dma_wait3A_534, %dma_wait3A_535] : memref<32x25x256x64xf32, #tpu.memory_space<hbm>> -> memref<1x1x256x64xf32, #tpu.memory_space<hbm>>
          %dma_wait3A_537 = tpu.memref_squeeze %dma_wait3A_536 : memref<1x1x256x64xf32, #tpu.memory_space<hbm>> -> memref<256x64xf32, #tpu.memory_space<hbm>>
          %dma_wait3A_538 = arith.constant 0 : i32
          %dma_wait3A_539 = arith.constant 0 : i32
          %dma_wait3A_540 = tpu.memref_slice %arg4[%add3A, %sub3A_528, %dma_wait3A_538, %dma_wait3A_539] : memref<32x25x256x64xf32, #tpu.memory_space<hbm>> -> memref<1x1x256x64xf32, #tpu.memory_space<hbm>>
          %dma_wait3A_541 = tpu.memref_squeeze %dma_wait3A_540 : memref<1x1x256x64xf32, #tpu.memory_space<hbm>> -> memref<256x64xf32, #tpu.memory_space<hbm>>
          %dma_wait3A_542 = arith.constant 0 : i32
          %dma_wait3A_543 = arith.constant 0 : i32
          %dma_wait3A_544 = tpu.memref_slice %arg6[%dma_wait3A_529, %dma_wait3A_542, %dma_wait3A_543] : memref<5x256x64xf32, #tpu.memory_space<vmem>> -> memref<1x256x64xf32, #tpu.memory_space<vmem>>
          %dma_wait3A_545 = tpu.memref_squeeze %dma_wait3A_544 : memref<1x256x64xf32, #tpu.memory_space<vmem>> -> memref<256x64xf32, #tpu.memory_space<vmem>>
          tpu.wait_dma2 semaphore(%arg12 : memref<!tpu.dma_semaphore, #tpu.memory_space<semaphore_mem>>) src(%dma_wait3A_545 : memref<256x64xf32, #tpu.memory_space<vmem>>) dst(%dma_wait3A_541 : memref<256x64xf32, #tpu.memory_space<hbm>>)
        } else {
        }
        %add3A_493 = arith.constant 5 : i32
        %add3A_494 = arith.addi %add3A_252, %add3A_493 : i32
        %sub3A_495 = arith.constant 1 : i32
        %sub3A_496 = arith.subi %add3A_494, %sub3A_495 : i32
        %mul3A_497 = arith.constant 2 : i32
        %mul3A_498 = arith.muli %mul3A_497, %sub3A_496 : i32
        %add3A_499 = arith.constant 0 : i32
        %add3A_500 = arith.addi %mul3A_498, %add3A_499 : i32
        %dma_start3A_501 = arith.constant 0 : i32
        %dma_start3A_502 = arith.constant 0 : i32
        %dma_start3A_503 = arith.constant 0 : i32
        %dma_start3A_504 = tpu.memref_slice %arg6[%dma_start3A_501, %dma_start3A_502, %dma_start3A_503] : memref<5x256x64xf32, #tpu.memory_space<vmem>> -> memref<1x128x64xf32, #tpu.memory_space<vmem>>
        %dma_start3A_505 = tpu.memref_squeeze %dma_start3A_504 : memref<1x128x64xf32, #tpu.memory_space<vmem>> -> memref<128x64xf32, #tpu.memory_space<vmem>>
        %dma_start3A_506 = arith.constant 0 : i32
        %dma_start3A_507 = tpu.memref_slice %arg5[%add3A_500, %dma_start3A_506] : memref<50x128xi32, #tpu.memory_space<vmem>> -> memref<1x128xi32, #tpu.memory_space<vmem>>
        %dma_start3A_508 = tpu.memref_squeeze %dma_start3A_507 : memref<1x128xi32, #tpu.memory_space<vmem>> -> memref<128xi32, #tpu.memory_space<vmem>>
        %dma_start3A_509 = arith.constant 0 : i32
        %dma_start3A_510 = arith.constant 0 : i32
        %dma_start3A_511 = tpu.memref_slice %arg3[%dma_start3A_509, %dma_start3A_510] : memref<100000x64xf32, #tpu.memory_space<hbm>> -> memref<100000x64xf32, #tpu.memory_space<hbm>>
        tpu.enqueue_indirect_dma source(%dma_start3A_511 : memref<100000x64xf32, #tpu.memory_space<hbm>>) target(%dma_start3A_505 : memref<128x64xf32, #tpu.memory_space<vmem>>) offsets(%dma_start3A_508 : memref<128xi32, #tpu.memory_space<vmem>>) semaphore(%arg7 : memref<!tpu.dma_semaphore, #tpu.memory_space<semaphore_mem>>)
        %mul3A_512 = arith.constant 2 : i32
        %mul3A_513 = arith.muli %mul3A_512, %sub3A_496 : i32
        %add3A_514 = arith.constant 1 : i32
        %add3A_515 = arith.addi %mul3A_513, %add3A_514 : i32
        %dma_start3A_516 = arith.constant 0 : i32
        %dma_start3A_517 = arith.constant 128 : i32
        %dma_start3A_518 = arith.constant 0 : i32
        %dma_start3A_519 = tpu.memref_slice %arg6[%dma_start3A_516, %dma_start3A_517, %dma_start3A_518] : memref<5x256x64xf32, #tpu.memory_space<vmem>> -> memref<1x128x64xf32, #tpu.memory_space<vmem>>
        %dma_start3A_520 = tpu.memref_squeeze %dma_start3A_519 : memref<1x128x64xf32, #tpu.memory_space<vmem>> -> memref<128x64xf32, #tpu.memory_space<vmem>>
        %dma_start3A_521 = arith.constant 0 : i32
        %dma_start3A_522 = tpu.memref_slice %arg5[%add3A_515, %dma_start3A_521] : memref<50x128xi32, #tpu.memory_space<vmem>> -> memref<1x128xi32, #tpu.memory_space<vmem>>
        %dma_start3A_523 = tpu.memref_squeeze %dma_start3A_522 : memref<1x128xi32, #tpu.memory_space<vmem>> -> memref<128xi32, #tpu.memory_space<vmem>>
        %dma_start3A_524 = arith.constant 0 : i32
        %dma_start3A_525 = arith.constant 0 : i32
        %dma_start3A_526 = tpu.memref_slice %arg3[%dma_start3A_524, %dma_start3A_525] : memref<100000x64xf32, #tpu.memory_space<hbm>> -> memref<100000x64xf32, #tpu.memory_space<hbm>>
        tpu.enqueue_indirect_dma source(%dma_start3A_526 : memref<100000x64xf32, #tpu.memory_space<hbm>>) target(%dma_start3A_520 : memref<128x64xf32, #tpu.memory_space<vmem>>) offsets(%dma_start3A_523 : memref<128xi32, #tpu.memory_space<vmem>>) semaphore(%arg7 : memref<!tpu.dma_semaphore, #tpu.memory_space<semaphore_mem>>)
      } else {
      }
      %mul3A_309 = arith.constant 5 : i32
      %mul3A_310 = arith.muli %scan3A_192, %mul3A_309 : i32
      %add3A_311 = arith.constant 2 : i32
      %add3A_312 = arith.addi %mul3A_310, %add3A_311 : i32
      %mul3A_313 = arith.constant 2 : i32
      %mul3A_314 = arith.muli %mul3A_313, %add3A_312 : i32
      %add3A_315 = arith.constant 0 : i32
      %add3A_316 = arith.addi %mul3A_314, %add3A_315 : i32
      %dma_wait3A_317 = arith.constant 2 : i32
      %dma_wait3A_318 = arith.constant 0 : i32
      %dma_wait3A_319 = arith.constant 0 : i32
      %dma_wait3A_320 = tpu.memref_slice %arg6[%dma_wait3A_317, %dma_wait3A_318, %dma_wait3A_319] : memref<5x256x64xf32, #tpu.memory_space<vmem>> -> memref<1x128x64xf32, #tpu.memory_space<vmem>>
      %dma_wait3A_321 = tpu.memref_squeeze %dma_wait3A_320 : memref<1x128x64xf32, #tpu.memory_space<vmem>> -> memref<128x64xf32, #tpu.memory_space<vmem>>
      %dma_wait3A_322 = arith.constant 0 : i32
      %dma_wait3A_323 = tpu.memref_slice %arg5[%add3A_316, %dma_wait3A_322] : memref<50x128xi32, #tpu.memory_space<vmem>> -> memref<1x128xi32, #tpu.memory_space<vmem>>
      %dma_wait3A_324 = tpu.memref_squeeze %dma_wait3A_323 : memref<1x128xi32, #tpu.memory_space<vmem>> -> memref<128xi32, #tpu.memory_space<vmem>>
      %dma_wait3A_325 = arith.constant 0 : i32
      %dma_wait3A_326 = arith.constant 0 : i32
      %dma_wait3A_327 = tpu.memref_slice %arg3[%dma_wait3A_325, %dma_wait3A_326] : memref<100000x64xf32, #tpu.memory_space<hbm>> -> memref<100000x64xf32, #tpu.memory_space<hbm>>
      tpu.wait_indirect_dma semaphore(%arg9 : memref<!tpu.dma_semaphore, #tpu.memory_space<semaphore_mem>>) src(%dma_wait3A_327 : memref<100000x64xf32, #tpu.memory_space<hbm>>) dst(%dma_wait3A_321 : memref<128x64xf32, #tpu.memory_space<vmem>>)
      %mul3A_328 = arith.constant 2 : i32
      %mul3A_329 = arith.muli %mul3A_328, %add3A_312 : i32
      %add3A_330 = arith.constant 1 : i32
      %add3A_331 = arith.addi %mul3A_329, %add3A_330 : i32
      %dma_wait3A_332 = arith.constant 2 : i32
      %dma_wait3A_333 = arith.constant 128 : i32
      %dma_wait3A_334 = arith.constant 0 : i32
      %dma_wait3A_335 = tpu.memref_slice %arg6[%dma_wait3A_332, %dma_wait3A_333, %dma_wait3A_334] : memref<5x256x64xf32, #tpu.memory_space<vmem>> -> memref<1x128x64xf32, #tpu.memory_space<vmem>>
      %dma_wait3A_336 = tpu.memref_squeeze %dma_wait3A_335 : memref<1x128x64xf32, #tpu.memory_space<vmem>> -> memref<128x64xf32, #tpu.memory_space<vmem>>
      %dma_wait3A_337 = arith.constant 0 : i32
      %dma_wait3A_338 = tpu.memref_slice %arg5[%add3A_331, %dma_wait3A_337] : memref<50x128xi32, #tpu.memory_space<vmem>> -> memref<1x128xi32, #tpu.memory_space<vmem>>
      %dma_wait3A_339 = tpu.memref_squeeze %dma_wait3A_338 : memref<1x128xi32, #tpu.memory_space<vmem>> -> memref<128xi32, #tpu.memory_space<vmem>>
      %dma_wait3A_340 = arith.constant 0 : i32
      %dma_wait3A_341 = arith.constant 0 : i32
      %dma_wait3A_342 = tpu.memref_slice %arg3[%dma_wait3A_340, %dma_wait3A_341] : memref<100000x64xf32, #tpu.memory_space<hbm>> -> memref<100000x64xf32, #tpu.memory_space<hbm>>
      tpu.wait_indirect_dma semaphore(%arg9 : memref<!tpu.dma_semaphore, #tpu.memory_space<semaphore_mem>>) src(%dma_wait3A_342 : memref<100000x64xf32, #tpu.memory_space<hbm>>) dst(%dma_wait3A_336 : memref<128x64xf32, #tpu.memory_space<vmem>>)
      %dma_start3A_343 = arith.constant 2 : i32
      %dma_start3A_344 = arith.constant 0 : i32
      %dma_start3A_345 = arith.constant 0 : i32
      %dma_start3A_346 = tpu.memref_slice %arg6[%dma_start3A_343, %dma_start3A_344, %dma_start3A_345] : memref<5x256x64xf32, #tpu.memory_space<vmem>> -> memref<1x256x64xf32, #tpu.memory_space<vmem>>
      %dma_start3A_347 = tpu.memref_squeeze %dma_start3A_346 : memref<1x256x64xf32, #tpu.memory_space<vmem>> -> memref<256x64xf32, #tpu.memory_space<vmem>>
      %dma_start3A_348 = arith.constant 0 : i32
      %dma_start3A_349 = arith.constant 0 : i32
      %dma_start3A_350 = tpu.memref_slice %arg4[%add3A, %add3A_312, %dma_start3A_348, %dma_start3A_349] : memref<32x25x256x64xf32, #tpu.memory_space<hbm>> -> memref<1x1x256x64xf32, #tpu.memory_space<hbm>>
      %dma_start3A_351 = tpu.memref_squeeze %dma_start3A_350 : memref<1x1x256x64xf32, #tpu.memory_space<hbm>> -> memref<256x64xf32, #tpu.memory_space<hbm>>
      %dma_start3A_352 = arith.constant 0 : i32
      %dma_start3A_353 = arith.constant 0 : i32
      %dma_start3A_354 = tpu.memref_slice %arg4[%add3A, %add3A_312, %dma_start3A_352, %dma_start3A_353] : memref<32x25x256x64xf32, #tpu.memory_space<hbm>> -> memref<1x1x256x64xf32, #tpu.memory_space<hbm>>
      %dma_start3A_355 = tpu.memref_squeeze %dma_start3A_354 : memref<1x1x256x64xf32, #tpu.memory_space<hbm>> -> memref<256x64xf32, #tpu.memory_space<hbm>>
      %dma_start3A_356 = arith.constant 0 : i32
      %dma_start3A_357 = arith.constant 0 : i32
      %dma_start3A_358 = tpu.memref_slice %arg6[%dma_start3A_343, %dma_start3A_356, %dma_start3A_357] : memref<5x256x64xf32, #tpu.memory_space<vmem>> -> memref<1x256x64xf32, #tpu.memory_space<vmem>>
      %dma_start3A_359 = tpu.memref_squeeze %dma_start3A_358 : memref<1x256x64xf32, #tpu.memory_space<vmem>> -> memref<256x64xf32, #tpu.memory_space<vmem>>
      tpu.enqueue_dma source(%dma_start3A_359 : memref<256x64xf32, #tpu.memory_space<vmem>>) target(%dma_start3A_355 : memref<256x64xf32, #tpu.memory_space<hbm>>) target_semaphore(%arg14 : memref<!tpu.dma_semaphore, #tpu.memory_space<semaphore_mem>>)
      %add3A_360 = arith.constant 5 : i32
      %add3A_361 = arith.addi %add3A_312, %add3A_360 : i32
      %sub3A_362 = arith.constant 1 : i32
      %sub3A_363 = arith.subi %add3A_361, %sub3A_362 : i32
      %lt3A_364 = arith.constant 25 : i32
      %lt3A_365 = arith.cmpi slt, %sub3A_363, %lt3A_364 : i32
      %convert_element_type3A_366 = arith.extui %lt3A_365 : i1 to i32
      %cond3A_367 = arith.constant 0 : i32
      %cond3A_368 = arith.cmpi ne, %convert_element_type3A_366, %cond3A_367 : i32
      scf.if %cond3A_368 {
        %ge3A = arith.constant 1 : i32
        %ge3A_489 = arith.cmpi sge, %add3A_312, %ge3A : i32
        %convert_element_type3A_490 = arith.extui %ge3A_489 : i1 to i32
        %cond3A_491 = arith.constant 0 : i32
        %cond3A_492 = arith.cmpi ne, %convert_element_type3A_490, %cond3A_491 : i32
        scf.if %cond3A_492 {
          %sub3A_527 = arith.constant 1 : i32
          %sub3A_528 = arith.subi %add3A_312, %sub3A_527 : i32
          %dma_wait3A_529 = arith.constant 1 : i32
          %dma_wait3A_530 = arith.constant 0 : i32
          %dma_wait3A_531 = arith.constant 0 : i32
          %dma_wait3A_532 = tpu.memref_slice %arg6[%dma_wait3A_529, %dma_wait3A_530, %dma_wait3A_531] : memref<5x256x64xf32, #tpu.memory_space<vmem>> -> memref<1x256x64xf32, #tpu.memory_space<vmem>>
          %dma_wait3A_533 = tpu.memref_squeeze %dma_wait3A_532 : memref<1x256x64xf32, #tpu.memory_space<vmem>> -> memref<256x64xf32, #tpu.memory_space<vmem>>
          %dma_wait3A_534 = arith.constant 0 : i32
          %dma_wait3A_535 = arith.constant 0 : i32
          %dma_wait3A_536 = tpu.memref_slice %arg4[%add3A, %sub3A_528, %dma_wait3A_534, %dma_wait3A_535] : memref<32x25x256x64xf32, #tpu.memory_space<hbm>> -> memref<1x1x256x64xf32, #tpu.memory_space<hbm>>
          %dma_wait3A_537 = tpu.memref_squeeze %dma_wait3A_536 : memref<1x1x256x64xf32, #tpu.memory_space<hbm>> -> memref<256x64xf32, #tpu.memory_space<hbm>>
          %dma_wait3A_538 = arith.constant 0 : i32
          %dma_wait3A_539 = arith.constant 0 : i32
          %dma_wait3A_540 = tpu.memref_slice %arg4[%add3A, %sub3A_528, %dma_wait3A_538, %dma_wait3A_539] : memref<32x25x256x64xf32, #tpu.memory_space<hbm>> -> memref<1x1x256x64xf32, #tpu.memory_space<hbm>>
          %dma_wait3A_541 = tpu.memref_squeeze %dma_wait3A_540 : memref<1x1x256x64xf32, #tpu.memory_space<hbm>> -> memref<256x64xf32, #tpu.memory_space<hbm>>
          %dma_wait3A_542 = arith.constant 0 : i32
          %dma_wait3A_543 = arith.constant 0 : i32
          %dma_wait3A_544 = tpu.memref_slice %arg6[%dma_wait3A_529, %dma_wait3A_542, %dma_wait3A_543] : memref<5x256x64xf32, #tpu.memory_space<vmem>> -> memref<1x256x64xf32, #tpu.memory_space<vmem>>
          %dma_wait3A_545 = tpu.memref_squeeze %dma_wait3A_544 : memref<1x256x64xf32, #tpu.memory_space<vmem>> -> memref<256x64xf32, #tpu.memory_space<vmem>>
          tpu.wait_dma2 semaphore(%arg13 : memref<!tpu.dma_semaphore, #tpu.memory_space<semaphore_mem>>) src(%dma_wait3A_545 : memref<256x64xf32, #tpu.memory_space<vmem>>) dst(%dma_wait3A_541 : memref<256x64xf32, #tpu.memory_space<hbm>>)
        } else {
        }
        %add3A_493 = arith.constant 5 : i32
        %add3A_494 = arith.addi %add3A_312, %add3A_493 : i32
        %sub3A_495 = arith.constant 1 : i32
        %sub3A_496 = arith.subi %add3A_494, %sub3A_495 : i32
        %mul3A_497 = arith.constant 2 : i32
        %mul3A_498 = arith.muli %mul3A_497, %sub3A_496 : i32
        %add3A_499 = arith.constant 0 : i32
        %add3A_500 = arith.addi %mul3A_498, %add3A_499 : i32
        %dma_start3A_501 = arith.constant 1 : i32
        %dma_start3A_502 = arith.constant 0 : i32
        %dma_start3A_503 = arith.constant 0 : i32
        %dma_start3A_504 = tpu.memref_slice %arg6[%dma_start3A_501, %dma_start3A_502, %dma_start3A_503] : memref<5x256x64xf32, #tpu.memory_space<vmem>> -> memref<1x128x64xf32, #tpu.memory_space<vmem>>
        %dma_start3A_505 = tpu.memref_squeeze %dma_start3A_504 : memref<1x128x64xf32, #tpu.memory_space<vmem>> -> memref<128x64xf32, #tpu.memory_space<vmem>>
        %dma_start3A_506 = arith.constant 0 : i32
        %dma_start3A_507 = tpu.memref_slice %arg5[%add3A_500, %dma_start3A_506] : memref<50x128xi32, #tpu.memory_space<vmem>> -> memref<1x128xi32, #tpu.memory_space<vmem>>
        %dma_start3A_508 = tpu.memref_squeeze %dma_start3A_507 : memref<1x128xi32, #tpu.memory_space<vmem>> -> memref<128xi32, #tpu.memory_space<vmem>>
        %dma_start3A_509 = arith.constant 0 : i32
        %dma_start3A_510 = arith.constant 0 : i32
        %dma_start3A_511 = tpu.memref_slice %arg3[%dma_start3A_509, %dma_start3A_510] : memref<100000x64xf32, #tpu.memory_space<hbm>> -> memref<100000x64xf32, #tpu.memory_space<hbm>>
        tpu.enqueue_indirect_dma source(%dma_start3A_511 : memref<100000x64xf32, #tpu.memory_space<hbm>>) target(%dma_start3A_505 : memref<128x64xf32, #tpu.memory_space<vmem>>) offsets(%dma_start3A_508 : memref<128xi32, #tpu.memory_space<vmem>>) semaphore(%arg8 : memref<!tpu.dma_semaphore, #tpu.memory_space<semaphore_mem>>)
        %mul3A_512 = arith.constant 2 : i32
        %mul3A_513 = arith.muli %mul3A_512, %sub3A_496 : i32
        %add3A_514 = arith.constant 1 : i32
        %add3A_515 = arith.addi %mul3A_513, %add3A_514 : i32
        %dma_start3A_516 = arith.constant 1 : i32
        %dma_start3A_517 = arith.constant 128 : i32
        %dma_start3A_518 = arith.constant 0 : i32
        %dma_start3A_519 = tpu.memref_slice %arg6[%dma_start3A_516, %dma_start3A_517, %dma_start3A_518] : memref<5x256x64xf32, #tpu.memory_space<vmem>> -> memref<1x128x64xf32, #tpu.memory_space<vmem>>
        %dma_start3A_520 = tpu.memref_squeeze %dma_start3A_519 : memref<1x128x64xf32, #tpu.memory_space<vmem>> -> memref<128x64xf32, #tpu.memory_space<vmem>>
        %dma_start3A_521 = arith.constant 0 : i32
        %dma_start3A_522 = tpu.memref_slice %arg5[%add3A_515, %dma_start3A_521] : memref<50x128xi32, #tpu.memory_space<vmem>> -> memref<1x128xi32, #tpu.memory_space<vmem>>
        %dma_start3A_523 = tpu.memref_squeeze %dma_start3A_522 : memref<1x128xi32, #tpu.memory_space<vmem>> -> memref<128xi32, #tpu.memory_space<vmem>>
        %dma_start3A_524 = arith.constant 0 : i32
        %dma_start3A_525 = arith.constant 0 : i32
        %dma_start3A_526 = tpu.memref_slice %arg3[%dma_start3A_524, %dma_start3A_525] : memref<100000x64xf32, #tpu.memory_space<hbm>> -> memref<100000x64xf32, #tpu.memory_space<hbm>>
        tpu.enqueue_indirect_dma source(%dma_start3A_526 : memref<100000x64xf32, #tpu.memory_space<hbm>>) target(%dma_start3A_520 : memref<128x64xf32, #tpu.memory_space<vmem>>) offsets(%dma_start3A_523 : memref<128xi32, #tpu.memory_space<vmem>>) semaphore(%arg8 : memref<!tpu.dma_semaphore, #tpu.memory_space<semaphore_mem>>)
      } else {
      }
      %mul3A_369 = arith.constant 5 : i32
      %mul3A_370 = arith.muli %scan3A_192, %mul3A_369 : i32
      %add3A_371 = arith.constant 3 : i32
      %add3A_372 = arith.addi %mul3A_370, %add3A_371 : i32
      %mul3A_373 = arith.constant 2 : i32
      %mul3A_374 = arith.muli %mul3A_373, %add3A_372 : i32
      %add3A_375 = arith.constant 0 : i32
      %add3A_376 = arith.addi %mul3A_374, %add3A_375 : i32
      %dma_wait3A_377 = arith.constant 3 : i32
      %dma_wait3A_378 = arith.constant 0 : i32
      %dma_wait3A_379 = arith.constant 0 : i32
      %dma_wait3A_380 = tpu.memref_slice %arg6[%dma_wait3A_377, %dma_wait3A_378, %dma_wait3A_379] : memref<5x256x64xf32, #tpu.memory_space<vmem>> -> memref<1x128x64xf32, #tpu.memory_space<vmem>>
      %dma_wait3A_381 = tpu.memref_squeeze %dma_wait3A_380 : memref<1x128x64xf32, #tpu.memory_space<vmem>> -> memref<128x64xf32, #tpu.memory_space<vmem>>
      %dma_wait3A_382 = arith.constant 0 : i32
      %dma_wait3A_383 = tpu.memref_slice %arg5[%add3A_376, %dma_wait3A_382] : memref<50x128xi32, #tpu.memory_space<vmem>> -> memref<1x128xi32, #tpu.memory_space<vmem>>
      %dma_wait3A_384 = tpu.memref_squeeze %dma_wait3A_383 : memref<1x128xi32, #tpu.memory_space<vmem>> -> memref<128xi32, #tpu.memory_space<vmem>>
      %dma_wait3A_385 = arith.constant 0 : i32
      %dma_wait3A_386 = arith.constant 0 : i32
      %dma_wait3A_387 = tpu.memref_slice %arg3[%dma_wait3A_385, %dma_wait3A_386] : memref<100000x64xf32, #tpu.memory_space<hbm>> -> memref<100000x64xf32, #tpu.memory_space<hbm>>
      tpu.wait_indirect_dma semaphore(%arg10 : memref<!tpu.dma_semaphore, #tpu.memory_space<semaphore_mem>>) src(%dma_wait3A_387 : memref<100000x64xf32, #tpu.memory_space<hbm>>) dst(%dma_wait3A_381 : memref<128x64xf32, #tpu.memory_space<vmem>>)
      %mul3A_388 = arith.constant 2 : i32
      %mul3A_389 = arith.muli %mul3A_388, %add3A_372 : i32
      %add3A_390 = arith.constant 1 : i32
      %add3A_391 = arith.addi %mul3A_389, %add3A_390 : i32
      %dma_wait3A_392 = arith.constant 3 : i32
      %dma_wait3A_393 = arith.constant 128 : i32
      %dma_wait3A_394 = arith.constant 0 : i32
      %dma_wait3A_395 = tpu.memref_slice %arg6[%dma_wait3A_392, %dma_wait3A_393, %dma_wait3A_394] : memref<5x256x64xf32, #tpu.memory_space<vmem>> -> memref<1x128x64xf32, #tpu.memory_space<vmem>>
      %dma_wait3A_396 = tpu.memref_squeeze %dma_wait3A_395 : memref<1x128x64xf32, #tpu.memory_space<vmem>> -> memref<128x64xf32, #tpu.memory_space<vmem>>
      %dma_wait3A_397 = arith.constant 0 : i32
      %dma_wait3A_398 = tpu.memref_slice %arg5[%add3A_391, %dma_wait3A_397] : memref<50x128xi32, #tpu.memory_space<vmem>> -> memref<1x128xi32, #tpu.memory_space<vmem>>
      %dma_wait3A_399 = tpu.memref_squeeze %dma_wait3A_398 : memref<1x128xi32, #tpu.memory_space<vmem>> -> memref<128xi32, #tpu.memory_space<vmem>>
      %dma_wait3A_400 = arith.constant 0 : i32
      %dma_wait3A_401 = arith.constant 0 : i32
      %dma_wait3A_402 = tpu.memref_slice %arg3[%dma_wait3A_400, %dma_wait3A_401] : memref<100000x64xf32, #tpu.memory_space<hbm>> -> memref<100000x64xf32, #tpu.memory_space<hbm>>
      tpu.wait_indirect_dma semaphore(%arg10 : memref<!tpu.dma_semaphore, #tpu.memory_space<semaphore_mem>>) src(%dma_wait3A_402 : memref<100000x64xf32, #tpu.memory_space<hbm>>) dst(%dma_wait3A_396 : memref<128x64xf32, #tpu.memory_space<vmem>>)
      %dma_start3A_403 = arith.constant 3 : i32
      %dma_start3A_404 = arith.constant 0 : i32
      %dma_start3A_405 = arith.constant 0 : i32
      %dma_start3A_406 = tpu.memref_slice %arg6[%dma_start3A_403, %dma_start3A_404, %dma_start3A_405] : memref<5x256x64xf32, #tpu.memory_space<vmem>> -> memref<1x256x64xf32, #tpu.memory_space<vmem>>
      %dma_start3A_407 = tpu.memref_squeeze %dma_start3A_406 : memref<1x256x64xf32, #tpu.memory_space<vmem>> -> memref<256x64xf32, #tpu.memory_space<vmem>>
      %dma_start3A_408 = arith.constant 0 : i32
      %dma_start3A_409 = arith.constant 0 : i32
      %dma_start3A_410 = tpu.memref_slice %arg4[%add3A, %add3A_372, %dma_start3A_408, %dma_start3A_409] : memref<32x25x256x64xf32, #tpu.memory_space<hbm>> -> memref<1x1x256x64xf32, #tpu.memory_space<hbm>>
      %dma_start3A_411 = tpu.memref_squeeze %dma_start3A_410 : memref<1x1x256x64xf32, #tpu.memory_space<hbm>> -> memref<256x64xf32, #tpu.memory_space<hbm>>
      %dma_start3A_412 = arith.constant 0 : i32
      %dma_start3A_413 = arith.constant 0 : i32
      %dma_start3A_414 = tpu.memref_slice %arg4[%add3A, %add3A_372, %dma_start3A_412, %dma_start3A_413] : memref<32x25x256x64xf32, #tpu.memory_space<hbm>> -> memref<1x1x256x64xf32, #tpu.memory_space<hbm>>
      %dma_start3A_415 = tpu.memref_squeeze %dma_start3A_414 : memref<1x1x256x64xf32, #tpu.memory_space<hbm>> -> memref<256x64xf32, #tpu.memory_space<hbm>>
      %dma_start3A_416 = arith.constant 0 : i32
      %dma_start3A_417 = arith.constant 0 : i32
      %dma_start3A_418 = tpu.memref_slice %arg6[%dma_start3A_403, %dma_start3A_416, %dma_start3A_417] : memref<5x256x64xf32, #tpu.memory_space<vmem>> -> memref<1x256x64xf32, #tpu.memory_space<vmem>>
      %dma_start3A_419 = tpu.memref_squeeze %dma_start3A_418 : memref<1x256x64xf32, #tpu.memory_space<vmem>> -> memref<256x64xf32, #tpu.memory_space<vmem>>
      tpu.enqueue_dma source(%dma_start3A_419 : memref<256x64xf32, #tpu.memory_space<vmem>>) target(%dma_start3A_415 : memref<256x64xf32, #tpu.memory_space<hbm>>) target_semaphore(%arg15 : memref<!tpu.dma_semaphore, #tpu.memory_space<semaphore_mem>>)
      %add3A_420 = arith.constant 5 : i32
      %add3A_421 = arith.addi %add3A_372, %add3A_420 : i32
      %sub3A_422 = arith.constant 1 : i32
      %sub3A_423 = arith.subi %add3A_421, %sub3A_422 : i32
      %lt3A_424 = arith.constant 25 : i32
      %lt3A_425 = arith.cmpi slt, %sub3A_423, %lt3A_424 : i32
      %convert_element_type3A_426 = arith.extui %lt3A_425 : i1 to i32
      %cond3A_427 = arith.constant 0 : i32
      %cond3A_428 = arith.cmpi ne, %convert_element_type3A_426, %cond3A_427 : i32
      scf.if %cond3A_428 {
        %ge3A = arith.constant 1 : i32
        %ge3A_489 = arith.cmpi sge, %add3A_372, %ge3A : i32
        %convert_element_type3A_490 = arith.extui %ge3A_489 : i1 to i32
        %cond3A_491 = arith.constant 0 : i32
        %cond3A_492 = arith.cmpi ne, %convert_element_type3A_490, %cond3A_491 : i32
        scf.if %cond3A_492 {
          %sub3A_527 = arith.constant 1 : i32
          %sub3A_528 = arith.subi %add3A_372, %sub3A_527 : i32
          %dma_wait3A_529 = arith.constant 2 : i32
          %dma_wait3A_530 = arith.constant 0 : i32
          %dma_wait3A_531 = arith.constant 0 : i32
          %dma_wait3A_532 = tpu.memref_slice %arg6[%dma_wait3A_529, %dma_wait3A_530, %dma_wait3A_531] : memref<5x256x64xf32, #tpu.memory_space<vmem>> -> memref<1x256x64xf32, #tpu.memory_space<vmem>>
          %dma_wait3A_533 = tpu.memref_squeeze %dma_wait3A_532 : memref<1x256x64xf32, #tpu.memory_space<vmem>> -> memref<256x64xf32, #tpu.memory_space<vmem>>
          %dma_wait3A_534 = arith.constant 0 : i32
          %dma_wait3A_535 = arith.constant 0 : i32
          %dma_wait3A_536 = tpu.memref_slice %arg4[%add3A, %sub3A_528, %dma_wait3A_534, %dma_wait3A_535] : memref<32x25x256x64xf32, #tpu.memory_space<hbm>> -> memref<1x1x256x64xf32, #tpu.memory_space<hbm>>
          %dma_wait3A_537 = tpu.memref_squeeze %dma_wait3A_536 : memref<1x1x256x64xf32, #tpu.memory_space<hbm>> -> memref<256x64xf32, #tpu.memory_space<hbm>>
          %dma_wait3A_538 = arith.constant 0 : i32
          %dma_wait3A_539 = arith.constant 0 : i32
          %dma_wait3A_540 = tpu.memref_slice %arg4[%add3A, %sub3A_528, %dma_wait3A_538, %dma_wait3A_539] : memref<32x25x256x64xf32, #tpu.memory_space<hbm>> -> memref<1x1x256x64xf32, #tpu.memory_space<hbm>>
          %dma_wait3A_541 = tpu.memref_squeeze %dma_wait3A_540 : memref<1x1x256x64xf32, #tpu.memory_space<hbm>> -> memref<256x64xf32, #tpu.memory_space<hbm>>
          %dma_wait3A_542 = arith.constant 0 : i32
          %dma_wait3A_543 = arith.constant 0 : i32
          %dma_wait3A_544 = tpu.memref_slice %arg6[%dma_wait3A_529, %dma_wait3A_542, %dma_wait3A_543] : memref<5x256x64xf32, #tpu.memory_space<vmem>> -> memref<1x256x64xf32, #tpu.memory_space<vmem>>
          %dma_wait3A_545 = tpu.memref_squeeze %dma_wait3A_544 : memref<1x256x64xf32, #tpu.memory_space<vmem>> -> memref<256x64xf32, #tpu.memory_space<vmem>>
          tpu.wait_dma2 semaphore(%arg14 : memref<!tpu.dma_semaphore, #tpu.memory_space<semaphore_mem>>) src(%dma_wait3A_545 : memref<256x64xf32, #tpu.memory_space<vmem>>) dst(%dma_wait3A_541 : memref<256x64xf32, #tpu.memory_space<hbm>>)
        } else {
        }
        %add3A_493 = arith.constant 5 : i32
        %add3A_494 = arith.addi %add3A_372, %add3A_493 : i32
        %sub3A_495 = arith.constant 1 : i32
        %sub3A_496 = arith.subi %add3A_494, %sub3A_495 : i32
        %mul3A_497 = arith.constant 2 : i32
        %mul3A_498 = arith.muli %mul3A_497, %sub3A_496 : i32
        %add3A_499 = arith.constant 0 : i32
        %add3A_500 = arith.addi %mul3A_498, %add3A_499 : i32
        %dma_start3A_501 = arith.constant 2 : i32
        %dma_start3A_502 = arith.constant 0 : i32
        %dma_start3A_503 = arith.constant 0 : i32
        %dma_start3A_504 = tpu.memref_slice %arg6[%dma_start3A_501, %dma_start3A_502, %dma_start3A_503] : memref<5x256x64xf32, #tpu.memory_space<vmem>> -> memref<1x128x64xf32, #tpu.memory_space<vmem>>
        %dma_start3A_505 = tpu.memref_squeeze %dma_start3A_504 : memref<1x128x64xf32, #tpu.memory_space<vmem>> -> memref<128x64xf32, #tpu.memory_space<vmem>>
        %dma_start3A_506 = arith.constant 0 : i32
        %dma_start3A_507 = tpu.memref_slice %arg5[%add3A_500, %dma_start3A_506] : memref<50x128xi32, #tpu.memory_space<vmem>> -> memref<1x128xi32, #tpu.memory_space<vmem>>
        %dma_start3A_508 = tpu.memref_squeeze %dma_start3A_507 : memref<1x128xi32, #tpu.memory_space<vmem>> -> memref<128xi32, #tpu.memory_space<vmem>>
        %dma_start3A_509 = arith.constant 0 : i32
        %dma_start3A_510 = arith.constant 0 : i32
        %dma_start3A_511 = tpu.memref_slice %arg3[%dma_start3A_509, %dma_start3A_510] : memref<100000x64xf32, #tpu.memory_space<hbm>> -> memref<100000x64xf32, #tpu.memory_space<hbm>>
        tpu.enqueue_indirect_dma source(%dma_start3A_511 : memref<100000x64xf32, #tpu.memory_space<hbm>>) target(%dma_start3A_505 : memref<128x64xf32, #tpu.memory_space<vmem>>) offsets(%dma_start3A_508 : memref<128xi32, #tpu.memory_space<vmem>>) semaphore(%arg9 : memref<!tpu.dma_semaphore, #tpu.memory_space<semaphore_mem>>)
        %mul3A_512 = arith.constant 2 : i32
        %mul3A_513 = arith.muli %mul3A_512, %sub3A_496 : i32
        %add3A_514 = arith.constant 1 : i32
        %add3A_515 = arith.addi %mul3A_513, %add3A_514 : i32
        %dma_start3A_516 = arith.constant 2 : i32
        %dma_start3A_517 = arith.constant 128 : i32
        %dma_start3A_518 = arith.constant 0 : i32
        %dma_start3A_519 = tpu.memref_slice %arg6[%dma_start3A_516, %dma_start3A_517, %dma_start3A_518] : memref<5x256x64xf32, #tpu.memory_space<vmem>> -> memref<1x128x64xf32, #tpu.memory_space<vmem>>
        %dma_start3A_520 = tpu.memref_squeeze %dma_start3A_519 : memref<1x128x64xf32, #tpu.memory_space<vmem>> -> memref<128x64xf32, #tpu.memory_space<vmem>>
        %dma_start3A_521 = arith.constant 0 : i32
        %dma_start3A_522 = tpu.memref_slice %arg5[%add3A_515, %dma_start3A_521] : memref<50x128xi32, #tpu.memory_space<vmem>> -> memref<1x128xi32, #tpu.memory_space<vmem>>
        %dma_start3A_523 = tpu.memref_squeeze %dma_start3A_522 : memref<1x128xi32, #tpu.memory_space<vmem>> -> memref<128xi32, #tpu.memory_space<vmem>>
        %dma_start3A_524 = arith.constant 0 : i32
        %dma_start3A_525 = arith.constant 0 : i32
        %dma_start3A_526 = tpu.memref_slice %arg3[%dma_start3A_524, %dma_start3A_525] : memref<100000x64xf32, #tpu.memory_space<hbm>> -> memref<100000x64xf32, #tpu.memory_space<hbm>>
        tpu.enqueue_indirect_dma source(%dma_start3A_526 : memref<100000x64xf32, #tpu.memory_space<hbm>>) target(%dma_start3A_520 : memref<128x64xf32, #tpu.memory_space<vmem>>) offsets(%dma_start3A_523 : memref<128xi32, #tpu.memory_space<vmem>>) semaphore(%arg9 : memref<!tpu.dma_semaphore, #tpu.memory_space<semaphore_mem>>)
      } else {
      }
      %mul3A_429 = arith.constant 5 : i32
      %mul3A_430 = arith.muli %scan3A_192, %mul3A_429 : i32
      %add3A_431 = arith.constant 4 : i32
      %add3A_432 = arith.addi %mul3A_430, %add3A_431 : i32
      %mul3A_433 = arith.constant 2 : i32
      %mul3A_434 = arith.muli %mul3A_433, %add3A_432 : i32
      %add3A_435 = arith.constant 0 : i32
      %add3A_436 = arith.addi %mul3A_434, %add3A_435 : i32
      %dma_wait3A_437 = arith.constant 4 : i32
      %dma_wait3A_438 = arith.constant 0 : i32
      %dma_wait3A_439 = arith.constant 0 : i32
      %dma_wait3A_440 = tpu.memref_slice %arg6[%dma_wait3A_437, %dma_wait3A_438, %dma_wait3A_439] : memref<5x256x64xf32, #tpu.memory_space<vmem>> -> memref<1x128x64xf32, #tpu.memory_space<vmem>>
      %dma_wait3A_441 = tpu.memref_squeeze %dma_wait3A_440 : memref<1x128x64xf32, #tpu.memory_space<vmem>> -> memref<128x64xf32, #tpu.memory_space<vmem>>
      %dma_wait3A_442 = arith.constant 0 : i32
      %dma_wait3A_443 = tpu.memref_slice %arg5[%add3A_436, %dma_wait3A_442] : memref<50x128xi32, #tpu.memory_space<vmem>> -> memref<1x128xi32, #tpu.memory_space<vmem>>
      %dma_wait3A_444 = tpu.memref_squeeze %dma_wait3A_443 : memref<1x128xi32, #tpu.memory_space<vmem>> -> memref<128xi32, #tpu.memory_space<vmem>>
      %dma_wait3A_445 = arith.constant 0 : i32
      %dma_wait3A_446 = arith.constant 0 : i32
      %dma_wait3A_447 = tpu.memref_slice %arg3[%dma_wait3A_445, %dma_wait3A_446] : memref<100000x64xf32, #tpu.memory_space<hbm>> -> memref<100000x64xf32, #tpu.memory_space<hbm>>
      tpu.wait_indirect_dma semaphore(%arg11 : memref<!tpu.dma_semaphore, #tpu.memory_space<semaphore_mem>>) src(%dma_wait3A_447 : memref<100000x64xf32, #tpu.memory_space<hbm>>) dst(%dma_wait3A_441 : memref<128x64xf32, #tpu.memory_space<vmem>>)
      %mul3A_448 = arith.constant 2 : i32
      %mul3A_449 = arith.muli %mul3A_448, %add3A_432 : i32
      %add3A_450 = arith.constant 1 : i32
      %add3A_451 = arith.addi %mul3A_449, %add3A_450 : i32
      %dma_wait3A_452 = arith.constant 4 : i32
      %dma_wait3A_453 = arith.constant 128 : i32
      %dma_wait3A_454 = arith.constant 0 : i32
      %dma_wait3A_455 = tpu.memref_slice %arg6[%dma_wait3A_452, %dma_wait3A_453, %dma_wait3A_454] : memref<5x256x64xf32, #tpu.memory_space<vmem>> -> memref<1x128x64xf32, #tpu.memory_space<vmem>>
      %dma_wait3A_456 = tpu.memref_squeeze %dma_wait3A_455 : memref<1x128x64xf32, #tpu.memory_space<vmem>> -> memref<128x64xf32, #tpu.memory_space<vmem>>
      %dma_wait3A_457 = arith.constant 0 : i32
      %dma_wait3A_458 = tpu.memref_slice %arg5[%add3A_451, %dma_wait3A_457] : memref<50x128xi32, #tpu.memory_space<vmem>> -> memref<1x128xi32, #tpu.memory_space<vmem>>
      %dma_wait3A_459 = tpu.memref_squeeze %dma_wait3A_458 : memref<1x128xi32, #tpu.memory_space<vmem>> -> memref<128xi32, #tpu.memory_space<vmem>>
      %dma_wait3A_460 = arith.constant 0 : i32
      %dma_wait3A_461 = arith.constant 0 : i32
      %dma_wait3A_462 = tpu.memref_slice %arg3[%dma_wait3A_460, %dma_wait3A_461] : memref<100000x64xf32, #tpu.memory_space<hbm>> -> memref<100000x64xf32, #tpu.memory_space<hbm>>
      tpu.wait_indirect_dma semaphore(%arg11 : memref<!tpu.dma_semaphore, #tpu.memory_space<semaphore_mem>>) src(%dma_wait3A_462 : memref<100000x64xf32, #tpu.memory_space<hbm>>) dst(%dma_wait3A_456 : memref<128x64xf32, #tpu.memory_space<vmem>>)
      %dma_start3A_463 = arith.constant 4 : i32
      %dma_start3A_464 = arith.constant 0 : i32
      %dma_start3A_465 = arith.constant 0 : i32
      %dma_start3A_466 = tpu.memref_slice %arg6[%dma_start3A_463, %dma_start3A_464, %dma_start3A_465] : memref<5x256x64xf32, #tpu.memory_space<vmem>> -> memref<1x256x64xf32, #tpu.memory_space<vmem>>
      %dma_start3A_467 = tpu.memref_squeeze %dma_start3A_466 : memref<1x256x64xf32, #tpu.memory_space<vmem>> -> memref<256x64xf32, #tpu.memory_space<vmem>>
      %dma_start3A_468 = arith.constant 0 : i32
      %dma_start3A_469 = arith.constant 0 : i32
      %dma_start3A_470 = tpu.memref_slice %arg4[%add3A, %add3A_432, %dma_start3A_468, %dma_start3A_469] : memref<32x25x256x64xf32, #tpu.memory_space<hbm>> -> memref<1x1x256x64xf32, #tpu.memory_space<hbm>>
      %dma_start3A_471 = tpu.memref_squeeze %dma_start3A_470 : memref<1x1x256x64xf32, #tpu.memory_space<hbm>> -> memref<256x64xf32, #tpu.memory_space<hbm>>
      %dma_start3A_472 = arith.constant 0 : i32
      %dma_start3A_473 = arith.constant 0 : i32
      %dma_start3A_474 = tpu.memref_slice %arg4[%add3A, %add3A_432, %dma_start3A_472, %dma_start3A_473] : memref<32x25x256x64xf32, #tpu.memory_space<hbm>> -> memref<1x1x256x64xf32, #tpu.memory_space<hbm>>
      %dma_start3A_475 = tpu.memref_squeeze %dma_start3A_474 : memref<1x1x256x64xf32, #tpu.memory_space<hbm>> -> memref<256x64xf32, #tpu.memory_space<hbm>>
      %dma_start3A_476 = arith.constant 0 : i32
      %dma_start3A_477 = arith.constant 0 : i32
      %dma_start3A_478 = tpu.memref_slice %arg6[%dma_start3A_463, %dma_start3A_476, %dma_start3A_477] : memref<5x256x64xf32, #tpu.memory_space<vmem>> -> memref<1x256x64xf32, #tpu.memory_space<vmem>>
      %dma_start3A_479 = tpu.memref_squeeze %dma_start3A_478 : memref<1x256x64xf32, #tpu.memory_space<vmem>> -> memref<256x64xf32, #tpu.memory_space<vmem>>
      tpu.enqueue_dma source(%dma_start3A_479 : memref<256x64xf32, #tpu.memory_space<vmem>>) target(%dma_start3A_475 : memref<256x64xf32, #tpu.memory_space<hbm>>) target_semaphore(%arg16 : memref<!tpu.dma_semaphore, #tpu.memory_space<semaphore_mem>>)
      %add3A_480 = arith.constant 5 : i32
      %add3A_481 = arith.addi %add3A_432, %add3A_480 : i32
      %sub3A_482 = arith.constant 1 : i32
      %sub3A_483 = arith.subi %add3A_481, %sub3A_482 : i32
      %lt3A_484 = arith.constant 25 : i32
      %lt3A_485 = arith.cmpi slt, %sub3A_483, %lt3A_484 : i32
      %convert_element_type3A_486 = arith.extui %lt3A_485 : i1 to i32
      %cond3A_487 = arith.constant 0 : i32
      %cond3A_488 = arith.cmpi ne, %convert_element_type3A_486, %cond3A_487 : i32
      scf.if %cond3A_488 {
        %ge3A = arith.constant 1 : i32
        %ge3A_489 = arith.cmpi sge, %add3A_432, %ge3A : i32
        %convert_element_type3A_490 = arith.extui %ge3A_489 : i1 to i32
        %cond3A_491 = arith.constant 0 : i32
        %cond3A_492 = arith.cmpi ne, %convert_element_type3A_490, %cond3A_491 : i32
        scf.if %cond3A_492 {
          %sub3A_527 = arith.constant 1 : i32
          %sub3A_528 = arith.subi %add3A_432, %sub3A_527 : i32
          %dma_wait3A_529 = arith.constant 3 : i32
          %dma_wait3A_530 = arith.constant 0 : i32
          %dma_wait3A_531 = arith.constant 0 : i32
          %dma_wait3A_532 = tpu.memref_slice %arg6[%dma_wait3A_529, %dma_wait3A_530, %dma_wait3A_531] : memref<5x256x64xf32, #tpu.memory_space<vmem>> -> memref<1x256x64xf32, #tpu.memory_space<vmem>>
          %dma_wait3A_533 = tpu.memref_squeeze %dma_wait3A_532 : memref<1x256x64xf32, #tpu.memory_space<vmem>> -> memref<256x64xf32, #tpu.memory_space<vmem>>
          %dma_wait3A_534 = arith.constant 0 : i32
          %dma_wait3A_535 = arith.constant 0 : i32
          %dma_wait3A_536 = tpu.memref_slice %arg4[%add3A, %sub3A_528, %dma_wait3A_534, %dma_wait3A_535] : memref<32x25x256x64xf32, #tpu.memory_space<hbm>> -> memref<1x1x256x64xf32, #tpu.memory_space<hbm>>
          %dma_wait3A_537 = tpu.memref_squeeze %dma_wait3A_536 : memref<1x1x256x64xf32, #tpu.memory_space<hbm>> -> memref<256x64xf32, #tpu.memory_space<hbm>>
          %dma_wait3A_538 = arith.constant 0 : i32
          %dma_wait3A_539 = arith.constant 0 : i32
          %dma_wait3A_540 = tpu.memref_slice %arg4[%add3A, %sub3A_528, %dma_wait3A_538, %dma_wait3A_539] : memref<32x25x256x64xf32, #tpu.memory_space<hbm>> -> memref<1x1x256x64xf32, #tpu.memory_space<hbm>>
          %dma_wait3A_541 = tpu.memref_squeeze %dma_wait3A_540 : memref<1x1x256x64xf32, #tpu.memory_space<hbm>> -> memref<256x64xf32, #tpu.memory_space<hbm>>
          %dma_wait3A_542 = arith.constant 0 : i32
          %dma_wait3A_543 = arith.constant 0 : i32
          %dma_wait3A_544 = tpu.memref_slice %arg6[%dma_wait3A_529, %dma_wait3A_542, %dma_wait3A_543] : memref<5x256x64xf32, #tpu.memory_space<vmem>> -> memref<1x256x64xf32, #tpu.memory_space<vmem>>
          %dma_wait3A_545 = tpu.memref_squeeze %dma_wait3A_544 : memref<1x256x64xf32, #tpu.memory_space<vmem>> -> memref<256x64xf32, #tpu.memory_space<vmem>>
          tpu.wait_dma2 semaphore(%arg15 : memref<!tpu.dma_semaphore, #tpu.memory_space<semaphore_mem>>) src(%dma_wait3A_545 : memref<256x64xf32, #tpu.memory_space<vmem>>) dst(%dma_wait3A_541 : memref<256x64xf32, #tpu.memory_space<hbm>>)
        } else {
        }
        %add3A_493 = arith.constant 5 : i32
        %add3A_494 = arith.addi %add3A_432, %add3A_493 : i32
        %sub3A_495 = arith.constant 1 : i32
        %sub3A_496 = arith.subi %add3A_494, %sub3A_495 : i32
        %mul3A_497 = arith.constant 2 : i32
        %mul3A_498 = arith.muli %mul3A_497, %sub3A_496 : i32
        %add3A_499 = arith.constant 0 : i32
        %add3A_500 = arith.addi %mul3A_498, %add3A_499 : i32
        %dma_start3A_501 = arith.constant 3 : i32
        %dma_start3A_502 = arith.constant 0 : i32
        %dma_start3A_503 = arith.constant 0 : i32
        %dma_start3A_504 = tpu.memref_slice %arg6[%dma_start3A_501, %dma_start3A_502, %dma_start3A_503] : memref<5x256x64xf32, #tpu.memory_space<vmem>> -> memref<1x128x64xf32, #tpu.memory_space<vmem>>
        %dma_start3A_505 = tpu.memref_squeeze %dma_start3A_504 : memref<1x128x64xf32, #tpu.memory_space<vmem>> -> memref<128x64xf32, #tpu.memory_space<vmem>>
        %dma_start3A_506 = arith.constant 0 : i32
        %dma_start3A_507 = tpu.memref_slice %arg5[%add3A_500, %dma_start3A_506] : memref<50x128xi32, #tpu.memory_space<vmem>> -> memref<1x128xi32, #tpu.memory_space<vmem>>
        %dma_start3A_508 = tpu.memref_squeeze %dma_start3A_507 : memref<1x128xi32, #tpu.memory_space<vmem>> -> memref<128xi32, #tpu.memory_space<vmem>>
        %dma_start3A_509 = arith.constant 0 : i32
        %dma_start3A_510 = arith.constant 0 : i32
        %dma_start3A_511 = tpu.memref_slice %arg3[%dma_start3A_509, %dma_start3A_510] : memref<100000x64xf32, #tpu.memory_space<hbm>> -> memref<100000x64xf32, #tpu.memory_space<hbm>>
        tpu.enqueue_indirect_dma source(%dma_start3A_511 : memref<100000x64xf32, #tpu.memory_space<hbm>>) target(%dma_start3A_505 : memref<128x64xf32, #tpu.memory_space<vmem>>) offsets(%dma_start3A_508 : memref<128xi32, #tpu.memory_space<vmem>>) semaphore(%arg10 : memref<!tpu.dma_semaphore, #tpu.memory_space<semaphore_mem>>)
        %mul3A_512 = arith.constant 2 : i32
        %mul3A_513 = arith.muli %mul3A_512, %sub3A_496 : i32
        %add3A_514 = arith.constant 1 : i32
        %add3A_515 = arith.addi %mul3A_513, %add3A_514 : i32
        %dma_start3A_516 = arith.constant 3 : i32
        %dma_start3A_517 = arith.constant 128 : i32
        %dma_start3A_518 = arith.constant 0 : i32
        %dma_start3A_519 = tpu.memref_slice %arg6[%dma_start3A_516, %dma_start3A_517, %dma_start3A_518] : memref<5x256x64xf32, #tpu.memory_space<vmem>> -> memref<1x128x64xf32, #tpu.memory_space<vmem>>
        %dma_start3A_520 = tpu.memref_squeeze %dma_start3A_519 : memref<1x128x64xf32, #tpu.memory_space<vmem>> -> memref<128x64xf32, #tpu.memory_space<vmem>>
        %dma_start3A_521 = arith.constant 0 : i32
        %dma_start3A_522 = tpu.memref_slice %arg5[%add3A_515, %dma_start3A_521] : memref<50x128xi32, #tpu.memory_space<vmem>> -> memref<1x128xi32, #tpu.memory_space<vmem>>
        %dma_start3A_523 = tpu.memref_squeeze %dma_start3A_522 : memref<1x128xi32, #tpu.memory_space<vmem>> -> memref<128xi32, #tpu.memory_space<vmem>>
        %dma_start3A_524 = arith.constant 0 : i32
        %dma_start3A_525 = arith.constant 0 : i32
        %dma_start3A_526 = tpu.memref_slice %arg3[%dma_start3A_524, %dma_start3A_525] : memref<100000x64xf32, #tpu.memory_space<hbm>> -> memref<100000x64xf32, #tpu.memory_space<hbm>>
        tpu.enqueue_indirect_dma source(%dma_start3A_526 : memref<100000x64xf32, #tpu.memory_space<hbm>>) target(%dma_start3A_520 : memref<128x64xf32, #tpu.memory_space<vmem>>) offsets(%dma_start3A_523 : memref<128xi32, #tpu.memory_space<vmem>>) semaphore(%arg10 : memref<!tpu.dma_semaphore, #tpu.memory_space<semaphore_mem>>)
      } else {
      }
    }
    %scan3A_102 = arith.constant 5 : i32
    %dma_wait3A = arith.constant 0 : i32
    %dma_wait3A_103 = arith.constant 20 : i32
    %dma_wait3A_104 = arith.constant 0 : i32
    %dma_wait3A_105 = arith.constant 0 : i32
    %dma_wait3A_106 = tpu.memref_slice %arg6[%dma_wait3A, %dma_wait3A_104, %dma_wait3A_105] : memref<5x256x64xf32, #tpu.memory_space<vmem>> -> memref<1x256x64xf32, #tpu.memory_space<vmem>>
    %dma_wait3A_107 = tpu.memref_squeeze %dma_wait3A_106 : memref<1x256x64xf32, #tpu.memory_space<vmem>> -> memref<256x64xf32, #tpu.memory_space<vmem>>
    %dma_wait3A_108 = arith.constant 0 : i32
    %dma_wait3A_109 = arith.constant 0 : i32
    %dma_wait3A_110 = tpu.memref_slice %arg4[%add3A, %dma_wait3A_103, %dma_wait3A_108, %dma_wait3A_109] : memref<32x25x256x64xf32, #tpu.memory_space<hbm>> -> memref<1x1x256x64xf32, #tpu.memory_space<hbm>>
    %dma_wait3A_111 = tpu.memref_squeeze %dma_wait3A_110 : memref<1x1x256x64xf32, #tpu.memory_space<hbm>> -> memref<256x64xf32, #tpu.memory_space<hbm>>
    %dma_wait3A_112 = arith.constant 0 : i32
    %dma_wait3A_113 = arith.constant 0 : i32
    %dma_wait3A_114 = tpu.memref_slice %arg4[%add3A, %dma_wait3A_103, %dma_wait3A_112, %dma_wait3A_113] : memref<32x25x256x64xf32, #tpu.memory_space<hbm>> -> memref<1x1x256x64xf32, #tpu.memory_space<hbm>>
    %dma_wait3A_115 = tpu.memref_squeeze %dma_wait3A_114 : memref<1x1x256x64xf32, #tpu.memory_space<hbm>> -> memref<256x64xf32, #tpu.memory_space<hbm>>
    %dma_wait3A_116 = arith.constant 0 : i32
    %dma_wait3A_117 = arith.constant 0 : i32
    %dma_wait3A_118 = tpu.memref_slice %arg6[%dma_wait3A, %dma_wait3A_116, %dma_wait3A_117] : memref<5x256x64xf32, #tpu.memory_space<vmem>> -> memref<1x256x64xf32, #tpu.memory_space<vmem>>
    %dma_wait3A_119 = tpu.memref_squeeze %dma_wait3A_118 : memref<1x256x64xf32, #tpu.memory_space<vmem>> -> memref<256x64xf32, #tpu.memory_space<vmem>>
    tpu.wait_dma2 semaphore(%arg12 : memref<!tpu.dma_semaphore, #tpu.memory_space<semaphore_mem>>) src(%dma_wait3A_119 : memref<256x64xf32, #tpu.memory_space<vmem>>) dst(%dma_wait3A_115 : memref<256x64xf32, #tpu.memory_space<hbm>>)
    %dma_wait3A_120 = arith.constant 1 : i32
    %dma_wait3A_121 = arith.constant 21 : i32
    %dma_wait3A_122 = arith.constant 0 : i32
    %dma_wait3A_123 = arith.constant 0 : i32
    %dma_wait3A_124 = tpu.memref_slice %arg6[%dma_wait3A_120, %dma_wait3A_122, %dma_wait3A_123] : memref<5x256x64xf32, #tpu.memory_space<vmem>> -> memref<1x256x64xf32, #tpu.memory_space<vmem>>
    %dma_wait3A_125 = tpu.memref_squeeze %dma_wait3A_124 : memref<1x256x64xf32, #tpu.memory_space<vmem>> -> memref<256x64xf32, #tpu.memory_space<vmem>>
    %dma_wait3A_126 = arith.constant 0 : i32
    %dma_wait3A_127 = arith.constant 0 : i32
    %dma_wait3A_128 = tpu.memref_slice %arg4[%add3A, %dma_wait3A_121, %dma_wait3A_126, %dma_wait3A_127] : memref<32x25x256x64xf32, #tpu.memory_space<hbm>> -> memref<1x1x256x64xf32, #tpu.memory_space<hbm>>
    %dma_wait3A_129 = tpu.memref_squeeze %dma_wait3A_128 : memref<1x1x256x64xf32, #tpu.memory_space<hbm>> -> memref<256x64xf32, #tpu.memory_space<hbm>>
    %dma_wait3A_130 = arith.constant 0 : i32
    %dma_wait3A_131 = arith.constant 0 : i32
    %dma_wait3A_132 = tpu.memref_slice %arg4[%add3A, %dma_wait3A_121, %dma_wait3A_130, %dma_wait3A_131] : memref<32x25x256x64xf32, #tpu.memory_space<hbm>> -> memref<1x1x256x64xf32, #tpu.memory_space<hbm>>
    %dma_wait3A_133 = tpu.memref_squeeze %dma_wait3A_132 : memref<1x1x256x64xf32, #tpu.memory_space<hbm>> -> memref<256x64xf32, #tpu.memory_space<hbm>>
    %dma_wait3A_134 = arith.constant 0 : i32
    %dma_wait3A_135 = arith.constant 0 : i32
    %dma_wait3A_136 = tpu.memref_slice %arg6[%dma_wait3A_120, %dma_wait3A_134, %dma_wait3A_135] : memref<5x256x64xf32, #tpu.memory_space<vmem>> -> memref<1x256x64xf32, #tpu.memory_space<vmem>>
    %dma_wait3A_137 = tpu.memref_squeeze %dma_wait3A_136 : memref<1x256x64xf32, #tpu.memory_space<vmem>> -> memref<256x64xf32, #tpu.memory_space<vmem>>
    tpu.wait_dma2 semaphore(%arg13 : memref<!tpu.dma_semaphore, #tpu.memory_space<semaphore_mem>>) src(%dma_wait3A_137 : memref<256x64xf32, #tpu.memory_space<vmem>>) dst(%dma_wait3A_133 : memref<256x64xf32, #tpu.memory_space<hbm>>)
    %dma_wait3A_138 = arith.constant 2 : i32
    %dma_wait3A_139 = arith.constant 22 : i32
    %dma_wait3A_140 = arith.constant 0 : i32
    %dma_wait3A_141 = arith.constant 0 : i32
    %dma_wait3A_142 = tpu.memref_slice %arg6[%dma_wait3A_138, %dma_wait3A_140, %dma_wait3A_141] : memref<5x256x64xf32, #tpu.memory_space<vmem>> -> memref<1x256x64xf32, #tpu.memory_space<vmem>>
    %dma_wait3A_143 = tpu.memref_squeeze %dma_wait3A_142 : memref<1x256x64xf32, #tpu.memory_space<vmem>> -> memref<256x64xf32, #tpu.memory_space<vmem>>
    %dma_wait3A_144 = arith.constant 0 : i32
    %dma_wait3A_145 = arith.constant 0 : i32
    %dma_wait3A_146 = tpu.memref_slice %arg4[%add3A, %dma_wait3A_139, %dma_wait3A_144, %dma_wait3A_145] : memref<32x25x256x64xf32, #tpu.memory_space<hbm>> -> memref<1x1x256x64xf32, #tpu.memory_space<hbm>>
    %dma_wait3A_147 = tpu.memref_squeeze %dma_wait3A_146 : memref<1x1x256x64xf32, #tpu.memory_space<hbm>> -> memref<256x64xf32, #tpu.memory_space<hbm>>
    %dma_wait3A_148 = arith.constant 0 : i32
    %dma_wait3A_149 = arith.constant 0 : i32
    %dma_wait3A_150 = tpu.memref_slice %arg4[%add3A, %dma_wait3A_139, %dma_wait3A_148, %dma_wait3A_149] : memref<32x25x256x64xf32, #tpu.memory_space<hbm>> -> memref<1x1x256x64xf32, #tpu.memory_space<hbm>>
    %dma_wait3A_151 = tpu.memref_squeeze %dma_wait3A_150 : memref<1x1x256x64xf32, #tpu.memory_space<hbm>> -> memref<256x64xf32, #tpu.memory_space<hbm>>
    %dma_wait3A_152 = arith.constant 0 : i32
    %dma_wait3A_153 = arith.constant 0 : i32
    %dma_wait3A_154 = tpu.memref_slice %arg6[%dma_wait3A_138, %dma_wait3A_152, %dma_wait3A_153] : memref<5x256x64xf32, #tpu.memory_space<vmem>> -> memref<1x256x64xf32, #tpu.memory_space<vmem>>
    %dma_wait3A_155 = tpu.memref_squeeze %dma_wait3A_154 : memref<1x256x64xf32, #tpu.memory_space<vmem>> -> memref<256x64xf32, #tpu.memory_space<vmem>>
    tpu.wait_dma2 semaphore(%arg14 : memref<!tpu.dma_semaphore, #tpu.memory_space<semaphore_mem>>) src(%dma_wait3A_155 : memref<256x64xf32, #tpu.memory_space<vmem>>) dst(%dma_wait3A_151 : memref<256x64xf32, #tpu.memory_space<hbm>>)
    %dma_wait3A_156 = arith.constant 3 : i32
    %dma_wait3A_157 = arith.constant 23 : i32
    %dma_wait3A_158 = arith.constant 0 : i32
    %dma_wait3A_159 = arith.constant 0 : i32
    %dma_wait3A_160 = tpu.memref_slice %arg6[%dma_wait3A_156, %dma_wait3A_158, %dma_wait3A_159] : memref<5x256x64xf32, #tpu.memory_space<vmem>> -> memref<1x256x64xf32, #tpu.memory_space<vmem>>
    %dma_wait3A_161 = tpu.memref_squeeze %dma_wait3A_160 : memref<1x256x64xf32, #tpu.memory_space<vmem>> -> memref<256x64xf32, #tpu.memory_space<vmem>>
    %dma_wait3A_162 = arith.constant 0 : i32
    %dma_wait3A_163 = arith.constant 0 : i32
    %dma_wait3A_164 = tpu.memref_slice %arg4[%add3A, %dma_wait3A_157, %dma_wait3A_162, %dma_wait3A_163] : memref<32x25x256x64xf32, #tpu.memory_space<hbm>> -> memref<1x1x256x64xf32, #tpu.memory_space<hbm>>
    %dma_wait3A_165 = tpu.memref_squeeze %dma_wait3A_164 : memref<1x1x256x64xf32, #tpu.memory_space<hbm>> -> memref<256x64xf32, #tpu.memory_space<hbm>>
    %dma_wait3A_166 = arith.constant 0 : i32
    %dma_wait3A_167 = arith.constant 0 : i32
    %dma_wait3A_168 = tpu.memref_slice %arg4[%add3A, %dma_wait3A_157, %dma_wait3A_166, %dma_wait3A_167] : memref<32x25x256x64xf32, #tpu.memory_space<hbm>> -> memref<1x1x256x64xf32, #tpu.memory_space<hbm>>
    %dma_wait3A_169 = tpu.memref_squeeze %dma_wait3A_168 : memref<1x1x256x64xf32, #tpu.memory_space<hbm>> -> memref<256x64xf32, #tpu.memory_space<hbm>>
    %dma_wait3A_170 = arith.constant 0 : i32
    %dma_wait3A_171 = arith.constant 0 : i32
    %dma_wait3A_172 = tpu.memref_slice %arg6[%dma_wait3A_156, %dma_wait3A_170, %dma_wait3A_171] : memref<5x256x64xf32, #tpu.memory_space<vmem>> -> memref<1x256x64xf32, #tpu.memory_space<vmem>>
    %dma_wait3A_173 = tpu.memref_squeeze %dma_wait3A_172 : memref<1x256x64xf32, #tpu.memory_space<vmem>> -> memref<256x64xf32, #tpu.memory_space<vmem>>
    tpu.wait_dma2 semaphore(%arg15 : memref<!tpu.dma_semaphore, #tpu.memory_space<semaphore_mem>>) src(%dma_wait3A_173 : memref<256x64xf32, #tpu.memory_space<vmem>>) dst(%dma_wait3A_169 : memref<256x64xf32, #tpu.memory_space<hbm>>)
    %dma_wait3A_174 = arith.constant 4 : i32
    %dma_wait3A_175 = arith.constant 24 : i32
    %dma_wait3A_176 = arith.constant 0 : i32
    %dma_wait3A_177 = arith.constant 0 : i32
    %dma_wait3A_178 = tpu.memref_slice %arg6[%dma_wait3A_174, %dma_wait3A_176, %dma_wait3A_177] : memref<5x256x64xf32, #tpu.memory_space<vmem>> -> memref<1x256x64xf32, #tpu.memory_space<vmem>>
    %dma_wait3A_179 = tpu.memref_squeeze %dma_wait3A_178 : memref<1x256x64xf32, #tpu.memory_space<vmem>> -> memref<256x64xf32, #tpu.memory_space<vmem>>
    %dma_wait3A_180 = arith.constant 0 : i32
    %dma_wait3A_181 = arith.constant 0 : i32
    %dma_wait3A_182 = tpu.memref_slice %arg4[%add3A, %dma_wait3A_175, %dma_wait3A_180, %dma_wait3A_181] : memref<32x25x256x64xf32, #tpu.memory_space<hbm>> -> memref<1x1x256x64xf32, #tpu.memory_space<hbm>>
    %dma_wait3A_183 = tpu.memref_squeeze %dma_wait3A_182 : memref<1x1x256x64xf32, #tpu.memory_space<hbm>> -> memref<256x64xf32, #tpu.memory_space<hbm>>
    %dma_wait3A_184 = arith.constant 0 : i32
    %dma_wait3A_185 = arith.constant 0 : i32
    %dma_wait3A_186 = tpu.memref_slice %arg4[%add3A, %dma_wait3A_175, %dma_wait3A_184, %dma_wait3A_185] : memref<32x25x256x64xf32, #tpu.memory_space<hbm>> -> memref<1x1x256x64xf32, #tpu.memory_space<hbm>>
    %dma_wait3A_187 = tpu.memref_squeeze %dma_wait3A_186 : memref<1x1x256x64xf32, #tpu.memory_space<hbm>> -> memref<256x64xf32, #tpu.memory_space<hbm>>
    %dma_wait3A_188 = arith.constant 0 : i32
    %dma_wait3A_189 = arith.constant 0 : i32
    %dma_wait3A_190 = tpu.memref_slice %arg6[%dma_wait3A_174, %dma_wait3A_188, %dma_wait3A_189] : memref<5x256x64xf32, #tpu.memory_space<vmem>> -> memref<1x256x64xf32, #tpu.memory_space<vmem>>
    %dma_wait3A_191 = tpu.memref_squeeze %dma_wait3A_190 : memref<1x256x64xf32, #tpu.memory_space<vmem>> -> memref<256x64xf32, #tpu.memory_space<vmem>>
    tpu.wait_dma2 semaphore(%arg16 : memref<!tpu.dma_semaphore, #tpu.memory_space<semaphore_mem>>) src(%dma_wait3A_191 : memref<256x64xf32, #tpu.memory_space<vmem>>) dst(%dma_wait3A_187 : memref<256x64xf32, #tpu.memory_space<hbm>>)
    return
  }
}

#map = affine_map<(d0, d1) -> (0, 0)>
#map1 = affine_map<(d0, d1) -> (0, 0, 0, 0)>
module attributes {stable_mosaic.version = 14 : i64} {
  func.func @gather1(%arg0: i32, %arg1: i32, %arg2: memref<1600x128xi32, #tpu.memory_space<hbm>>, %arg3: memref<100000x64xf32, #tpu.memory_space<hbm>>, %arg4: memref<32x25x256x64xf32, #tpu.memory_space<hbm>>, %arg5: memref<50x128xi32, #tpu.memory_space<vmem>>, %arg6: memref<5x256x64xf32, #tpu.memory_space<vmem>>, %arg7: memref<!tpu.dma_semaphore, #tpu.memory_space<semaphore_mem>>, %arg8: memref<!tpu.dma_semaphore, #tpu.memory_space<semaphore_mem>>, %arg9: memref<!tpu.dma_semaphore, #tpu.memory_space<semaphore_mem>>, %arg10: memref<!tpu.dma_semaphore, #tpu.memory_space<semaphore_mem>>, %arg11: memref<!tpu.dma_semaphore, #tpu.memory_space<semaphore_mem>>, %arg12: memref<!tpu.dma_semaphore, #tpu.memory_space<semaphore_mem>>, %arg13: memref<!tpu.dma_semaphore, #tpu.memory_space<semaphore_mem>>, %arg14: memref<!tpu.dma_semaphore, #tpu.memory_space<semaphore_mem>>, %arg15: memref<!tpu.dma_semaphore, #tpu.memory_space<semaphore_mem>>, %arg16: memref<!tpu.dma_semaphore, #tpu.memory_space<semaphore_mem>>) attributes {dimension_semantics = [#tpu.dimension_semantics<core_parallel>, #tpu.dimension_semantics<subcore_parallel>], iteration_bounds = array<i64: 2, 16>, scalar_prefetch = 0 : i64, scratch_operands = 12 : i64, tpu.core_type = #tpu.core_type<sc_vector_subcore>, window_params = [{transform_indices = #map}, {transform_indices = #map}, {transform_indices = #map1}]} {
    %mul3A = arith.constant 2 : i32
    %mul3A_0 = arith.muli %arg1, %mul3A : i32
    %add3A = arith.addi %mul3A_0, %arg0 : i32
    %mul3A_1 = arith.constant 50 : i32
    %mul3A_2 = arith.muli %add3A, %mul3A_1 : i32
    "tpu.region"() ({
      %run_scoped3A = tpu.sem_alloc : memref<!tpu.dma_semaphore, #tpu.memory_space<semaphore_mem>>
      %dma_start3A_192 = arith.constant 0 : i32
      %dma_start3A_193 = tpu.memref_slice %arg2[%mul3A_2, %dma_start3A_192] : memref<1600x128xi32, #tpu.memory_space<hbm>> -> memref<50x128xi32, #tpu.memory_space<hbm>>
      %dma_start3A_194 = arith.constant 0 : i32
      %dma_start3A_195 = tpu.memref_slice %arg2[%mul3A_2, %dma_start3A_194] : memref<1600x128xi32, #tpu.memory_space<hbm>> -> memref<50x128xi32, #tpu.memory_space<hbm>>
      tpu.enqueue_dma source(%dma_start3A_195 : memref<50x128xi32, #tpu.memory_space<hbm>>) target(%arg5 : memref<50x128xi32, #tpu.memory_space<vmem>>) target_semaphore(%run_scoped3A : memref<!tpu.dma_semaphore, #tpu.memory_space<semaphore_mem>>)
      %dma_wait3A_196 = arith.constant 0 : i32
      %dma_wait3A_197 = tpu.memref_slice %arg2[%mul3A_2, %dma_wait3A_196] : memref<1600x128xi32, #tpu.memory_space<hbm>> -> memref<50x128xi32, #tpu.memory_space<hbm>>
      %dma_wait3A_198 = arith.constant 0 : i32
      %dma_wait3A_199 = tpu.memref_slice %arg2[%mul3A_2, %dma_wait3A_198] : memref<1600x128xi32, #tpu.memory_space<hbm>> -> memref<50x128xi32, #tpu.memory_space<hbm>>
      tpu.wait_dma2 semaphore(%run_scoped3A : memref<!tpu.dma_semaphore, #tpu.memory_space<semaphore_mem>>) src(%dma_wait3A_199 : memref<50x128xi32, #tpu.memory_space<hbm>>) dst(%arg5 : memref<50x128xi32, #tpu.memory_space<vmem>>)
      tpu.yield
    }) : () -> ()
    %dma_start3A = arith.constant 0 : i32
    %dma_start3A_3 = arith.constant 0 : i32
    %dma_start3A_4 = arith.constant 0 : i32
    %dma_start3A_5 = arith.constant 0 : i32
    %dma_start3A_6 = tpu.memref_slice %arg6[%dma_start3A_3, %dma_start3A_4, %dma_start3A_5] : memref<5x256x64xf32, #tpu.memory_space<vmem>> -> memref<1x128x64xf32, #tpu.memory_space<vmem>>
    %dma_start3A_7 = tpu.memref_squeeze %dma_start3A_6 : memref<1x128x64xf32, #tpu.memory_space<vmem>> -> memref<128x64xf32, #tpu.memory_space<vmem>>
    %dma_start3A_8 = arith.constant 0 : i32
    %dma_start3A_9 = tpu.memref_slice %arg5[%dma_start3A, %dma_start3A_8] : memref<50x128xi32, #tpu.memory_space<vmem>> -> memref<1x128xi32, #tpu.memory_space<vmem>>
    %dma_start3A_10 = tpu.memref_squeeze %dma_start3A_9 : memref<1x128xi32, #tpu.memory_space<vmem>> -> memref<128xi32, #tpu.memory_space<vmem>>
    %dma_start3A_11 = arith.constant 0 : i32
    %dma_start3A_12 = arith.constant 0 : i32
    %dma_start3A_13 = tpu.memref_slice %arg3[%dma_start3A_11, %dma_start3A_12] : memref<100000x64xf32, #tpu.memory_space<hbm>> -> memref<100000x64xf32, #tpu.memory_space<hbm>>
    tpu.enqueue_indirect_dma source(%dma_start3A_13 : memref<100000x64xf32, #tpu.memory_space<hbm>>) target(%dma_start3A_7 : memref<128x64xf32, #tpu.memory_space<vmem>>) offsets(%dma_start3A_10 : memref<128xi32, #tpu.memory_space<vmem>>) semaphore(%arg7 : memref<!tpu.dma_semaphore, #tpu.memory_space<semaphore_mem>>)
    %dma_start3A_14 = arith.constant 1 : i32
    %dma_start3A_15 = arith.constant 0 : i32
    %dma_start3A_16 = arith.constant 128 : i32
    %dma_start3A_17 = arith.constant 0 : i32
    %dma_start3A_18 = tpu.memref_slice %arg6[%dma_start3A_15, %dma_start3A_16, %dma_start3A_17] : memref<5x256x64xf32, #tpu.memory_space<vmem>> -> memref<1x128x64xf32, #tpu.memory_space<vmem>>
    %dma_start3A_19 = tpu.memref_squeeze %dma_start3A_18 : memref<1x128x64xf32, #tpu.memory_space<vmem>> -> memref<128x64xf32, #tpu.memory_space<vmem>>
    %dma_start3A_20 = arith.constant 0 : i32
    %dma_start3A_21 = tpu.memref_slice %arg5[%dma_start3A_14, %dma_start3A_20] : memref<50x128xi32, #tpu.memory_space<vmem>> -> memref<1x128xi32, #tpu.memory_space<vmem>>
    %dma_start3A_22 = tpu.memref_squeeze %dma_start3A_21 : memref<1x128xi32, #tpu.memory_space<vmem>> -> memref<128xi32, #tpu.memory_space<vmem>>
    %dma_start3A_23 = arith.constant 0 : i32
    %dma_start3A_24 = arith.constant 0 : i32
    %dma_start3A_25 = tpu.memref_slice %arg3[%dma_start3A_23, %dma_start3A_24] : memref<100000x64xf32, #tpu.memory_space<hbm>> -> memref<100000x64xf32, #tpu.memory_space<hbm>>
    tpu.enqueue_indirect_dma source(%dma_start3A_25 : memref<100000x64xf32, #tpu.memory_space<hbm>>) target(%dma_start3A_19 : memref<128x64xf32, #tpu.memory_space<vmem>>) offsets(%dma_start3A_22 : memref<128xi32, #tpu.memory_space<vmem>>) semaphore(%arg7 : memref<!tpu.dma_semaphore, #tpu.memory_space<semaphore_mem>>)
    %dma_start3A_26 = arith.constant 2 : i32
    %dma_start3A_27 = arith.constant 1 : i32
    %dma_start3A_28 = arith.constant 0 : i32
    %dma_start3A_29 = arith.constant 0 : i32
    %dma_start3A_30 = tpu.memref_slice %arg6[%dma_start3A_27, %dma_start3A_28, %dma_start3A_29] : memref<5x256x64xf32, #tpu.memory_space<vmem>> -> memref<1x128x64xf32, #tpu.memory_space<vmem>>
    %dma_start3A_31 = tpu.memref_squeeze %dma_start3A_30 : memref<1x128x64xf32, #tpu.memory_space<vmem>> -> memref<128x64xf32, #tpu.memory_space<vmem>>
    %dma_start3A_32 = arith.constant 0 : i32
    %dma_start3A_33 = tpu.memref_slice %arg5[%dma_start3A_26, %dma_start3A_32] : memref<50x128xi32, #tpu.memory_space<vmem>> -> memref<1x128xi32, #tpu.memory_space<vmem>>
    %dma_start3A_34 = tpu.memref_squeeze %dma_start3A_33 : memref<1x128xi32, #tpu.memory_space<vmem>> -> memref<128xi32, #tpu.memory_space<vmem>>
    %dma_start3A_35 = arith.constant 0 : i32
    %dma_start3A_36 = arith.constant 0 : i32
    %dma_start3A_37 = tpu.memref_slice %arg3[%dma_start3A_35, %dma_start3A_36] : memref<100000x64xf32, #tpu.memory_space<hbm>> -> memref<100000x64xf32, #tpu.memory_space<hbm>>
    tpu.enqueue_indirect_dma source(%dma_start3A_37 : memref<100000x64xf32, #tpu.memory_space<hbm>>) target(%dma_start3A_31 : memref<128x64xf32, #tpu.memory_space<vmem>>) offsets(%dma_start3A_34 : memref<128xi32, #tpu.memory_space<vmem>>) semaphore(%arg8 : memref<!tpu.dma_semaphore, #tpu.memory_space<semaphore_mem>>)
    %dma_start3A_38 = arith.constant 3 : i32
    %dma_start3A_39 = arith.constant 1 : i32
    %dma_start3A_40 = arith.constant 128 : i32
    %dma_start3A_41 = arith.constant 0 : i32
    %dma_start3A_42 = tpu.memref_slice %arg6[%dma_start3A_39, %dma_start3A_40, %dma_start3A_41] : memref<5x256x64xf32, #tpu.memory_space<vmem>> -> memref<1x128x64xf32, #tpu.memory_space<vmem>>
    %dma_start3A_43 = tpu.memref_squeeze %dma_start3A_42 : memref<1x128x64xf32, #tpu.memory_space<vmem>> -> memref<128x64xf32, #tpu.memory_space<vmem>>
    %dma_start3A_44 = arith.constant 0 : i32
    %dma_start3A_45 = tpu.memref_slice %arg5[%dma_start3A_38, %dma_start3A_44] : memref<50x128xi32, #tpu.memory_space<vmem>> -> memref<1x128xi32, #tpu.memory_space<vmem>>
    %dma_start3A_46 = tpu.memref_squeeze %dma_start3A_45 : memref<1x128xi32, #tpu.memory_space<vmem>> -> memref<128xi32, #tpu.memory_space<vmem>>
    %dma_start3A_47 = arith.constant 0 : i32
    %dma_start3A_48 = arith.constant 0 : i32
    %dma_start3A_49 = tpu.memref_slice %arg3[%dma_start3A_47, %dma_start3A_48] : memref<100000x64xf32, #tpu.memory_space<hbm>> -> memref<100000x64xf32, #tpu.memory_space<hbm>>
    tpu.enqueue_indirect_dma source(%dma_start3A_49 : memref<100000x64xf32, #tpu.memory_space<hbm>>) target(%dma_start3A_43 : memref<128x64xf32, #tpu.memory_space<vmem>>) offsets(%dma_start3A_46 : memref<128xi32, #tpu.memory_space<vmem>>) semaphore(%arg8 : memref<!tpu.dma_semaphore, #tpu.memory_space<semaphore_mem>>)
    %dma_start3A_50 = arith.constant 4 : i32
    %dma_start3A_51 = arith.constant 2 : i32
    %dma_start3A_52 = arith.constant 0 : i32
    %dma_start3A_53 = arith.constant 0 : i32
    %dma_start3A_54 = tpu.memref_slice %arg6[%dma_start3A_51, %dma_start3A_52, %dma_start3A_53] : memref<5x256x64xf32, #tpu.memory_space<vmem>> -> memref<1x128x64xf32, #tpu.memory_space<vmem>>
    %dma_start3A_55 = tpu.memref_squeeze %dma_start3A_54 : memref<1x128x64xf32, #tpu.memory_space<vmem>> -> memref<128x64xf32, #tpu.memory_space<vmem>>
    %dma_start3A_56 = arith.constant 0 : i32
    %dma_start3A_57 = tpu.memref_slice %arg5[%dma_start3A_50, %dma_start3A_56] : memref<50x128xi32, #tpu.memory_space<vmem>> -> memref<1x128xi32, #tpu.memory_space<vmem>>
    %dma_start3A_58 = tpu.memref_squeeze %dma_start3A_57 : memref<1x128xi32, #tpu.memory_space<vmem>> -> memref<128xi32, #tpu.memory_space<vmem>>
    %dma_start3A_59 = arith.constant 0 : i32
    %dma_start3A_60 = arith.constant 0 : i32
    %dma_start3A_61 = tpu.memref_slice %arg3[%dma_start3A_59, %dma_start3A_60] : memref<100000x64xf32, #tpu.memory_space<hbm>> -> memref<100000x64xf32, #tpu.memory_space<hbm>>
    tpu.enqueue_indirect_dma source(%dma_start3A_61 : memref<100000x64xf32, #tpu.memory_space<hbm>>) target(%dma_start3A_55 : memref<128x64xf32, #tpu.memory_space<vmem>>) offsets(%dma_start3A_58 : memref<128xi32, #tpu.memory_space<vmem>>) semaphore(%arg9 : memref<!tpu.dma_semaphore, #tpu.memory_space<semaphore_mem>>)
    %dma_start3A_62 = arith.constant 5 : i32
    %dma_start3A_63 = arith.constant 2 : i32
    %dma_start3A_64 = arith.constant 128 : i32
    %dma_start3A_65 = arith.constant 0 : i32
    %dma_start3A_66 = tpu.memref_slice %arg6[%dma_start3A_63, %dma_start3A_64, %dma_start3A_65] : memref<5x256x64xf32, #tpu.memory_space<vmem>> -> memref<1x128x64xf32, #tpu.memory_space<vmem>>
    %dma_start3A_67 = tpu.memref_squeeze %dma_start3A_66 : memref<1x128x64xf32, #tpu.memory_space<vmem>> -> memref<128x64xf32, #tpu.memory_space<vmem>>
    %dma_start3A_68 = arith.constant 0 : i32
    %dma_start3A_69 = tpu.memref_slice %arg5[%dma_start3A_62, %dma_start3A_68] : memref<50x128xi32, #tpu.memory_space<vmem>> -> memref<1x128xi32, #tpu.memory_space<vmem>>
    %dma_start3A_70 = tpu.memref_squeeze %dma_start3A_69 : memref<1x128xi32, #tpu.memory_space<vmem>> -> memref<128xi32, #tpu.memory_space<vmem>>
    %dma_start3A_71 = arith.constant 0 : i32
    %dma_start3A_72 = arith.constant 0 : i32
    %dma_start3A_73 = tpu.memref_slice %arg3[%dma_start3A_71, %dma_start3A_72] : memref<100000x64xf32, #tpu.memory_space<hbm>> -> memref<100000x64xf32, #tpu.memory_space<hbm>>
    tpu.enqueue_indirect_dma source(%dma_start3A_73 : memref<100000x64xf32, #tpu.memory_space<hbm>>) target(%dma_start3A_67 : memref<128x64xf32, #tpu.memory_space<vmem>>) offsets(%dma_start3A_70 : memref<128xi32, #tpu.memory_space<vmem>>) semaphore(%arg9 : memref<!tpu.dma_semaphore, #tpu.memory_space<semaphore_mem>>)
    %dma_start3A_74 = arith.constant 6 : i32
    %dma_start3A_75 = arith.constant 3 : i32
    %dma_start3A_76 = arith.constant 0 : i32
    %dma_start3A_77 = arith.constant 0 : i32
    %dma_start3A_78 = tpu.memref_slice %arg6[%dma_start3A_75, %dma_start3A_76, %dma_start3A_77] : memref<5x256x64xf32, #tpu.memory_space<vmem>> -> memref<1x128x64xf32, #tpu.memory_space<vmem>>
    %dma_start3A_79 = tpu.memref_squeeze %dma_start3A_78 : memref<1x128x64xf32, #tpu.memory_space<vmem>> -> memref<128x64xf32, #tpu.memory_space<vmem>>
    %dma_start3A_80 = arith.constant 0 : i32
    %dma_start3A_81 = tpu.memref_slice %arg5[%dma_start3A_74, %dma_start3A_80] : memref<50x128xi32, #tpu.memory_space<vmem>> -> memref<1x128xi32, #tpu.memory_space<vmem>>
    %dma_start3A_82 = tpu.memref_squeeze %dma_start3A_81 : memref<1x128xi32, #tpu.memory_space<vmem>> -> memref<128xi32, #tpu.memory_space<vmem>>
    %dma_start3A_83 = arith.constant 0 : i32
    %dma_start3A_84 = arith.constant 0 : i32
    %dma_start3A_85 = tpu.memref_slice %arg3[%dma_start3A_83, %dma_start3A_84] : memref<100000x64xf32, #tpu.memory_space<hbm>> -> memref<100000x64xf32, #tpu.memory_space<hbm>>
    tpu.enqueue_indirect_dma source(%dma_start3A_85 : memref<100000x64xf32, #tpu.memory_space<hbm>>) target(%dma_start3A_79 : memref<128x64xf32, #tpu.memory_space<vmem>>) offsets(%dma_start3A_82 : memref<128xi32, #tpu.memory_space<vmem>>) semaphore(%arg10 : memref<!tpu.dma_semaphore, #tpu.memory_space<semaphore_mem>>)
    %dma_start3A_86 = arith.constant 7 : i32
    %dma_start3A_87 = arith.constant 3 : i32
    %dma_start3A_88 = arith.constant 128 : i32
    %dma_start3A_89 = arith.constant 0 : i32
    %dma_start3A_90 = tpu.memref_slice %arg6[%dma_start3A_87, %dma_start3A_88, %dma_start3A_89] : memref<5x256x64xf32, #tpu.memory_space<vmem>> -> memref<1x128x64xf32, #tpu.memory_space<vmem>>
    %dma_start3A_91 = tpu.memref_squeeze %dma_start3A_90 : memref<1x128x64xf32, #tpu.memory_space<vmem>> -> memref<128x64xf32, #tpu.memory_space<vmem>>
    %dma_start3A_92 = arith.constant 0 : i32
    %dma_start3A_93 = tpu.memref_slice %arg5[%dma_start3A_86, %dma_start3A_92] : memref<50x128xi32, #tpu.memory_space<vmem>> -> memref<1x128xi32, #tpu.memory_space<vmem>>
    %dma_start3A_94 = tpu.memref_squeeze %dma_start3A_93 : memref<1x128xi32, #tpu.memory_space<vmem>> -> memref<128xi32, #tpu.memory_space<vmem>>
    %dma_start3A_95 = arith.constant 0 : i32
    %dma_start3A_96 = arith.constant 0 : i32
    %dma_start3A_97 = tpu.memref_slice %arg3[%dma_start3A_95, %dma_start3A_96] : memref<100000x64xf32, #tpu.memory_space<hbm>> -> memref<100000x64xf32, #tpu.memory_space<hbm>>
    tpu.enqueue_indirect_dma source(%dma_start3A_97 : memref<100000x64xf32, #tpu.memory_space<hbm>>) target(%dma_start3A_91 : memref<128x64xf32, #tpu.memory_space<vmem>>) offsets(%dma_start3A_94 : memref<128xi32, #tpu.memory_space<vmem>>) semaphore(%arg10 : memref<!tpu.dma_semaphore, #tpu.memory_space<semaphore_mem>>)
    %scan3A = arith.constant 0 : i32
    %scan3A_98 = arith.constant 0 : i32
    %scan3A_99 = arith.constant 5 : i32
    %scan3A_100 = arith.addi %scan3A_98, %scan3A_99 : i32
    %scan3A_101 = arith.constant 1 : i32
    scf.for %scan3A_192 = %scan3A_98 to %scan3A_100 step %scan3A_101  : i32 {
      %mul3A_193 = arith.constant 5 : i32
      %mul3A_194 = arith.muli %scan3A_192, %mul3A_193 : i32
      %add3A_195 = arith.constant 0 : i32
      %add3A_196 = arith.addi %mul3A_194, %add3A_195 : i32
      %mul3A_197 = arith.constant 2 : i32
      %mul3A_198 = arith.muli %mul3A_197, %add3A_196 : i32
      %add3A_199 = arith.constant 0 : i32
      %add3A_200 = arith.addi %mul3A_198, %add3A_199 : i32
      %dma_wait3A_201 = arith.constant 0 : i32
      %dma_wait3A_202 = arith.constant 0 : i32
      %dma_wait3A_203 = arith.constant 0 : i32
      %dma_wait3A_204 = tpu.memref_slice %arg6[%dma_wait3A_201, %dma_wait3A_202, %dma_wait3A_203] : memref<5x256x64xf32, #tpu.memory_space<vmem>> -> memref<1x128x64xf32, #tpu.memory_space<vmem>>
      %dma_wait3A_205 = tpu.memref_squeeze %dma_wait3A_204 : memref<1x128x64xf32, #tpu.memory_space<vmem>> -> memref<128x64xf32, #tpu.memory_space<vmem>>
      %dma_wait3A_206 = arith.constant 0 : i32
      %dma_wait3A_207 = tpu.memref_slice %arg5[%add3A_200, %dma_wait3A_206] : memref<50x128xi32, #tpu.memory_space<vmem>> -> memref<1x128xi32, #tpu.memory_space<vmem>>
      %dma_wait3A_208 = tpu.memref_squeeze %dma_wait3A_207 : memref<1x128xi32, #tpu.memory_space<vmem>> -> memref<128xi32, #tpu.memory_space<vmem>>
      %dma_wait3A_209 = arith.constant 0 : i32
      %dma_wait3A_210 = arith.constant 0 : i32
      %dma_wait3A_211 = tpu.memref_slice %arg3[%dma_wait3A_209, %dma_wait3A_210] : memref<100000x64xf32, #tpu.memory_space<hbm>> -> memref<100000x64xf32, #tpu.memory_space<hbm>>
      tpu.wait_indirect_dma semaphore(%arg7 : memref<!tpu.dma_semaphore, #tpu.memory_space<semaphore_mem>>) src(%dma_wait3A_211 : memref<100000x64xf32, #tpu.memory_space<hbm>>) dst(%dma_wait3A_205 : memref<128x64xf32, #tpu.memory_space<vmem>>)
      %mul3A_212 = arith.constant 2 : i32
      %mul3A_213 = arith.muli %mul3A_212, %add3A_196 : i32
      %add3A_214 = arith.constant 1 : i32
      %add3A_215 = arith.addi %mul3A_213, %add3A_214 : i32
      %dma_wait3A_216 = arith.constant 0 : i32
      %dma_wait3A_217 = arith.constant 128 : i32
      %dma_wait3A_218 = arith.constant 0 : i32
      %dma_wait3A_219 = tpu.memref_slice %arg6[%dma_wait3A_216, %dma_wait3A_217, %dma_wait3A_218] : memref<5x256x64xf32, #tpu.memory_space<vmem>> -> memref<1x128x64xf32, #tpu.memory_space<vmem>>
      %dma_wait3A_220 = tpu.memref_squeeze %dma_wait3A_219 : memref<1x128x64xf32, #tpu.memory_space<vmem>> -> memref<128x64xf32, #tpu.memory_space<vmem>>
      %dma_wait3A_221 = arith.constant 0 : i32
      %dma_wait3A_222 = tpu.memref_slice %arg5[%add3A_215, %dma_wait3A_221] : memref<50x128xi32, #tpu.memory_space<vmem>> -> memref<1x128xi32, #tpu.memory_space<vmem>>
      %dma_wait3A_223 = tpu.memref_squeeze %dma_wait3A_222 : memref<1x128xi32, #tpu.memory_space<vmem>> -> memref<128xi32, #tpu.memory_space<vmem>>
      %dma_wait3A_224 = arith.constant 0 : i32
      %dma_wait3A_225 = arith.constant 0 : i32
      %dma_wait3A_226 = tpu.memref_slice %arg3[%dma_wait3A_224, %dma_wait3A_225] : memref<100000x64xf32, #tpu.memory_space<hbm>> -> memref<100000x64xf32, #tpu.memory_space<hbm>>
      tpu.wait_indirect_dma semaphore(%arg7 : memref<!tpu.dma_semaphore, #tpu.memory_space<semaphore_mem>>) src(%dma_wait3A_226 : memref<100000x64xf32, #tpu.memory_space<hbm>>) dst(%dma_wait3A_220 : memref<128x64xf32, #tpu.memory_space<vmem>>)
      %dma_start3A_227 = arith.constant 0 : i32
      %dma_start3A_228 = arith.constant 0 : i32
      %dma_start3A_229 = arith.constant 0 : i32
      %dma_start3A_230 = tpu.memref_slice %arg6[%dma_start3A_227, %dma_start3A_228, %dma_start3A_229] : memref<5x256x64xf32, #tpu.memory_space<vmem>> -> memref<1x256x64xf32, #tpu.memory_space<vmem>>
      %dma_start3A_231 = tpu.memref_squeeze %dma_start3A_230 : memref<1x256x64xf32, #tpu.memory_space<vmem>> -> memref<256x64xf32, #tpu.memory_space<vmem>>
      %dma_start3A_232 = arith.constant 0 : i32
      %dma_start3A_233 = arith.constant 0 : i32
      %dma_start3A_234 = tpu.memref_slice %arg4[%add3A, %add3A_196, %dma_start3A_232, %dma_start3A_233] : memref<32x25x256x64xf32, #tpu.memory_space<hbm>> -> memref<1x1x256x64xf32, #tpu.memory_space<hbm>>
      %dma_start3A_235 = tpu.memref_squeeze %dma_start3A_234 : memref<1x1x256x64xf32, #tpu.memory_space<hbm>> -> memref<256x64xf32, #tpu.memory_space<hbm>>
      %dma_start3A_236 = arith.constant 0 : i32
      %dma_start3A_237 = arith.constant 0 : i32
      %dma_start3A_238 = tpu.memref_slice %arg4[%add3A, %add3A_196, %dma_start3A_236, %dma_start3A_237] : memref<32x25x256x64xf32, #tpu.memory_space<hbm>> -> memref<1x1x256x64xf32, #tpu.memory_space<hbm>>
      %dma_start3A_239 = tpu.memref_squeeze %dma_start3A_238 : memref<1x1x256x64xf32, #tpu.memory_space<hbm>> -> memref<256x64xf32, #tpu.memory_space<hbm>>
      %dma_start3A_240 = arith.constant 0 : i32
      %dma_start3A_241 = arith.constant 0 : i32
      %dma_start3A_242 = tpu.memref_slice %arg6[%dma_start3A_227, %dma_start3A_240, %dma_start3A_241] : memref<5x256x64xf32, #tpu.memory_space<vmem>> -> memref<1x256x64xf32, #tpu.memory_space<vmem>>
      %dma_start3A_243 = tpu.memref_squeeze %dma_start3A_242 : memref<1x256x64xf32, #tpu.memory_space<vmem>> -> memref<256x64xf32, #tpu.memory_space<vmem>>
      tpu.enqueue_dma source(%dma_start3A_243 : memref<256x64xf32, #tpu.memory_space<vmem>>) target(%dma_start3A_239 : memref<256x64xf32, #tpu.memory_space<hbm>>) target_semaphore(%arg12 : memref<!tpu.dma_semaphore, #tpu.memory_space<semaphore_mem>>)
      %add3A_244 = arith.constant 5 : i32
      %add3A_245 = arith.addi %add3A_196, %add3A_244 : i32
      %sub3A = arith.constant 1 : i32
      %sub3A_246 = arith.subi %add3A_245, %sub3A : i32
      %lt3A = arith.constant 25 : i32
      %lt3A_247 = arith.cmpi slt, %sub3A_246, %lt3A : i32
      %convert_element_type3A = arith.extui %lt3A_247 : i1 to i32
      %cond3A = arith.constant 0 : i32
      %cond3A_248 = arith.cmpi ne, %convert_element_type3A, %cond3A : i32
      scf.if %cond3A_248 {
        %ge3A = arith.constant 1 : i32
        %ge3A_489 = arith.cmpi sge, %add3A_196, %ge3A : i32
        %convert_element_type3A_490 = arith.extui %ge3A_489 : i1 to i32
        %cond3A_491 = arith.constant 0 : i32
        %cond3A_492 = arith.cmpi ne, %convert_element_type3A_490, %cond3A_491 : i32
        scf.if %cond3A_492 {
          %sub3A_527 = arith.constant 1 : i32
          %sub3A_528 = arith.subi %add3A_196, %sub3A_527 : i32
          %dma_wait3A_529 = arith.constant 4 : i32
          %dma_wait3A_530 = arith.constant 0 : i32
          %dma_wait3A_531 = arith.constant 0 : i32
          %dma_wait3A_532 = tpu.memref_slice %arg6[%dma_wait3A_529, %dma_wait3A_530, %dma_wait3A_531] : memref<5x256x64xf32, #tpu.memory_space<vmem>> -> memref<1x256x64xf32, #tpu.memory_space<vmem>>
          %dma_wait3A_533 = tpu.memref_squeeze %dma_wait3A_532 : memref<1x256x64xf32, #tpu.memory_space<vmem>> -> memref<256x64xf32, #tpu.memory_space<vmem>>
          %dma_wait3A_534 = arith.constant 0 : i32
          %dma_wait3A_535 = arith.constant 0 : i32
          %dma_wait3A_536 = tpu.memref_slice %arg4[%add3A, %sub3A_528, %dma_wait3A_534, %dma_wait3A_535] : memref<32x25x256x64xf32, #tpu.memory_space<hbm>> -> memref<1x1x256x64xf32, #tpu.memory_space<hbm>>
          %dma_wait3A_537 = tpu.memref_squeeze %dma_wait3A_536 : memref<1x1x256x64xf32, #tpu.memory_space<hbm>> -> memref<256x64xf32, #tpu.memory_space<hbm>>
          %dma_wait3A_538 = arith.constant 0 : i32
          %dma_wait3A_539 = arith.constant 0 : i32
          %dma_wait3A_540 = tpu.memref_slice %arg4[%add3A, %sub3A_528, %dma_wait3A_538, %dma_wait3A_539] : memref<32x25x256x64xf32, #tpu.memory_space<hbm>> -> memref<1x1x256x64xf32, #tpu.memory_space<hbm>>
          %dma_wait3A_541 = tpu.memref_squeeze %dma_wait3A_540 : memref<1x1x256x64xf32, #tpu.memory_space<hbm>> -> memref<256x64xf32, #tpu.memory_space<hbm>>
          %dma_wait3A_542 = arith.constant 0 : i32
          %dma_wait3A_543 = arith.constant 0 : i32
          %dma_wait3A_544 = tpu.memref_slice %arg6[%dma_wait3A_529, %dma_wait3A_542, %dma_wait3A_543] : memref<5x256x64xf32, #tpu.memory_space<vmem>> -> memref<1x256x64xf32, #tpu.memory_space<vmem>>
          %dma_wait3A_545 = tpu.memref_squeeze %dma_wait3A_544 : memref<1x256x64xf32, #tpu.memory_space<vmem>> -> memref<256x64xf32, #tpu.memory_space<vmem>>
          tpu.wait_dma2 semaphore(%arg16 : memref<!tpu.dma_semaphore, #tpu.memory_space<semaphore_mem>>) src(%dma_wait3A_545 : memref<256x64xf32, #tpu.memory_space<vmem>>) dst(%dma_wait3A_541 : memref<256x64xf32, #tpu.memory_space<hbm>>)
        } else {
        }
        %add3A_493 = arith.constant 5 : i32
        %add3A_494 = arith.addi %add3A_196, %add3A_493 : i32
        %sub3A_495 = arith.constant 1 : i32
        %sub3A_496 = arith.subi %add3A_494, %sub3A_495 : i32
        %mul3A_497 = arith.constant 2 : i32
        %mul3A_498 = arith.muli %mul3A_497, %sub3A_496 : i32
        %add3A_499 = arith.constant 0 : i32
        %add3A_500 = arith.addi %mul3A_498, %add3A_499 : i32
        %dma_start3A_501 = arith.constant 4 : i32
        %dma_start3A_502 = arith.constant 0 : i32
        %dma_start3A_503 = arith.constant 0 : i32
        %dma_start3A_504 = tpu.memref_slice %arg6[%dma_start3A_501, %dma_start3A_502, %dma_start3A_503] : memref<5x256x64xf32, #tpu.memory_space<vmem>> -> memref<1x128x64xf32, #tpu.memory_space<vmem>>
        %dma_start3A_505 = tpu.memref_squeeze %dma_start3A_504 : memref<1x128x64xf32, #tpu.memory_space<vmem>> -> memref<128x64xf32, #tpu.memory_space<vmem>>
        %dma_start3A_506 = arith.constant 0 : i32
        %dma_start3A_507 = tpu.memref_slice %arg5[%add3A_500, %dma_start3A_506] : memref<50x128xi32, #tpu.memory_space<vmem>> -> memref<1x128xi32, #tpu.memory_space<vmem>>
        %dma_start3A_508 = tpu.memref_squeeze %dma_start3A_507 : memref<1x128xi32, #tpu.memory_space<vmem>> -> memref<128xi32, #tpu.memory_space<vmem>>
        %dma_start3A_509 = arith.constant 0 : i32
        %dma_start3A_510 = arith.constant 0 : i32
        %dma_start3A_511 = tpu.memref_slice %arg3[%dma_start3A_509, %dma_start3A_510] : memref<100000x64xf32, #tpu.memory_space<hbm>> -> memref<100000x64xf32, #tpu.memory_space<hbm>>
        tpu.enqueue_indirect_dma source(%dma_start3A_511 : memref<100000x64xf32, #tpu.memory_space<hbm>>) target(%dma_start3A_505 : memref<128x64xf32, #tpu.memory_space<vmem>>) offsets(%dma_start3A_508 : memref<128xi32, #tpu.memory_space<vmem>>) semaphore(%arg11 : memref<!tpu.dma_semaphore, #tpu.memory_space<semaphore_mem>>)
        %mul3A_512 = arith.constant 2 : i32
        %mul3A_513 = arith.muli %mul3A_512, %sub3A_496 : i32
        %add3A_514 = arith.constant 1 : i32
        %add3A_515 = arith.addi %mul3A_513, %add3A_514 : i32
        %dma_start3A_516 = arith.constant 4 : i32
        %dma_start3A_517 = arith.constant 128 : i32
        %dma_start3A_518 = arith.constant 0 : i32
        %dma_start3A_519 = tpu.memref_slice %arg6[%dma_start3A_516, %dma_start3A_517, %dma_start3A_518] : memref<5x256x64xf32, #tpu.memory_space<vmem>> -> memref<1x128x64xf32, #tpu.memory_space<vmem>>
        %dma_start3A_520 = tpu.memref_squeeze %dma_start3A_519 : memref<1x128x64xf32, #tpu.memory_space<vmem>> -> memref<128x64xf32, #tpu.memory_space<vmem>>
        %dma_start3A_521 = arith.constant 0 : i32
        %dma_start3A_522 = tpu.memref_slice %arg5[%add3A_515, %dma_start3A_521] : memref<50x128xi32, #tpu.memory_space<vmem>> -> memref<1x128xi32, #tpu.memory_space<vmem>>
        %dma_start3A_523 = tpu.memref_squeeze %dma_start3A_522 : memref<1x128xi32, #tpu.memory_space<vmem>> -> memref<128xi32, #tpu.memory_space<vmem>>
        %dma_start3A_524 = arith.constant 0 : i32
        %dma_start3A_525 = arith.constant 0 : i32
        %dma_start3A_526 = tpu.memref_slice %arg3[%dma_start3A_524, %dma_start3A_525] : memref<100000x64xf32, #tpu.memory_space<hbm>> -> memref<100000x64xf32, #tpu.memory_space<hbm>>
        tpu.enqueue_indirect_dma source(%dma_start3A_526 : memref<100000x64xf32, #tpu.memory_space<hbm>>) target(%dma_start3A_520 : memref<128x64xf32, #tpu.memory_space<vmem>>) offsets(%dma_start3A_523 : memref<128xi32, #tpu.memory_space<vmem>>) semaphore(%arg11 : memref<!tpu.dma_semaphore, #tpu.memory_space<semaphore_mem>>)
      } else {
      }
      %mul3A_249 = arith.constant 5 : i32
      %mul3A_250 = arith.muli %scan3A_192, %mul3A_249 : i32
      %add3A_251 = arith.constant 1 : i32
      %add3A_252 = arith.addi %mul3A_250, %add3A_251 : i32
      %mul3A_253 = arith.constant 2 : i32
      %mul3A_254 = arith.muli %mul3A_253, %add3A_252 : i32
      %add3A_255 = arith.constant 0 : i32
      %add3A_256 = arith.addi %mul3A_254, %add3A_255 : i32
      %dma_wait3A_257 = arith.constant 1 : i32
      %dma_wait3A_258 = arith.constant 0 : i32
      %dma_wait3A_259 = arith.constant 0 : i32
      %dma_wait3A_260 = tpu.memref_slice %arg6[%dma_wait3A_257, %dma_wait3A_258, %dma_wait3A_259] : memref<5x256x64xf32, #tpu.memory_space<vmem>> -> memref<1x128x64xf32, #tpu.memory_space<vmem>>
      %dma_wait3A_261 = tpu.memref_squeeze %dma_wait3A_260 : memref<1x128x64xf32, #tpu.memory_space<vmem>> -> memref<128x64xf32, #tpu.memory_space<vmem>>
      %dma_wait3A_262 = arith.constant 0 : i32
      %dma_wait3A_263 = tpu.memref_slice %arg5[%add3A_256, %dma_wait3A_262] : memref<50x128xi32, #tpu.memory_space<vmem>> -> memref<1x128xi32, #tpu.memory_space<vmem>>
      %dma_wait3A_264 = tpu.memref_squeeze %dma_wait3A_263 : memref<1x128xi32, #tpu.memory_space<vmem>> -> memref<128xi32, #tpu.memory_space<vmem>>
      %dma_wait3A_265 = arith.constant 0 : i32
      %dma_wait3A_266 = arith.constant 0 : i32
      %dma_wait3A_267 = tpu.memref_slice %arg3[%dma_wait3A_265, %dma_wait3A_266] : memref<100000x64xf32, #tpu.memory_space<hbm>> -> memref<100000x64xf32, #tpu.memory_space<hbm>>
      tpu.wait_indirect_dma semaphore(%arg8 : memref<!tpu.dma_semaphore, #tpu.memory_space<semaphore_mem>>) src(%dma_wait3A_267 : memref<100000x64xf32, #tpu.memory_space<hbm>>) dst(%dma_wait3A_261 : memref<128x64xf32, #tpu.memory_space<vmem>>)
      %mul3A_268 = arith.constant 2 : i32
      %mul3A_269 = arith.muli %mul3A_268, %add3A_252 : i32
      %add3A_270 = arith.constant 1 : i32
      %add3A_271 = arith.addi %mul3A_269, %add3A_270 : i32
      %dma_wait3A_272 = arith.constant 1 : i32
      %dma_wait3A_273 = arith.constant 128 : i32
      %dma_wait3A_274 = arith.constant 0 : i32
      %dma_wait3A_275 = tpu.memref_slice %arg6[%dma_wait3A_272, %dma_wait3A_273, %dma_wait3A_274] : memref<5x256x64xf32, #tpu.memory_space<vmem>> -> memref<1x128x64xf32, #tpu.memory_space<vmem>>
      %dma_wait3A_276 = tpu.memref_squeeze %dma_wait3A_275 : memref<1x128x64xf32, #tpu.memory_space<vmem>> -> memref<128x64xf32, #tpu.memory_space<vmem>>
      %dma_wait3A_277 = arith.constant 0 : i32
      %dma_wait3A_278 = tpu.memref_slice %arg5[%add3A_271, %dma_wait3A_277] : memref<50x128xi32, #tpu.memory_space<vmem>> -> memref<1x128xi32, #tpu.memory_space<vmem>>
      %dma_wait3A_279 = tpu.memref_squeeze %dma_wait3A_278 : memref<1x128xi32, #tpu.memory_space<vmem>> -> memref<128xi32, #tpu.memory_space<vmem>>
      %dma_wait3A_280 = arith.constant 0 : i32
      %dma_wait3A_281 = arith.constant 0 : i32
      %dma_wait3A_282 = tpu.memref_slice %arg3[%dma_wait3A_280, %dma_wait3A_281] : memref<100000x64xf32, #tpu.memory_space<hbm>> -> memref<100000x64xf32, #tpu.memory_space<hbm>>
      tpu.wait_indirect_dma semaphore(%arg8 : memref<!tpu.dma_semaphore, #tpu.memory_space<semaphore_mem>>) src(%dma_wait3A_282 : memref<100000x64xf32, #tpu.memory_space<hbm>>) dst(%dma_wait3A_276 : memref<128x64xf32, #tpu.memory_space<vmem>>)
      %dma_start3A_283 = arith.constant 1 : i32
      %dma_start3A_284 = arith.constant 0 : i32
      %dma_start3A_285 = arith.constant 0 : i32
      %dma_start3A_286 = tpu.memref_slice %arg6[%dma_start3A_283, %dma_start3A_284, %dma_start3A_285] : memref<5x256x64xf32, #tpu.memory_space<vmem>> -> memref<1x256x64xf32, #tpu.memory_space<vmem>>
      %dma_start3A_287 = tpu.memref_squeeze %dma_start3A_286 : memref<1x256x64xf32, #tpu.memory_space<vmem>> -> memref<256x64xf32, #tpu.memory_space<vmem>>
      %dma_start3A_288 = arith.constant 0 : i32
      %dma_start3A_289 = arith.constant 0 : i32
      %dma_start3A_290 = tpu.memref_slice %arg4[%add3A, %add3A_252, %dma_start3A_288, %dma_start3A_289] : memref<32x25x256x64xf32, #tpu.memory_space<hbm>> -> memref<1x1x256x64xf32, #tpu.memory_space<hbm>>
      %dma_start3A_291 = tpu.memref_squeeze %dma_start3A_290 : memref<1x1x256x64xf32, #tpu.memory_space<hbm>> -> memref<256x64xf32, #tpu.memory_space<hbm>>
      %dma_start3A_292 = arith.constant 0 : i32
      %dma_start3A_293 = arith.constant 0 : i32
      %dma_start3A_294 = tpu.memref_slice %arg4[%add3A, %add3A_252, %dma_start3A_292, %dma_start3A_293] : memref<32x25x256x64xf32, #tpu.memory_space<hbm>> -> memref<1x1x256x64xf32, #tpu.memory_space<hbm>>
      %dma_start3A_295 = tpu.memref_squeeze %dma_start3A_294 : memref<1x1x256x64xf32, #tpu.memory_space<hbm>> -> memref<256x64xf32, #tpu.memory_space<hbm>>
      %dma_start3A_296 = arith.constant 0 : i32
      %dma_start3A_297 = arith.constant 0 : i32
      %dma_start3A_298 = tpu.memref_slice %arg6[%dma_start3A_283, %dma_start3A_296, %dma_start3A_297] : memref<5x256x64xf32, #tpu.memory_space<vmem>> -> memref<1x256x64xf32, #tpu.memory_space<vmem>>
      %dma_start3A_299 = tpu.memref_squeeze %dma_start3A_298 : memref<1x256x64xf32, #tpu.memory_space<vmem>> -> memref<256x64xf32, #tpu.memory_space<vmem>>
      tpu.enqueue_dma source(%dma_start3A_299 : memref<256x64xf32, #tpu.memory_space<vmem>>) target(%dma_start3A_295 : memref<256x64xf32, #tpu.memory_space<hbm>>) target_semaphore(%arg13 : memref<!tpu.dma_semaphore, #tpu.memory_space<semaphore_mem>>)
      %add3A_300 = arith.constant 5 : i32
      %add3A_301 = arith.addi %add3A_252, %add3A_300 : i32
      %sub3A_302 = arith.constant 1 : i32
      %sub3A_303 = arith.subi %add3A_301, %sub3A_302 : i32
      %lt3A_304 = arith.constant 25 : i32
      %lt3A_305 = arith.cmpi slt, %sub3A_303, %lt3A_304 : i32
      %convert_element_type3A_306 = arith.extui %lt3A_305 : i1 to i32
      %cond3A_307 = arith.constant 0 : i32
      %cond3A_308 = arith.cmpi ne, %convert_element_type3A_306, %cond3A_307 : i32
      scf.if %cond3A_308 {
        %ge3A = arith.constant 1 : i32
        %ge3A_489 = arith.cmpi sge, %add3A_252, %ge3A : i32
        %convert_element_type3A_490 = arith.extui %ge3A_489 : i1 to i32
        %cond3A_491 = arith.constant 0 : i32
        %cond3A_492 = arith.cmpi ne, %convert_element_type3A_490, %cond3A_491 : i32
        scf.if %cond3A_492 {
          %sub3A_527 = arith.constant 1 : i32
          %sub3A_528 = arith.subi %add3A_252, %sub3A_527 : i32
          %dma_wait3A_529 = arith.constant 0 : i32
          %dma_wait3A_530 = arith.constant 0 : i32
          %dma_wait3A_531 = arith.constant 0 : i32
          %dma_wait3A_532 = tpu.memref_slice %arg6[%dma_wait3A_529, %dma_wait3A_530, %dma_wait3A_531] : memref<5x256x64xf32, #tpu.memory_space<vmem>> -> memref<1x256x64xf32, #tpu.memory_space<vmem>>
          %dma_wait3A_533 = tpu.memref_squeeze %dma_wait3A_532 : memref<1x256x64xf32, #tpu.memory_space<vmem>> -> memref<256x64xf32, #tpu.memory_space<vmem>>
          %dma_wait3A_534 = arith.constant 0 : i32
          %dma_wait3A_535 = arith.constant 0 : i32
          %dma_wait3A_536 = tpu.memref_slice %arg4[%add3A, %sub3A_528, %dma_wait3A_534, %dma_wait3A_535] : memref<32x25x256x64xf32, #tpu.memory_space<hbm>> -> memref<1x1x256x64xf32, #tpu.memory_space<hbm>>
          %dma_wait3A_537 = tpu.memref_squeeze %dma_wait3A_536 : memref<1x1x256x64xf32, #tpu.memory_space<hbm>> -> memref<256x64xf32, #tpu.memory_space<hbm>>
          %dma_wait3A_538 = arith.constant 0 : i32
          %dma_wait3A_539 = arith.constant 0 : i32
          %dma_wait3A_540 = tpu.memref_slice %arg4[%add3A, %sub3A_528, %dma_wait3A_538, %dma_wait3A_539] : memref<32x25x256x64xf32, #tpu.memory_space<hbm>> -> memref<1x1x256x64xf32, #tpu.memory_space<hbm>>
          %dma_wait3A_541 = tpu.memref_squeeze %dma_wait3A_540 : memref<1x1x256x64xf32, #tpu.memory_space<hbm>> -> memref<256x64xf32, #tpu.memory_space<hbm>>
          %dma_wait3A_542 = arith.constant 0 : i32
          %dma_wait3A_543 = arith.constant 0 : i32
          %dma_wait3A_544 = tpu.memref_slice %arg6[%dma_wait3A_529, %dma_wait3A_542, %dma_wait3A_543] : memref<5x256x64xf32, #tpu.memory_space<vmem>> -> memref<1x256x64xf32, #tpu.memory_space<vmem>>
          %dma_wait3A_545 = tpu.memref_squeeze %dma_wait3A_544 : memref<1x256x64xf32, #tpu.memory_space<vmem>> -> memref<256x64xf32, #tpu.memory_space<vmem>>
          tpu.wait_dma2 semaphore(%arg12 : memref<!tpu.dma_semaphore, #tpu.memory_space<semaphore_mem>>) src(%dma_wait3A_545 : memref<256x64xf32, #tpu.memory_space<vmem>>) dst(%dma_wait3A_541 : memref<256x64xf32, #tpu.memory_space<hbm>>)
        } else {
        }
        %add3A_493 = arith.constant 5 : i32
        %add3A_494 = arith.addi %add3A_252, %add3A_493 : i32
        %sub3A_495 = arith.constant 1 : i32
        %sub3A_496 = arith.subi %add3A_494, %sub3A_495 : i32
        %mul3A_497 = arith.constant 2 : i32
        %mul3A_498 = arith.muli %mul3A_497, %sub3A_496 : i32
        %add3A_499 = arith.constant 0 : i32
        %add3A_500 = arith.addi %mul3A_498, %add3A_499 : i32
        %dma_start3A_501 = arith.constant 0 : i32
        %dma_start3A_502 = arith.constant 0 : i32
        %dma_start3A_503 = arith.constant 0 : i32
        %dma_start3A_504 = tpu.memref_slice %arg6[%dma_start3A_501, %dma_start3A_502, %dma_start3A_503] : memref<5x256x64xf32, #tpu.memory_space<vmem>> -> memref<1x128x64xf32, #tpu.memory_space<vmem>>
        %dma_start3A_505 = tpu.memref_squeeze %dma_start3A_504 : memref<1x128x64xf32, #tpu.memory_space<vmem>> -> memref<128x64xf32, #tpu.memory_space<vmem>>
        %dma_start3A_506 = arith.constant 0 : i32
        %dma_start3A_507 = tpu.memref_slice %arg5[%add3A_500, %dma_start3A_506] : memref<50x128xi32, #tpu.memory_space<vmem>> -> memref<1x128xi32, #tpu.memory_space<vmem>>
        %dma_start3A_508 = tpu.memref_squeeze %dma_start3A_507 : memref<1x128xi32, #tpu.memory_space<vmem>> -> memref<128xi32, #tpu.memory_space<vmem>>
        %dma_start3A_509 = arith.constant 0 : i32
        %dma_start3A_510 = arith.constant 0 : i32
        %dma_start3A_511 = tpu.memref_slice %arg3[%dma_start3A_509, %dma_start3A_510] : memref<100000x64xf32, #tpu.memory_space<hbm>> -> memref<100000x64xf32, #tpu.memory_space<hbm>>
        tpu.enqueue_indirect_dma source(%dma_start3A_511 : memref<100000x64xf32, #tpu.memory_space<hbm>>) target(%dma_start3A_505 : memref<128x64xf32, #tpu.memory_space<vmem>>) offsets(%dma_start3A_508 : memref<128xi32, #tpu.memory_space<vmem>>) semaphore(%arg7 : memref<!tpu.dma_semaphore, #tpu.memory_space<semaphore_mem>>)
        %mul3A_512 = arith.constant 2 : i32
        %mul3A_513 = arith.muli %mul3A_512, %sub3A_496 : i32
        %add3A_514 = arith.constant 1 : i32
        %add3A_515 = arith.addi %mul3A_513, %add3A_514 : i32
        %dma_start3A_516 = arith.constant 0 : i32
        %dma_start3A_517 = arith.constant 128 : i32
        %dma_start3A_518 = arith.constant 0 : i32
        %dma_start3A_519 = tpu.memref_slice %arg6[%dma_start3A_516, %dma_start3A_517, %dma_start3A_518] : memref<5x256x64xf32, #tpu.memory_space<vmem>> -> memref<1x128x64xf32, #tpu.memory_space<vmem>>
        %dma_start3A_520 = tpu.memref_squeeze %dma_start3A_519 : memref<1x128x64xf32, #tpu.memory_space<vmem>> -> memref<128x64xf32, #tpu.memory_space<vmem>>
        %dma_start3A_521 = arith.constant 0 : i32
        %dma_start3A_522 = tpu.memref_slice %arg5[%add3A_515, %dma_start3A_521] : memref<50x128xi32, #tpu.memory_space<vmem>> -> memref<1x128xi32, #tpu.memory_space<vmem>>
        %dma_start3A_523 = tpu.memref_squeeze %dma_start3A_522 : memref<1x128xi32, #tpu.memory_space<vmem>> -> memref<128xi32, #tpu.memory_space<vmem>>
        %dma_start3A_524 = arith.constant 0 : i32
        %dma_start3A_525 = arith.constant 0 : i32
        %dma_start3A_526 = tpu.memref_slice %arg3[%dma_start3A_524, %dma_start3A_525] : memref<100000x64xf32, #tpu.memory_space<hbm>> -> memref<100000x64xf32, #tpu.memory_space<hbm>>
        tpu.enqueue_indirect_dma source(%dma_start3A_526 : memref<100000x64xf32, #tpu.memory_space<hbm>>) target(%dma_start3A_520 : memref<128x64xf32, #tpu.memory_space<vmem>>) offsets(%dma_start3A_523 : memref<128xi32, #tpu.memory_space<vmem>>) semaphore(%arg7 : memref<!tpu.dma_semaphore, #tpu.memory_space<semaphore_mem>>)
      } else {
      }
      %mul3A_309 = arith.constant 5 : i32
      %mul3A_310 = arith.muli %scan3A_192, %mul3A_309 : i32
      %add3A_311 = arith.constant 2 : i32
      %add3A_312 = arith.addi %mul3A_310, %add3A_311 : i32
      %mul3A_313 = arith.constant 2 : i32
      %mul3A_314 = arith.muli %mul3A_313, %add3A_312 : i32
      %add3A_315 = arith.constant 0 : i32
      %add3A_316 = arith.addi %mul3A_314, %add3A_315 : i32
      %dma_wait3A_317 = arith.constant 2 : i32
      %dma_wait3A_318 = arith.constant 0 : i32
      %dma_wait3A_319 = arith.constant 0 : i32
      %dma_wait3A_320 = tpu.memref_slice %arg6[%dma_wait3A_317, %dma_wait3A_318, %dma_wait3A_319] : memref<5x256x64xf32, #tpu.memory_space<vmem>> -> memref<1x128x64xf32, #tpu.memory_space<vmem>>
      %dma_wait3A_321 = tpu.memref_squeeze %dma_wait3A_320 : memref<1x128x64xf32, #tpu.memory_space<vmem>> -> memref<128x64xf32, #tpu.memory_space<vmem>>
      %dma_wait3A_322 = arith.constant 0 : i32
      %dma_wait3A_323 = tpu.memref_slice %arg5[%add3A_316, %dma_wait3A_322] : memref<50x128xi32, #tpu.memory_space<vmem>> -> memref<1x128xi32, #tpu.memory_space<vmem>>
      %dma_wait3A_324 = tpu.memref_squeeze %dma_wait3A_323 : memref<1x128xi32, #tpu.memory_space<vmem>> -> memref<128xi32, #tpu.memory_space<vmem>>
      %dma_wait3A_325 = arith.constant 0 : i32
      %dma_wait3A_326 = arith.constant 0 : i32
      %dma_wait3A_327 = tpu.memref_slice %arg3[%dma_wait3A_325, %dma_wait3A_326] : memref<100000x64xf32, #tpu.memory_space<hbm>> -> memref<100000x64xf32, #tpu.memory_space<hbm>>
      tpu.wait_indirect_dma semaphore(%arg9 : memref<!tpu.dma_semaphore, #tpu.memory_space<semaphore_mem>>) src(%dma_wait3A_327 : memref<100000x64xf32, #tpu.memory_space<hbm>>) dst(%dma_wait3A_321 : memref<128x64xf32, #tpu.memory_space<vmem>>)
      %mul3A_328 = arith.constant 2 : i32
      %mul3A_329 = arith.muli %mul3A_328, %add3A_312 : i32
      %add3A_330 = arith.constant 1 : i32
      %add3A_331 = arith.addi %mul3A_329, %add3A_330 : i32
      %dma_wait3A_332 = arith.constant 2 : i32
      %dma_wait3A_333 = arith.constant 128 : i32
      %dma_wait3A_334 = arith.constant 0 : i32
      %dma_wait3A_335 = tpu.memref_slice %arg6[%dma_wait3A_332, %dma_wait3A_333, %dma_wait3A_334] : memref<5x256x64xf32, #tpu.memory_space<vmem>> -> memref<1x128x64xf32, #tpu.memory_space<vmem>>
      %dma_wait3A_336 = tpu.memref_squeeze %dma_wait3A_335 : memref<1x128x64xf32, #tpu.memory_space<vmem>> -> memref<128x64xf32, #tpu.memory_space<vmem>>
      %dma_wait3A_337 = arith.constant 0 : i32
      %dma_wait3A_338 = tpu.memref_slice %arg5[%add3A_331, %dma_wait3A_337] : memref<50x128xi32, #tpu.memory_space<vmem>> -> memref<1x128xi32, #tpu.memory_space<vmem>>
      %dma_wait3A_339 = tpu.memref_squeeze %dma_wait3A_338 : memref<1x128xi32, #tpu.memory_space<vmem>> -> memref<128xi32, #tpu.memory_space<vmem>>
      %dma_wait3A_340 = arith.constant 0 : i32
      %dma_wait3A_341 = arith.constant 0 : i32
      %dma_wait3A_342 = tpu.memref_slice %arg3[%dma_wait3A_340, %dma_wait3A_341] : memref<100000x64xf32, #tpu.memory_space<hbm>> -> memref<100000x64xf32, #tpu.memory_space<hbm>>
      tpu.wait_indirect_dma semaphore(%arg9 : memref<!tpu.dma_semaphore, #tpu.memory_space<semaphore_mem>>) src(%dma_wait3A_342 : memref<100000x64xf32, #tpu.memory_space<hbm>>) dst(%dma_wait3A_336 : memref<128x64xf32, #tpu.memory_space<vmem>>)
      %dma_start3A_343 = arith.constant 2 : i32
      %dma_start3A_344 = arith.constant 0 : i32
      %dma_start3A_345 = arith.constant 0 : i32
      %dma_start3A_346 = tpu.memref_slice %arg6[%dma_start3A_343, %dma_start3A_344, %dma_start3A_345] : memref<5x256x64xf32, #tpu.memory_space<vmem>> -> memref<1x256x64xf32, #tpu.memory_space<vmem>>
      %dma_start3A_347 = tpu.memref_squeeze %dma_start3A_346 : memref<1x256x64xf32, #tpu.memory_space<vmem>> -> memref<256x64xf32, #tpu.memory_space<vmem>>
      %dma_start3A_348 = arith.constant 0 : i32
      %dma_start3A_349 = arith.constant 0 : i32
      %dma_start3A_350 = tpu.memref_slice %arg4[%add3A, %add3A_312, %dma_start3A_348, %dma_start3A_349] : memref<32x25x256x64xf32, #tpu.memory_space<hbm>> -> memref<1x1x256x64xf32, #tpu.memory_space<hbm>>
      %dma_start3A_351 = tpu.memref_squeeze %dma_start3A_350 : memref<1x1x256x64xf32, #tpu.memory_space<hbm>> -> memref<256x64xf32, #tpu.memory_space<hbm>>
      %dma_start3A_352 = arith.constant 0 : i32
      %dma_start3A_353 = arith.constant 0 : i32
      %dma_start3A_354 = tpu.memref_slice %arg4[%add3A, %add3A_312, %dma_start3A_352, %dma_start3A_353] : memref<32x25x256x64xf32, #tpu.memory_space<hbm>> -> memref<1x1x256x64xf32, #tpu.memory_space<hbm>>
      %dma_start3A_355 = tpu.memref_squeeze %dma_start3A_354 : memref<1x1x256x64xf32, #tpu.memory_space<hbm>> -> memref<256x64xf32, #tpu.memory_space<hbm>>
      %dma_start3A_356 = arith.constant 0 : i32
      %dma_start3A_357 = arith.constant 0 : i32
      %dma_start3A_358 = tpu.memref_slice %arg6[%dma_start3A_343, %dma_start3A_356, %dma_start3A_357] : memref<5x256x64xf32, #tpu.memory_space<vmem>> -> memref<1x256x64xf32, #tpu.memory_space<vmem>>
      %dma_start3A_359 = tpu.memref_squeeze %dma_start3A_358 : memref<1x256x64xf32, #tpu.memory_space<vmem>> -> memref<256x64xf32, #tpu.memory_space<vmem>>
      tpu.enqueue_dma source(%dma_start3A_359 : memref<256x64xf32, #tpu.memory_space<vmem>>) target(%dma_start3A_355 : memref<256x64xf32, #tpu.memory_space<hbm>>) target_semaphore(%arg14 : memref<!tpu.dma_semaphore, #tpu.memory_space<semaphore_mem>>)
      %add3A_360 = arith.constant 5 : i32
      %add3A_361 = arith.addi %add3A_312, %add3A_360 : i32
      %sub3A_362 = arith.constant 1 : i32
      %sub3A_363 = arith.subi %add3A_361, %sub3A_362 : i32
      %lt3A_364 = arith.constant 25 : i32
      %lt3A_365 = arith.cmpi slt, %sub3A_363, %lt3A_364 : i32
      %convert_element_type3A_366 = arith.extui %lt3A_365 : i1 to i32
      %cond3A_367 = arith.constant 0 : i32
      %cond3A_368 = arith.cmpi ne, %convert_element_type3A_366, %cond3A_367 : i32
      scf.if %cond3A_368 {
        %ge3A = arith.constant 1 : i32
        %ge3A_489 = arith.cmpi sge, %add3A_312, %ge3A : i32
        %convert_element_type3A_490 = arith.extui %ge3A_489 : i1 to i32
        %cond3A_491 = arith.constant 0 : i32
        %cond3A_492 = arith.cmpi ne, %convert_element_type3A_490, %cond3A_491 : i32
        scf.if %cond3A_492 {
          %sub3A_527 = arith.constant 1 : i32
          %sub3A_528 = arith.subi %add3A_312, %sub3A_527 : i32
          %dma_wait3A_529 = arith.constant 1 : i32
          %dma_wait3A_530 = arith.constant 0 : i32
          %dma_wait3A_531 = arith.constant 0 : i32
          %dma_wait3A_532 = tpu.memref_slice %arg6[%dma_wait3A_529, %dma_wait3A_530, %dma_wait3A_531] : memref<5x256x64xf32, #tpu.memory_space<vmem>> -> memref<1x256x64xf32, #tpu.memory_space<vmem>>
          %dma_wait3A_533 = tpu.memref_squeeze %dma_wait3A_532 : memref<1x256x64xf32, #tpu.memory_space<vmem>> -> memref<256x64xf32, #tpu.memory_space<vmem>>
          %dma_wait3A_534 = arith.constant 0 : i32
          %dma_wait3A_535 = arith.constant 0 : i32
          %dma_wait3A_536 = tpu.memref_slice %arg4[%add3A, %sub3A_528, %dma_wait3A_534, %dma_wait3A_535] : memref<32x25x256x64xf32, #tpu.memory_space<hbm>> -> memref<1x1x256x64xf32, #tpu.memory_space<hbm>>
          %dma_wait3A_537 = tpu.memref_squeeze %dma_wait3A_536 : memref<1x1x256x64xf32, #tpu.memory_space<hbm>> -> memref<256x64xf32, #tpu.memory_space<hbm>>
          %dma_wait3A_538 = arith.constant 0 : i32
          %dma_wait3A_539 = arith.constant 0 : i32
          %dma_wait3A_540 = tpu.memref_slice %arg4[%add3A, %sub3A_528, %dma_wait3A_538, %dma_wait3A_539] : memref<32x25x256x64xf32, #tpu.memory_space<hbm>> -> memref<1x1x256x64xf32, #tpu.memory_space<hbm>>
          %dma_wait3A_541 = tpu.memref_squeeze %dma_wait3A_540 : memref<1x1x256x64xf32, #tpu.memory_space<hbm>> -> memref<256x64xf32, #tpu.memory_space<hbm>>
          %dma_wait3A_542 = arith.constant 0 : i32
          %dma_wait3A_543 = arith.constant 0 : i32
          %dma_wait3A_544 = tpu.memref_slice %arg6[%dma_wait3A_529, %dma_wait3A_542, %dma_wait3A_543] : memref<5x256x64xf32, #tpu.memory_space<vmem>> -> memref<1x256x64xf32, #tpu.memory_space<vmem>>
          %dma_wait3A_545 = tpu.memref_squeeze %dma_wait3A_544 : memref<1x256x64xf32, #tpu.memory_space<vmem>> -> memref<256x64xf32, #tpu.memory_space<vmem>>
          tpu.wait_dma2 semaphore(%arg13 : memref<!tpu.dma_semaphore, #tpu.memory_space<semaphore_mem>>) src(%dma_wait3A_545 : memref<256x64xf32, #tpu.memory_space<vmem>>) dst(%dma_wait3A_541 : memref<256x64xf32, #tpu.memory_space<hbm>>)
        } else {
        }
        %add3A_493 = arith.constant 5 : i32
        %add3A_494 = arith.addi %add3A_312, %add3A_493 : i32
        %sub3A_495 = arith.constant 1 : i32
        %sub3A_496 = arith.subi %add3A_494, %sub3A_495 : i32
        %mul3A_497 = arith.constant 2 : i32
        %mul3A_498 = arith.muli %mul3A_497, %sub3A_496 : i32
        %add3A_499 = arith.constant 0 : i32
        %add3A_500 = arith.addi %mul3A_498, %add3A_499 : i32
        %dma_start3A_501 = arith.constant 1 : i32
        %dma_start3A_502 = arith.constant 0 : i32
        %dma_start3A_503 = arith.constant 0 : i32
        %dma_start3A_504 = tpu.memref_slice %arg6[%dma_start3A_501, %dma_start3A_502, %dma_start3A_503] : memref<5x256x64xf32, #tpu.memory_space<vmem>> -> memref<1x128x64xf32, #tpu.memory_space<vmem>>
        %dma_start3A_505 = tpu.memref_squeeze %dma_start3A_504 : memref<1x128x64xf32, #tpu.memory_space<vmem>> -> memref<128x64xf32, #tpu.memory_space<vmem>>
        %dma_start3A_506 = arith.constant 0 : i32
        %dma_start3A_507 = tpu.memref_slice %arg5[%add3A_500, %dma_start3A_506] : memref<50x128xi32, #tpu.memory_space<vmem>> -> memref<1x128xi32, #tpu.memory_space<vmem>>
        %dma_start3A_508 = tpu.memref_squeeze %dma_start3A_507 : memref<1x128xi32, #tpu.memory_space<vmem>> -> memref<128xi32, #tpu.memory_space<vmem>>
        %dma_start3A_509 = arith.constant 0 : i32
        %dma_start3A_510 = arith.constant 0 : i32
        %dma_start3A_511 = tpu.memref_slice %arg3[%dma_start3A_509, %dma_start3A_510] : memref<100000x64xf32, #tpu.memory_space<hbm>> -> memref<100000x64xf32, #tpu.memory_space<hbm>>
        tpu.enqueue_indirect_dma source(%dma_start3A_511 : memref<100000x64xf32, #tpu.memory_space<hbm>>) target(%dma_start3A_505 : memref<128x64xf32, #tpu.memory_space<vmem>>) offsets(%dma_start3A_508 : memref<128xi32, #tpu.memory_space<vmem>>) semaphore(%arg8 : memref<!tpu.dma_semaphore, #tpu.memory_space<semaphore_mem>>)
        %mul3A_512 = arith.constant 2 : i32
        %mul3A_513 = arith.muli %mul3A_512, %sub3A_496 : i32
        %add3A_514 = arith.constant 1 : i32
        %add3A_515 = arith.addi %mul3A_513, %add3A_514 : i32
        %dma_start3A_516 = arith.constant 1 : i32
        %dma_start3A_517 = arith.constant 128 : i32
        %dma_start3A_518 = arith.constant 0 : i32
        %dma_start3A_519 = tpu.memref_slice %arg6[%dma_start3A_516, %dma_start3A_517, %dma_start3A_518] : memref<5x256x64xf32, #tpu.memory_space<vmem>> -> memref<1x128x64xf32, #tpu.memory_space<vmem>>
        %dma_start3A_520 = tpu.memref_squeeze %dma_start3A_519 : memref<1x128x64xf32, #tpu.memory_space<vmem>> -> memref<128x64xf32, #tpu.memory_space<vmem>>
        %dma_start3A_521 = arith.constant 0 : i32
        %dma_start3A_522 = tpu.memref_slice %arg5[%add3A_515, %dma_start3A_521] : memref<50x128xi32, #tpu.memory_space<vmem>> -> memref<1x128xi32, #tpu.memory_space<vmem>>
        %dma_start3A_523 = tpu.memref_squeeze %dma_start3A_522 : memref<1x128xi32, #tpu.memory_space<vmem>> -> memref<128xi32, #tpu.memory_space<vmem>>
        %dma_start3A_524 = arith.constant 0 : i32
        %dma_start3A_525 = arith.constant 0 : i32
        %dma_start3A_526 = tpu.memref_slice %arg3[%dma_start3A_524, %dma_start3A_525] : memref<100000x64xf32, #tpu.memory_space<hbm>> -> memref<100000x64xf32, #tpu.memory_space<hbm>>
        tpu.enqueue_indirect_dma source(%dma_start3A_526 : memref<100000x64xf32, #tpu.memory_space<hbm>>) target(%dma_start3A_520 : memref<128x64xf32, #tpu.memory_space<vmem>>) offsets(%dma_start3A_523 : memref<128xi32, #tpu.memory_space<vmem>>) semaphore(%arg8 : memref<!tpu.dma_semaphore, #tpu.memory_space<semaphore_mem>>)
      } else {
      }
      %mul3A_369 = arith.constant 5 : i32
      %mul3A_370 = arith.muli %scan3A_192, %mul3A_369 : i32
      %add3A_371 = arith.constant 3 : i32
      %add3A_372 = arith.addi %mul3A_370, %add3A_371 : i32
      %mul3A_373 = arith.constant 2 : i32
      %mul3A_374 = arith.muli %mul3A_373, %add3A_372 : i32
      %add3A_375 = arith.constant 0 : i32
      %add3A_376 = arith.addi %mul3A_374, %add3A_375 : i32
      %dma_wait3A_377 = arith.constant 3 : i32
      %dma_wait3A_378 = arith.constant 0 : i32
      %dma_wait3A_379 = arith.constant 0 : i32
      %dma_wait3A_380 = tpu.memref_slice %arg6[%dma_wait3A_377, %dma_wait3A_378, %dma_wait3A_379] : memref<5x256x64xf32, #tpu.memory_space<vmem>> -> memref<1x128x64xf32, #tpu.memory_space<vmem>>
      %dma_wait3A_381 = tpu.memref_squeeze %dma_wait3A_380 : memref<1x128x64xf32, #tpu.memory_space<vmem>> -> memref<128x64xf32, #tpu.memory_space<vmem>>
      %dma_wait3A_382 = arith.constant 0 : i32
      %dma_wait3A_383 = tpu.memref_slice %arg5[%add3A_376, %dma_wait3A_382] : memref<50x128xi32, #tpu.memory_space<vmem>> -> memref<1x128xi32, #tpu.memory_space<vmem>>
      %dma_wait3A_384 = tpu.memref_squeeze %dma_wait3A_383 : memref<1x128xi32, #tpu.memory_space<vmem>> -> memref<128xi32, #tpu.memory_space<vmem>>
      %dma_wait3A_385 = arith.constant 0 : i32
      %dma_wait3A_386 = arith.constant 0 : i32
      %dma_wait3A_387 = tpu.memref_slice %arg3[%dma_wait3A_385, %dma_wait3A_386] : memref<100000x64xf32, #tpu.memory_space<hbm>> -> memref<100000x64xf32, #tpu.memory_space<hbm>>
      tpu.wait_indirect_dma semaphore(%arg10 : memref<!tpu.dma_semaphore, #tpu.memory_space<semaphore_mem>>) src(%dma_wait3A_387 : memref<100000x64xf32, #tpu.memory_space<hbm>>) dst(%dma_wait3A_381 : memref<128x64xf32, #tpu.memory_space<vmem>>)
      %mul3A_388 = arith.constant 2 : i32
      %mul3A_389 = arith.muli %mul3A_388, %add3A_372 : i32
      %add3A_390 = arith.constant 1 : i32
      %add3A_391 = arith.addi %mul3A_389, %add3A_390 : i32
      %dma_wait3A_392 = arith.constant 3 : i32
      %dma_wait3A_393 = arith.constant 128 : i32
      %dma_wait3A_394 = arith.constant 0 : i32
      %dma_wait3A_395 = tpu.memref_slice %arg6[%dma_wait3A_392, %dma_wait3A_393, %dma_wait3A_394] : memref<5x256x64xf32, #tpu.memory_space<vmem>> -> memref<1x128x64xf32, #tpu.memory_space<vmem>>
      %dma_wait3A_396 = tpu.memref_squeeze %dma_wait3A_395 : memref<1x128x64xf32, #tpu.memory_space<vmem>> -> memref<128x64xf32, #tpu.memory_space<vmem>>
      %dma_wait3A_397 = arith.constant 0 : i32
      %dma_wait3A_398 = tpu.memref_slice %arg5[%add3A_391, %dma_wait3A_397] : memref<50x128xi32, #tpu.memory_space<vmem>> -> memref<1x128xi32, #tpu.memory_space<vmem>>
      %dma_wait3A_399 = tpu.memref_squeeze %dma_wait3A_398 : memref<1x128xi32, #tpu.memory_space<vmem>> -> memref<128xi32, #tpu.memory_space<vmem>>
      %dma_wait3A_400 = arith.constant 0 : i32
      %dma_wait3A_401 = arith.constant 0 : i32
      %dma_wait3A_402 = tpu.memref_slice %arg3[%dma_wait3A_400, %dma_wait3A_401] : memref<100000x64xf32, #tpu.memory_space<hbm>> -> memref<100000x64xf32, #tpu.memory_space<hbm>>
      tpu.wait_indirect_dma semaphore(%arg10 : memref<!tpu.dma_semaphore, #tpu.memory_space<semaphore_mem>>) src(%dma_wait3A_402 : memref<100000x64xf32, #tpu.memory_space<hbm>>) dst(%dma_wait3A_396 : memref<128x64xf32, #tpu.memory_space<vmem>>)
      %dma_start3A_403 = arith.constant 3 : i32
      %dma_start3A_404 = arith.constant 0 : i32
      %dma_start3A_405 = arith.constant 0 : i32
      %dma_start3A_406 = tpu.memref_slice %arg6[%dma_start3A_403, %dma_start3A_404, %dma_start3A_405] : memref<5x256x64xf32, #tpu.memory_space<vmem>> -> memref<1x256x64xf32, #tpu.memory_space<vmem>>
      %dma_start3A_407 = tpu.memref_squeeze %dma_start3A_406 : memref<1x256x64xf32, #tpu.memory_space<vmem>> -> memref<256x64xf32, #tpu.memory_space<vmem>>
      %dma_start3A_408 = arith.constant 0 : i32
      %dma_start3A_409 = arith.constant 0 : i32
      %dma_start3A_410 = tpu.memref_slice %arg4[%add3A, %add3A_372, %dma_start3A_408, %dma_start3A_409] : memref<32x25x256x64xf32, #tpu.memory_space<hbm>> -> memref<1x1x256x64xf32, #tpu.memory_space<hbm>>
      %dma_start3A_411 = tpu.memref_squeeze %dma_start3A_410 : memref<1x1x256x64xf32, #tpu.memory_space<hbm>> -> memref<256x64xf32, #tpu.memory_space<hbm>>
      %dma_start3A_412 = arith.constant 0 : i32
      %dma_start3A_413 = arith.constant 0 : i32
      %dma_start3A_414 = tpu.memref_slice %arg4[%add3A, %add3A_372, %dma_start3A_412, %dma_start3A_413] : memref<32x25x256x64xf32, #tpu.memory_space<hbm>> -> memref<1x1x256x64xf32, #tpu.memory_space<hbm>>
      %dma_start3A_415 = tpu.memref_squeeze %dma_start3A_414 : memref<1x1x256x64xf32, #tpu.memory_space<hbm>> -> memref<256x64xf32, #tpu.memory_space<hbm>>
      %dma_start3A_416 = arith.constant 0 : i32
      %dma_start3A_417 = arith.constant 0 : i32
      %dma_start3A_418 = tpu.memref_slice %arg6[%dma_start3A_403, %dma_start3A_416, %dma_start3A_417] : memref<5x256x64xf32, #tpu.memory_space<vmem>> -> memref<1x256x64xf32, #tpu.memory_space<vmem>>
      %dma_start3A_419 = tpu.memref_squeeze %dma_start3A_418 : memref<1x256x64xf32, #tpu.memory_space<vmem>> -> memref<256x64xf32, #tpu.memory_space<vmem>>
      tpu.enqueue_dma source(%dma_start3A_419 : memref<256x64xf32, #tpu.memory_space<vmem>>) target(%dma_start3A_415 : memref<256x64xf32, #tpu.memory_space<hbm>>) target_semaphore(%arg15 : memref<!tpu.dma_semaphore, #tpu.memory_space<semaphore_mem>>)
      %add3A_420 = arith.constant 5 : i32
      %add3A_421 = arith.addi %add3A_372, %add3A_420 : i32
      %sub3A_422 = arith.constant 1 : i32
      %sub3A_423 = arith.subi %add3A_421, %sub3A_422 : i32
      %lt3A_424 = arith.constant 25 : i32
      %lt3A_425 = arith.cmpi slt, %sub3A_423, %lt3A_424 : i32
      %convert_element_type3A_426 = arith.extui %lt3A_425 : i1 to i32
      %cond3A_427 = arith.constant 0 : i32
      %cond3A_428 = arith.cmpi ne, %convert_element_type3A_426, %cond3A_427 : i32
      scf.if %cond3A_428 {
        %ge3A = arith.constant 1 : i32
        %ge3A_489 = arith.cmpi sge, %add3A_372, %ge3A : i32
        %convert_element_type3A_490 = arith.extui %ge3A_489 : i1 to i32
        %cond3A_491 = arith.constant 0 : i32
        %cond3A_492 = arith.cmpi ne, %convert_element_type3A_490, %cond3A_491 : i32
        scf.if %cond3A_492 {
          %sub3A_527 = arith.constant 1 : i32
          %sub3A_528 = arith.subi %add3A_372, %sub3A_527 : i32
          %dma_wait3A_529 = arith.constant 2 : i32
          %dma_wait3A_530 = arith.constant 0 : i32
          %dma_wait3A_531 = arith.constant 0 : i32
          %dma_wait3A_532 = tpu.memref_slice %arg6[%dma_wait3A_529, %dma_wait3A_530, %dma_wait3A_531] : memref<5x256x64xf32, #tpu.memory_space<vmem>> -> memref<1x256x64xf32, #tpu.memory_space<vmem>>
          %dma_wait3A_533 = tpu.memref_squeeze %dma_wait3A_532 : memref<1x256x64xf32, #tpu.memory_space<vmem>> -> memref<256x64xf32, #tpu.memory_space<vmem>>
          %dma_wait3A_534 = arith.constant 0 : i32
          %dma_wait3A_535 = arith.constant 0 : i32
          %dma_wait3A_536 = tpu.memref_slice %arg4[%add3A, %sub3A_528, %dma_wait3A_534, %dma_wait3A_535] : memref<32x25x256x64xf32, #tpu.memory_space<hbm>> -> memref<1x1x256x64xf32, #tpu.memory_space<hbm>>
          %dma_wait3A_537 = tpu.memref_squeeze %dma_wait3A_536 : memref<1x1x256x64xf32, #tpu.memory_space<hbm>> -> memref<256x64xf32, #tpu.memory_space<hbm>>
          %dma_wait3A_538 = arith.constant 0 : i32
          %dma_wait3A_539 = arith.constant 0 : i32
          %dma_wait3A_540 = tpu.memref_slice %arg4[%add3A, %sub3A_528, %dma_wait3A_538, %dma_wait3A_539] : memref<32x25x256x64xf32, #tpu.memory_space<hbm>> -> memref<1x1x256x64xf32, #tpu.memory_space<hbm>>
          %dma_wait3A_541 = tpu.memref_squeeze %dma_wait3A_540 : memref<1x1x256x64xf32, #tpu.memory_space<hbm>> -> memref<256x64xf32, #tpu.memory_space<hbm>>
          %dma_wait3A_542 = arith.constant 0 : i32
          %dma_wait3A_543 = arith.constant 0 : i32
          %dma_wait3A_544 = tpu.memref_slice %arg6[%dma_wait3A_529, %dma_wait3A_542, %dma_wait3A_543] : memref<5x256x64xf32, #tpu.memory_space<vmem>> -> memref<1x256x64xf32, #tpu.memory_space<vmem>>
          %dma_wait3A_545 = tpu.memref_squeeze %dma_wait3A_544 : memref<1x256x64xf32, #tpu.memory_space<vmem>> -> memref<256x64xf32, #tpu.memory_space<vmem>>
          tpu.wait_dma2 semaphore(%arg14 : memref<!tpu.dma_semaphore, #tpu.memory_space<semaphore_mem>>) src(%dma_wait3A_545 : memref<256x64xf32, #tpu.memory_space<vmem>>) dst(%dma_wait3A_541 : memref<256x64xf32, #tpu.memory_space<hbm>>)
        } else {
        }
        %add3A_493 = arith.constant 5 : i32
        %add3A_494 = arith.addi %add3A_372, %add3A_493 : i32
        %sub3A_495 = arith.constant 1 : i32
        %sub3A_496 = arith.subi %add3A_494, %sub3A_495 : i32
        %mul3A_497 = arith.constant 2 : i32
        %mul3A_498 = arith.muli %mul3A_497, %sub3A_496 : i32
        %add3A_499 = arith.constant 0 : i32
        %add3A_500 = arith.addi %mul3A_498, %add3A_499 : i32
        %dma_start3A_501 = arith.constant 2 : i32
        %dma_start3A_502 = arith.constant 0 : i32
        %dma_start3A_503 = arith.constant 0 : i32
        %dma_start3A_504 = tpu.memref_slice %arg6[%dma_start3A_501, %dma_start3A_502, %dma_start3A_503] : memref<5x256x64xf32, #tpu.memory_space<vmem>> -> memref<1x128x64xf32, #tpu.memory_space<vmem>>
        %dma_start3A_505 = tpu.memref_squeeze %dma_start3A_504 : memref<1x128x64xf32, #tpu.memory_space<vmem>> -> memref<128x64xf32, #tpu.memory_space<vmem>>
        %dma_start3A_506 = arith.constant 0 : i32
        %dma_start3A_507 = tpu.memref_slice %arg5[%add3A_500, %dma_start3A_506] : memref<50x128xi32, #tpu.memory_space<vmem>> -> memref<1x128xi32, #tpu.memory_space<vmem>>
        %dma_start3A_508 = tpu.memref_squeeze %dma_start3A_507 : memref<1x128xi32, #tpu.memory_space<vmem>> -> memref<128xi32, #tpu.memory_space<vmem>>
        %dma_start3A_509 = arith.constant 0 : i32
        %dma_start3A_510 = arith.constant 0 : i32
        %dma_start3A_511 = tpu.memref_slice %arg3[%dma_start3A_509, %dma_start3A_510] : memref<100000x64xf32, #tpu.memory_space<hbm>> -> memref<100000x64xf32, #tpu.memory_space<hbm>>
        tpu.enqueue_indirect_dma source(%dma_start3A_511 : memref<100000x64xf32, #tpu.memory_space<hbm>>) target(%dma_start3A_505 : memref<128x64xf32, #tpu.memory_space<vmem>>) offsets(%dma_start3A_508 : memref<128xi32, #tpu.memory_space<vmem>>) semaphore(%arg9 : memref<!tpu.dma_semaphore, #tpu.memory_space<semaphore_mem>>)
        %mul3A_512 = arith.constant 2 : i32
        %mul3A_513 = arith.muli %mul3A_512, %sub3A_496 : i32
        %add3A_514 = arith.constant 1 : i32
        %add3A_515 = arith.addi %mul3A_513, %add3A_514 : i32
        %dma_start3A_516 = arith.constant 2 : i32
        %dma_start3A_517 = arith.constant 128 : i32
        %dma_start3A_518 = arith.constant 0 : i32
        %dma_start3A_519 = tpu.memref_slice %arg6[%dma_start3A_516, %dma_start3A_517, %dma_start3A_518] : memref<5x256x64xf32, #tpu.memory_space<vmem>> -> memref<1x128x64xf32, #tpu.memory_space<vmem>>
        %dma_start3A_520 = tpu.memref_squeeze %dma_start3A_519 : memref<1x128x64xf32, #tpu.memory_space<vmem>> -> memref<128x64xf32, #tpu.memory_space<vmem>>
        %dma_start3A_521 = arith.constant 0 : i32
        %dma_start3A_522 = tpu.memref_slice %arg5[%add3A_515, %dma_start3A_521] : memref<50x128xi32, #tpu.memory_space<vmem>> -> memref<1x128xi32, #tpu.memory_space<vmem>>
        %dma_start3A_523 = tpu.memref_squeeze %dma_start3A_522 : memref<1x128xi32, #tpu.memory_space<vmem>> -> memref<128xi32, #tpu.memory_space<vmem>>
        %dma_start3A_524 = arith.constant 0 : i32
        %dma_start3A_525 = arith.constant 0 : i32
        %dma_start3A_526 = tpu.memref_slice %arg3[%dma_start3A_524, %dma_start3A_525] : memref<100000x64xf32, #tpu.memory_space<hbm>> -> memref<100000x64xf32, #tpu.memory_space<hbm>>
        tpu.enqueue_indirect_dma source(%dma_start3A_526 : memref<100000x64xf32, #tpu.memory_space<hbm>>) target(%dma_start3A_520 : memref<128x64xf32, #tpu.memory_space<vmem>>) offsets(%dma_start3A_523 : memref<128xi32, #tpu.memory_space<vmem>>) semaphore(%arg9 : memref<!tpu.dma_semaphore, #tpu.memory_space<semaphore_mem>>)
      } else {
      }
      %mul3A_429 = arith.constant 5 : i32
      %mul3A_430 = arith.muli %scan3A_192, %mul3A_429 : i32
      %add3A_431 = arith.constant 4 : i32
      %add3A_432 = arith.addi %mul3A_430, %add3A_431 : i32
      %mul3A_433 = arith.constant 2 : i32
      %mul3A_434 = arith.muli %mul3A_433, %add3A_432 : i32
      %add3A_435 = arith.constant 0 : i32
      %add3A_436 = arith.addi %mul3A_434, %add3A_435 : i32
      %dma_wait3A_437 = arith.constant 4 : i32
      %dma_wait3A_438 = arith.constant 0 : i32
      %dma_wait3A_439 = arith.constant 0 : i32
      %dma_wait3A_440 = tpu.memref_slice %arg6[%dma_wait3A_437, %dma_wait3A_438, %dma_wait3A_439] : memref<5x256x64xf32, #tpu.memory_space<vmem>> -> memref<1x128x64xf32, #tpu.memory_space<vmem>>
      %dma_wait3A_441 = tpu.memref_squeeze %dma_wait3A_440 : memref<1x128x64xf32, #tpu.memory_space<vmem>> -> memref<128x64xf32, #tpu.memory_space<vmem>>
      %dma_wait3A_442 = arith.constant 0 : i32
      %dma_wait3A_443 = tpu.memref_slice %arg5[%add3A_436, %dma_wait3A_442] : memref<50x128xi32, #tpu.memory_space<vmem>> -> memref<1x128xi32, #tpu.memory_space<vmem>>
      %dma_wait3A_444 = tpu.memref_squeeze %dma_wait3A_443 : memref<1x128xi32, #tpu.memory_space<vmem>> -> memref<128xi32, #tpu.memory_space<vmem>>
      %dma_wait3A_445 = arith.constant 0 : i32
      %dma_wait3A_446 = arith.constant 0 : i32
      %dma_wait3A_447 = tpu.memref_slice %arg3[%dma_wait3A_445, %dma_wait3A_446] : memref<100000x64xf32, #tpu.memory_space<hbm>> -> memref<100000x64xf32, #tpu.memory_space<hbm>>
      tpu.wait_indirect_dma semaphore(%arg11 : memref<!tpu.dma_semaphore, #tpu.memory_space<semaphore_mem>>) src(%dma_wait3A_447 : memref<100000x64xf32, #tpu.memory_space<hbm>>) dst(%dma_wait3A_441 : memref<128x64xf32, #tpu.memory_space<vmem>>)
      %mul3A_448 = arith.constant 2 : i32
      %mul3A_449 = arith.muli %mul3A_448, %add3A_432 : i32
      %add3A_450 = arith.constant 1 : i32
      %add3A_451 = arith.addi %mul3A_449, %add3A_450 : i32
      %dma_wait3A_452 = arith.constant 4 : i32
      %dma_wait3A_453 = arith.constant 128 : i32
      %dma_wait3A_454 = arith.constant 0 : i32
      %dma_wait3A_455 = tpu.memref_slice %arg6[%dma_wait3A_452, %dma_wait3A_453, %dma_wait3A_454] : memref<5x256x64xf32, #tpu.memory_space<vmem>> -> memref<1x128x64xf32, #tpu.memory_space<vmem>>
      %dma_wait3A_456 = tpu.memref_squeeze %dma_wait3A_455 : memref<1x128x64xf32, #tpu.memory_space<vmem>> -> memref<128x64xf32, #tpu.memory_space<vmem>>
      %dma_wait3A_457 = arith.constant 0 : i32
      %dma_wait3A_458 = tpu.memref_slice %arg5[%add3A_451, %dma_wait3A_457] : memref<50x128xi32, #tpu.memory_space<vmem>> -> memref<1x128xi32, #tpu.memory_space<vmem>>
      %dma_wait3A_459 = tpu.memref_squeeze %dma_wait3A_458 : memref<1x128xi32, #tpu.memory_space<vmem>> -> memref<128xi32, #tpu.memory_space<vmem>>
      %dma_wait3A_460 = arith.constant 0 : i32
      %dma_wait3A_461 = arith.constant 0 : i32
      %dma_wait3A_462 = tpu.memref_slice %arg3[%dma_wait3A_460, %dma_wait3A_461] : memref<100000x64xf32, #tpu.memory_space<hbm>> -> memref<100000x64xf32, #tpu.memory_space<hbm>>
      tpu.wait_indirect_dma semaphore(%arg11 : memref<!tpu.dma_semaphore, #tpu.memory_space<semaphore_mem>>) src(%dma_wait3A_462 : memref<100000x64xf32, #tpu.memory_space<hbm>>) dst(%dma_wait3A_456 : memref<128x64xf32, #tpu.memory_space<vmem>>)
      %dma_start3A_463 = arith.constant 4 : i32
      %dma_start3A_464 = arith.constant 0 : i32
      %dma_start3A_465 = arith.constant 0 : i32
      %dma_start3A_466 = tpu.memref_slice %arg6[%dma_start3A_463, %dma_start3A_464, %dma_start3A_465] : memref<5x256x64xf32, #tpu.memory_space<vmem>> -> memref<1x256x64xf32, #tpu.memory_space<vmem>>
      %dma_start3A_467 = tpu.memref_squeeze %dma_start3A_466 : memref<1x256x64xf32, #tpu.memory_space<vmem>> -> memref<256x64xf32, #tpu.memory_space<vmem>>
      %dma_start3A_468 = arith.constant 0 : i32
      %dma_start3A_469 = arith.constant 0 : i32
      %dma_start3A_470 = tpu.memref_slice %arg4[%add3A, %add3A_432, %dma_start3A_468, %dma_start3A_469] : memref<32x25x256x64xf32, #tpu.memory_space<hbm>> -> memref<1x1x256x64xf32, #tpu.memory_space<hbm>>
      %dma_start3A_471 = tpu.memref_squeeze %dma_start3A_470 : memref<1x1x256x64xf32, #tpu.memory_space<hbm>> -> memref<256x64xf32, #tpu.memory_space<hbm>>
      %dma_start3A_472 = arith.constant 0 : i32
      %dma_start3A_473 = arith.constant 0 : i32
      %dma_start3A_474 = tpu.memref_slice %arg4[%add3A, %add3A_432, %dma_start3A_472, %dma_start3A_473] : memref<32x25x256x64xf32, #tpu.memory_space<hbm>> -> memref<1x1x256x64xf32, #tpu.memory_space<hbm>>
      %dma_start3A_475 = tpu.memref_squeeze %dma_start3A_474 : memref<1x1x256x64xf32, #tpu.memory_space<hbm>> -> memref<256x64xf32, #tpu.memory_space<hbm>>
      %dma_start3A_476 = arith.constant 0 : i32
      %dma_start3A_477 = arith.constant 0 : i32
      %dma_start3A_478 = tpu.memref_slice %arg6[%dma_start3A_463, %dma_start3A_476, %dma_start3A_477] : memref<5x256x64xf32, #tpu.memory_space<vmem>> -> memref<1x256x64xf32, #tpu.memory_space<vmem>>
      %dma_start3A_479 = tpu.memref_squeeze %dma_start3A_478 : memref<1x256x64xf32, #tpu.memory_space<vmem>> -> memref<256x64xf32, #tpu.memory_space<vmem>>
      tpu.enqueue_dma source(%dma_start3A_479 : memref<256x64xf32, #tpu.memory_space<vmem>>) target(%dma_start3A_475 : memref<256x64xf32, #tpu.memory_space<hbm>>) target_semaphore(%arg16 : memref<!tpu.dma_semaphore, #tpu.memory_space<semaphore_mem>>)
      %add3A_480 = arith.constant 5 : i32
      %add3A_481 = arith.addi %add3A_432, %add3A_480 : i32
      %sub3A_482 = arith.constant 1 : i32
      %sub3A_483 = arith.subi %add3A_481, %sub3A_482 : i32
      %lt3A_484 = arith.constant 25 : i32
      %lt3A_485 = arith.cmpi slt, %sub3A_483, %lt3A_484 : i32
      %convert_element_type3A_486 = arith.extui %lt3A_485 : i1 to i32
      %cond3A_487 = arith.constant 0 : i32
      %cond3A_488 = arith.cmpi ne, %convert_element_type3A_486, %cond3A_487 : i32
      scf.if %cond3A_488 {
        %ge3A = arith.constant 1 : i32
        %ge3A_489 = arith.cmpi sge, %add3A_432, %ge3A : i32
        %convert_element_type3A_490 = arith.extui %ge3A_489 : i1 to i32
        %cond3A_491 = arith.constant 0 : i32
        %cond3A_492 = arith.cmpi ne, %convert_element_type3A_490, %cond3A_491 : i32
        scf.if %cond3A_492 {
          %sub3A_527 = arith.constant 1 : i32
          %sub3A_528 = arith.subi %add3A_432, %sub3A_527 : i32
          %dma_wait3A_529 = arith.constant 3 : i32
          %dma_wait3A_530 = arith.constant 0 : i32
          %dma_wait3A_531 = arith.constant 0 : i32
          %dma_wait3A_532 = tpu.memref_slice %arg6[%dma_wait3A_529, %dma_wait3A_530, %dma_wait3A_531] : memref<5x256x64xf32, #tpu.memory_space<vmem>> -> memref<1x256x64xf32, #tpu.memory_space<vmem>>
          %dma_wait3A_533 = tpu.memref_squeeze %dma_wait3A_532 : memref<1x256x64xf32, #tpu.memory_space<vmem>> -> memref<256x64xf32, #tpu.memory_space<vmem>>
          %dma_wait3A_534 = arith.constant 0 : i32
          %dma_wait3A_535 = arith.constant 0 : i32
          %dma_wait3A_536 = tpu.memref_slice %arg4[%add3A, %sub3A_528, %dma_wait3A_534, %dma_wait3A_535] : memref<32x25x256x64xf32, #tpu.memory_space<hbm>> -> memref<1x1x256x64xf32, #tpu.memory_space<hbm>>
          %dma_wait3A_537 = tpu.memref_squeeze %dma_wait3A_536 : memref<1x1x256x64xf32, #tpu.memory_space<hbm>> -> memref<256x64xf32, #tpu.memory_space<hbm>>
          %dma_wait3A_538 = arith.constant 0 : i32
          %dma_wait3A_539 = arith.constant 0 : i32
          %dma_wait3A_540 = tpu.memref_slice %arg4[%add3A, %sub3A_528, %dma_wait3A_538, %dma_wait3A_539] : memref<32x25x256x64xf32, #tpu.memory_space<hbm>> -> memref<1x1x256x64xf32, #tpu.memory_space<hbm>>
          %dma_wait3A_541 = tpu.memref_squeeze %dma_wait3A_540 : memref<1x1x256x64xf32, #tpu.memory_space<hbm>> -> memref<256x64xf32, #tpu.memory_space<hbm>>
          %dma_wait3A_542 = arith.constant 0 : i32
          %dma_wait3A_543 = arith.constant 0 : i32
          %dma_wait3A_544 = tpu.memref_slice %arg6[%dma_wait3A_529, %dma_wait3A_542, %dma_wait3A_543] : memref<5x256x64xf32, #tpu.memory_space<vmem>> -> memref<1x256x64xf32, #tpu.memory_space<vmem>>
          %dma_wait3A_545 = tpu.memref_squeeze %dma_wait3A_544 : memref<1x256x64xf32, #tpu.memory_space<vmem>> -> memref<256x64xf32, #tpu.memory_space<vmem>>
          tpu.wait_dma2 semaphore(%arg15 : memref<!tpu.dma_semaphore, #tpu.memory_space<semaphore_mem>>) src(%dma_wait3A_545 : memref<256x64xf32, #tpu.memory_space<vmem>>) dst(%dma_wait3A_541 : memref<256x64xf32, #tpu.memory_space<hbm>>)
        } else {
        }
        %add3A_493 = arith.constant 5 : i32
        %add3A_494 = arith.addi %add3A_432, %add3A_493 : i32
        %sub3A_495 = arith.constant 1 : i32
        %sub3A_496 = arith.subi %add3A_494, %sub3A_495 : i32
        %mul3A_497 = arith.constant 2 : i32
        %mul3A_498 = arith.muli %mul3A_497, %sub3A_496 : i32
        %add3A_499 = arith.constant 0 : i32
        %add3A_500 = arith.addi %mul3A_498, %add3A_499 : i32
        %dma_start3A_501 = arith.constant 3 : i32
        %dma_start3A_502 = arith.constant 0 : i32
        %dma_start3A_503 = arith.constant 0 : i32
        %dma_start3A_504 = tpu.memref_slice %arg6[%dma_start3A_501, %dma_start3A_502, %dma_start3A_503] : memref<5x256x64xf32, #tpu.memory_space<vmem>> -> memref<1x128x64xf32, #tpu.memory_space<vmem>>
        %dma_start3A_505 = tpu.memref_squeeze %dma_start3A_504 : memref<1x128x64xf32, #tpu.memory_space<vmem>> -> memref<128x64xf32, #tpu.memory_space<vmem>>
        %dma_start3A_506 = arith.constant 0 : i32
        %dma_start3A_507 = tpu.memref_slice %arg5[%add3A_500, %dma_start3A_506] : memref<50x128xi32, #tpu.memory_space<vmem>> -> memref<1x128xi32, #tpu.memory_space<vmem>>
        %dma_start3A_508 = tpu.memref_squeeze %dma_start3A_507 : memref<1x128xi32, #tpu.memory_space<vmem>> -> memref<128xi32, #tpu.memory_space<vmem>>
        %dma_start3A_509 = arith.constant 0 : i32
        %dma_start3A_510 = arith.constant 0 : i32
        %dma_start3A_511 = tpu.memref_slice %arg3[%dma_start3A_509, %dma_start3A_510] : memref<100000x64xf32, #tpu.memory_space<hbm>> -> memref<100000x64xf32, #tpu.memory_space<hbm>>
        tpu.enqueue_indirect_dma source(%dma_start3A_511 : memref<100000x64xf32, #tpu.memory_space<hbm>>) target(%dma_start3A_505 : memref<128x64xf32, #tpu.memory_space<vmem>>) offsets(%dma_start3A_508 : memref<128xi32, #tpu.memory_space<vmem>>) semaphore(%arg10 : memref<!tpu.dma_semaphore, #tpu.memory_space<semaphore_mem>>)
        %mul3A_512 = arith.constant 2 : i32
        %mul3A_513 = arith.muli %mul3A_512, %sub3A_496 : i32
        %add3A_514 = arith.constant 1 : i32
        %add3A_515 = arith.addi %mul3A_513, %add3A_514 : i32
        %dma_start3A_516 = arith.constant 3 : i32
        %dma_start3A_517 = arith.constant 128 : i32
        %dma_start3A_518 = arith.constant 0 : i32
        %dma_start3A_519 = tpu.memref_slice %arg6[%dma_start3A_516, %dma_start3A_517, %dma_start3A_518] : memref<5x256x64xf32, #tpu.memory_space<vmem>> -> memref<1x128x64xf32, #tpu.memory_space<vmem>>
        %dma_start3A_520 = tpu.memref_squeeze %dma_start3A_519 : memref<1x128x64xf32, #tpu.memory_space<vmem>> -> memref<128x64xf32, #tpu.memory_space<vmem>>
        %dma_start3A_521 = arith.constant 0 : i32
        %dma_start3A_522 = tpu.memref_slice %arg5[%add3A_515, %dma_start3A_521] : memref<50x128xi32, #tpu.memory_space<vmem>> -> memref<1x128xi32, #tpu.memory_space<vmem>>
        %dma_start3A_523 = tpu.memref_squeeze %dma_start3A_522 : memref<1x128xi32, #tpu.memory_space<vmem>> -> memref<128xi32, #tpu.memory_space<vmem>>
        %dma_start3A_524 = arith.constant 0 : i32
        %dma_start3A_525 = arith.constant 0 : i32
        %dma_start3A_526 = tpu.memref_slice %arg3[%dma_start3A_524, %dma_start3A_525] : memref<100000x64xf32, #tpu.memory_space<hbm>> -> memref<100000x64xf32, #tpu.memory_space<hbm>>
        tpu.enqueue_indirect_dma source(%dma_start3A_526 : memref<100000x64xf32, #tpu.memory_space<hbm>>) target(%dma_start3A_520 : memref<128x64xf32, #tpu.memory_space<vmem>>) offsets(%dma_start3A_523 : memref<128xi32, #tpu.memory_space<vmem>>) semaphore(%arg10 : memref<!tpu.dma_semaphore, #tpu.memory_space<semaphore_mem>>)
      } else {
      }
    }
    %scan3A_102 = arith.constant 5 : i32
    %dma_wait3A = arith.constant 0 : i32
    %dma_wait3A_103 = arith.constant 20 : i32
    %dma_wait3A_104 = arith.constant 0 : i32
    %dma_wait3A_105 = arith.constant 0 : i32
    %dma_wait3A_106 = tpu.memref_slice %arg6[%dma_wait3A, %dma_wait3A_104, %dma_wait3A_105] : memref<5x256x64xf32, #tpu.memory_space<vmem>> -> memref<1x256x64xf32, #tpu.memory_space<vmem>>
    %dma_wait3A_107 = tpu.memref_squeeze %dma_wait3A_106 : memref<1x256x64xf32, #tpu.memory_space<vmem>> -> memref<256x64xf32, #tpu.memory_space<vmem>>
    %dma_wait3A_108 = arith.constant 0 : i32
    %dma_wait3A_109 = arith.constant 0 : i32
    %dma_wait3A_110 = tpu.memref_slice %arg4[%add3A, %dma_wait3A_103, %dma_wait3A_108, %dma_wait3A_109] : memref<32x25x256x64xf32, #tpu.memory_space<hbm>> -> memref<1x1x256x64xf32, #tpu.memory_space<hbm>>
    %dma_wait3A_111 = tpu.memref_squeeze %dma_wait3A_110 : memref<1x1x256x64xf32, #tpu.memory_space<hbm>> -> memref<256x64xf32, #tpu.memory_space<hbm>>
    %dma_wait3A_112 = arith.constant 0 : i32
    %dma_wait3A_113 = arith.constant 0 : i32
    %dma_wait3A_114 = tpu.memref_slice %arg4[%add3A, %dma_wait3A_103, %dma_wait3A_112, %dma_wait3A_113] : memref<32x25x256x64xf32, #tpu.memory_space<hbm>> -> memref<1x1x256x64xf32, #tpu.memory_space<hbm>>
    %dma_wait3A_115 = tpu.memref_squeeze %dma_wait3A_114 : memref<1x1x256x64xf32, #tpu.memory_space<hbm>> -> memref<256x64xf32, #tpu.memory_space<hbm>>
    %dma_wait3A_116 = arith.constant 0 : i32
    %dma_wait3A_117 = arith.constant 0 : i32
    %dma_wait3A_118 = tpu.memref_slice %arg6[%dma_wait3A, %dma_wait3A_116, %dma_wait3A_117] : memref<5x256x64xf32, #tpu.memory_space<vmem>> -> memref<1x256x64xf32, #tpu.memory_space<vmem>>
    %dma_wait3A_119 = tpu.memref_squeeze %dma_wait3A_118 : memref<1x256x64xf32, #tpu.memory_space<vmem>> -> memref<256x64xf32, #tpu.memory_space<vmem>>
    tpu.wait_dma2 semaphore(%arg12 : memref<!tpu.dma_semaphore, #tpu.memory_space<semaphore_mem>>) src(%dma_wait3A_119 : memref<256x64xf32, #tpu.memory_space<vmem>>) dst(%dma_wait3A_115 : memref<256x64xf32, #tpu.memory_space<hbm>>)
    %dma_wait3A_120 = arith.constant 1 : i32
    %dma_wait3A_121 = arith.constant 21 : i32
    %dma_wait3A_122 = arith.constant 0 : i32
    %dma_wait3A_123 = arith.constant 0 : i32
    %dma_wait3A_124 = tpu.memref_slice %arg6[%dma_wait3A_120, %dma_wait3A_122, %dma_wait3A_123] : memref<5x256x64xf32, #tpu.memory_space<vmem>> -> memref<1x256x64xf32, #tpu.memory_space<vmem>>
    %dma_wait3A_125 = tpu.memref_squeeze %dma_wait3A_124 : memref<1x256x64xf32, #tpu.memory_space<vmem>> -> memref<256x64xf32, #tpu.memory_space<vmem>>
    %dma_wait3A_126 = arith.constant 0 : i32
    %dma_wait3A_127 = arith.constant 0 : i32
    %dma_wait3A_128 = tpu.memref_slice %arg4[%add3A, %dma_wait3A_121, %dma_wait3A_126, %dma_wait3A_127] : memref<32x25x256x64xf32, #tpu.memory_space<hbm>> -> memref<1x1x256x64xf32, #tpu.memory_space<hbm>>
    %dma_wait3A_129 = tpu.memref_squeeze %dma_wait3A_128 : memref<1x1x256x64xf32, #tpu.memory_space<hbm>> -> memref<256x64xf32, #tpu.memory_space<hbm>>
    %dma_wait3A_130 = arith.constant 0 : i32
    %dma_wait3A_131 = arith.constant 0 : i32
    %dma_wait3A_132 = tpu.memref_slice %arg4[%add3A, %dma_wait3A_121, %dma_wait3A_130, %dma_wait3A_131] : memref<32x25x256x64xf32, #tpu.memory_space<hbm>> -> memref<1x1x256x64xf32, #tpu.memory_space<hbm>>
    %dma_wait3A_133 = tpu.memref_squeeze %dma_wait3A_132 : memref<1x1x256x64xf32, #tpu.memory_space<hbm>> -> memref<256x64xf32, #tpu.memory_space<hbm>>
    %dma_wait3A_134 = arith.constant 0 : i32
    %dma_wait3A_135 = arith.constant 0 : i32
    %dma_wait3A_136 = tpu.memref_slice %arg6[%dma_wait3A_120, %dma_wait3A_134, %dma_wait3A_135] : memref<5x256x64xf32, #tpu.memory_space<vmem>> -> memref<1x256x64xf32, #tpu.memory_space<vmem>>
    %dma_wait3A_137 = tpu.memref_squeeze %dma_wait3A_136 : memref<1x256x64xf32, #tpu.memory_space<vmem>> -> memref<256x64xf32, #tpu.memory_space<vmem>>
    tpu.wait_dma2 semaphore(%arg13 : memref<!tpu.dma_semaphore, #tpu.memory_space<semaphore_mem>>) src(%dma_wait3A_137 : memref<256x64xf32, #tpu.memory_space<vmem>>) dst(%dma_wait3A_133 : memref<256x64xf32, #tpu.memory_space<hbm>>)
    %dma_wait3A_138 = arith.constant 2 : i32
    %dma_wait3A_139 = arith.constant 22 : i32
    %dma_wait3A_140 = arith.constant 0 : i32
    %dma_wait3A_141 = arith.constant 0 : i32
    %dma_wait3A_142 = tpu.memref_slice %arg6[%dma_wait3A_138, %dma_wait3A_140, %dma_wait3A_141] : memref<5x256x64xf32, #tpu.memory_space<vmem>> -> memref<1x256x64xf32, #tpu.memory_space<vmem>>
    %dma_wait3A_143 = tpu.memref_squeeze %dma_wait3A_142 : memref<1x256x64xf32, #tpu.memory_space<vmem>> -> memref<256x64xf32, #tpu.memory_space<vmem>>
    %dma_wait3A_144 = arith.constant 0 : i32
    %dma_wait3A_145 = arith.constant 0 : i32
    %dma_wait3A_146 = tpu.memref_slice %arg4[%add3A, %dma_wait3A_139, %dma_wait3A_144, %dma_wait3A_145] : memref<32x25x256x64xf32, #tpu.memory_space<hbm>> -> memref<1x1x256x64xf32, #tpu.memory_space<hbm>>
    %dma_wait3A_147 = tpu.memref_squeeze %dma_wait3A_146 : memref<1x1x256x64xf32, #tpu.memory_space<hbm>> -> memref<256x64xf32, #tpu.memory_space<hbm>>
    %dma_wait3A_148 = arith.constant 0 : i32
    %dma_wait3A_149 = arith.constant 0 : i32
    %dma_wait3A_150 = tpu.memref_slice %arg4[%add3A, %dma_wait3A_139, %dma_wait3A_148, %dma_wait3A_149] : memref<32x25x256x64xf32, #tpu.memory_space<hbm>> -> memref<1x1x256x64xf32, #tpu.memory_space<hbm>>
    %dma_wait3A_151 = tpu.memref_squeeze %dma_wait3A_150 : memref<1x1x256x64xf32, #tpu.memory_space<hbm>> -> memref<256x64xf32, #tpu.memory_space<hbm>>
    %dma_wait3A_152 = arith.constant 0 : i32
    %dma_wait3A_153 = arith.constant 0 : i32
    %dma_wait3A_154 = tpu.memref_slice %arg6[%dma_wait3A_138, %dma_wait3A_152, %dma_wait3A_153] : memref<5x256x64xf32, #tpu.memory_space<vmem>> -> memref<1x256x64xf32, #tpu.memory_space<vmem>>
    %dma_wait3A_155 = tpu.memref_squeeze %dma_wait3A_154 : memref<1x256x64xf32, #tpu.memory_space<vmem>> -> memref<256x64xf32, #tpu.memory_space<vmem>>
    tpu.wait_dma2 semaphore(%arg14 : memref<!tpu.dma_semaphore, #tpu.memory_space<semaphore_mem>>) src(%dma_wait3A_155 : memref<256x64xf32, #tpu.memory_space<vmem>>) dst(%dma_wait3A_151 : memref<256x64xf32, #tpu.memory_space<hbm>>)
    %dma_wait3A_156 = arith.constant 3 : i32
    %dma_wait3A_157 = arith.constant 23 : i32
    %dma_wait3A_158 = arith.constant 0 : i32
    %dma_wait3A_159 = arith.constant 0 : i32
    %dma_wait3A_160 = tpu.memref_slice %arg6[%dma_wait3A_156, %dma_wait3A_158, %dma_wait3A_159] : memref<5x256x64xf32, #tpu.memory_space<vmem>> -> memref<1x256x64xf32, #tpu.memory_space<vmem>>
    %dma_wait3A_161 = tpu.memref_squeeze %dma_wait3A_160 : memref<1x256x64xf32, #tpu.memory_space<vmem>> -> memref<256x64xf32, #tpu.memory_space<vmem>>
    %dma_wait3A_162 = arith.constant 0 : i32
    %dma_wait3A_163 = arith.constant 0 : i32
    %dma_wait3A_164 = tpu.memref_slice %arg4[%add3A, %dma_wait3A_157, %dma_wait3A_162, %dma_wait3A_163] : memref<32x25x256x64xf32, #tpu.memory_space<hbm>> -> memref<1x1x256x64xf32, #tpu.memory_space<hbm>>
    %dma_wait3A_165 = tpu.memref_squeeze %dma_wait3A_164 : memref<1x1x256x64xf32, #tpu.memory_space<hbm>> -> memref<256x64xf32, #tpu.memory_space<hbm>>
    %dma_wait3A_166 = arith.constant 0 : i32
    %dma_wait3A_167 = arith.constant 0 : i32
    %dma_wait3A_168 = tpu.memref_slice %arg4[%add3A, %dma_wait3A_157, %dma_wait3A_166, %dma_wait3A_167] : memref<32x25x256x64xf32, #tpu.memory_space<hbm>> -> memref<1x1x256x64xf32, #tpu.memory_space<hbm>>
    %dma_wait3A_169 = tpu.memref_squeeze %dma_wait3A_168 : memref<1x1x256x64xf32, #tpu.memory_space<hbm>> -> memref<256x64xf32, #tpu.memory_space<hbm>>
    %dma_wait3A_170 = arith.constant 0 : i32
    %dma_wait3A_171 = arith.constant 0 : i32
    %dma_wait3A_172 = tpu.memref_slice %arg6[%dma_wait3A_156, %dma_wait3A_170, %dma_wait3A_171] : memref<5x256x64xf32, #tpu.memory_space<vmem>> -> memref<1x256x64xf32, #tpu.memory_space<vmem>>
    %dma_wait3A_173 = tpu.memref_squeeze %dma_wait3A_172 : memref<1x256x64xf32, #tpu.memory_space<vmem>> -> memref<256x64xf32, #tpu.memory_space<vmem>>
    tpu.wait_dma2 semaphore(%arg15 : memref<!tpu.dma_semaphore, #tpu.memory_space<semaphore_mem>>) src(%dma_wait3A_173 : memref<256x64xf32, #tpu.memory_space<vmem>>) dst(%dma_wait3A_169 : memref<256x64xf32, #tpu.memory_space<hbm>>)
    %dma_wait3A_174 = arith.constant 4 : i32
    %dma_wait3A_175 = arith.constant 24 : i32
    %dma_wait3A_176 = arith.constant 0 : i32
    %dma_wait3A_177 = arith.constant 0 : i32
    %dma_wait3A_178 = tpu.memref_slice %arg6[%dma_wait3A_174, %dma_wait3A_176, %dma_wait3A_177] : memref<5x256x64xf32, #tpu.memory_space<vmem>> -> memref<1x256x64xf32, #tpu.memory_space<vmem>>
    %dma_wait3A_179 = tpu.memref_squeeze %dma_wait3A_178 : memref<1x256x64xf32, #tpu.memory_space<vmem>> -> memref<256x64xf32, #tpu.memory_space<vmem>>
    %dma_wait3A_180 = arith.constant 0 : i32
    %dma_wait3A_181 = arith.constant 0 : i32
    %dma_wait3A_182 = tpu.memref_slice %arg4[%add3A, %dma_wait3A_175, %dma_wait3A_180, %dma_wait3A_181] : memref<32x25x256x64xf32, #tpu.memory_space<hbm>> -> memref<1x1x256x64xf32, #tpu.memory_space<hbm>>
    %dma_wait3A_183 = tpu.memref_squeeze %dma_wait3A_182 : memref<1x1x256x64xf32, #tpu.memory_space<hbm>> -> memref<256x64xf32, #tpu.memory_space<hbm>>
    %dma_wait3A_184 = arith.constant 0 : i32
    %dma_wait3A_185 = arith.constant 0 : i32
    %dma_wait3A_186 = tpu.memref_slice %arg4[%add3A, %dma_wait3A_175, %dma_wait3A_184, %dma_wait3A_185] : memref<32x25x256x64xf32, #tpu.memory_space<hbm>> -> memref<1x1x256x64xf32, #tpu.memory_space<hbm>>
    %dma_wait3A_187 = tpu.memref_squeeze %dma_wait3A_186 : memref<1x1x256x64xf32, #tpu.memory_space<hbm>> -> memref<256x64xf32, #tpu.memory_space<hbm>>
    %dma_wait3A_188 = arith.constant 0 : i32
    %dma_wait3A_189 = arith.constant 0 : i32
    %dma_wait3A_190 = tpu.memref_slice %arg6[%dma_wait3A_174, %dma_wait3A_188, %dma_wait3A_189] : memref<5x256x64xf32, #tpu.memory_space<vmem>> -> memref<1x256x64xf32, #tpu.memory_space<vmem>>
    %dma_wait3A_191 = tpu.memref_squeeze %dma_wait3A_190 : memref<1x256x64xf32, #tpu.memory_space<vmem>> -> memref<256x64xf32, #tpu.memory_space<vmem>>
    tpu.wait_dma2 semaphore(%arg16 : memref<!tpu.dma_semaphore, #tpu.memory_space<semaphore_mem>>) src(%dma_wait3A_191 : memref<256x64xf32, #tpu.memory_space<vmem>>) dst(%dma_wait3A_187 : memref<256x64xf32, #tpu.memory_space<hbm>>)
    return
  }
}

</mosaic_0001>

<sc_bundles>
// kernel: kernel.4.cloned.1.call-start
scs
__scs_entry_jumppad:
0x0: {  	(pc) =	sbr.rel $0x88, $3  }
0x1: {  	(tag) =	ssettag $0x0;
	lr =	simm.s32 $0x1  }
0x2: {  	[smem:$0x3F9D] =	sst lr;
	_ =	strace $0xD0000000  }
0x3: {  	_ = 	snop  }
0x4: {  	_ = 	snop  }
0x5: {  	_ = 	snop  }
0x6: {  	_ = 	snop  }
0x7: {  	_ = 	snop  }
__scs_overlays_trampoline_lowered:
0x8: {  	[smem:$0x3FAC] =	sst s0  }
0x9: {  	[smem:$0x3FAD] =	sst s1  }
0xa: {  	[smem:$0x3FAE] =	sst s2  }
0xb: {  	[smem:$0x3FAF] =	sst s3  }
0xc: {  	[smem:$0x3FB0] =	sst s4  }
0xd: {  	[smem:$0x3FB1] =	sst s5  }
0xe: {  	[smem:$0x3FB2] =	sst s6  }
0xf: {  	[smem:$0x3FB3] =	sst s7  }
0x10: {  	[smem:$0x3FB4] =	sst s8  }
0x11: {  	[smem:$0x3FB5] =	sst s9;
	s0 =	simm.s32 @!p0 $0x0  }
0x12: {  	s1 =	sld [smem:$0x3F9B];
	s0 =	simm.s32 @p0 $0x1  }
0x13: {  	[smem:$0x3FB6] =	sst s0;
	s0 =	simm.s32 @!p1 $0x0  }
0x14: {  	s2 =	sld [smem:$0x3F9A];
	s0 =	simm.s32 @p1 $0x1  }
0x15: {  	[smem:$0x3FB7] =	sst s0;
	s0 =	simm.s32 @!p2 $0x0  }
0x16: {  	s3 =	sld [smem:$0x3FDB];
	s0 =	simm.s32 @p2 $0x1  }
0x17: {  	s4 =	simm.s32 $0x1BF5;
	[smem:$0x3FB9] =	sst s0  }
0x18: {  	s0 =	sld [smem:$0x3F9C];
	_ =	swait.ge [sflag:s4], $0x0  }
0x19: {  	s7 =	sld [smem:$0x3F9D]  }
0x1a: {  	s8 =	sadd.s32 $0xFFFFE003, lr  }
0x1b: {  	s9 =	sadd.s32 $0xFFFFFEF7, lr;
	s5 =	simm.s32 $0xFFFFFFFF;
	p2 =	slt.u32 s8, $0xFFFFF086  }
0x1c: {  	p1 =	slt.u32 s9, $0xF7A;
	s5 =	simm.s32 @!p2 $0x0  }
0x1d: {  	s5 =	simm.s32 @p1 $0x1;
	p0 =	seq.s32 s7, s2  }
0x1e: {  	s7 =	smul.u32 @!p0 $0xF7A, s2;
	p2 =	seq.s32 @!p0 s5, $0x0  }
0x1f: {  	s9 =	smul.u32 $0xF7A, s1;
	s8 =	simm.s32 @!p0 $0x1BF5;
	p2 =	por !p2, p0  }
0x20: {  	[sflag:s8] =	ssyncset.s32 @!p0 $0xFFFFF086;
	s6 =	sadd.s32 @!p0 s3, s7;
	s7 =	simm.s32 @!p0 $0x108  }
0x21: {  	s3 =	sadd.s32 s3, s9;
	s6 =	sadd.s32 @!p0 $0x88, s6;
	s7 =	simm.s32 @p2 $0x1082  }
0x22: {  	[simem:s7], [sflag:s8] =	dma.local @!p0 [hbm:s6], $0xF7A  }
0x23: {  	s9 =	sor.u32 $0xD0000000, s2;
	s6 =	simm.s32 $0x108;
	_ =	swait.ge @!p0 [sflag:s8], $0x0  }
0x24: {  	s3 =	sadd.s32 $0x88, s3;
	s6 =	simm.s32 @!p1 $0x1082;
	[sflag:s4] =	ssyncset.s32 $0xFFFFF086  }
0x25: {  	[simem:s6], [sflag:s4] =	dma.local [hbm:s3], $0xF7A  }
0x26: {  	[smem:$0x3F9D] =	sst s1;
	(tag) =	ssettag s2;
	_ =	strace s9  }
0x27: {  	s1 =	sld [smem:$0x3FAD]  }
0x28: {  	s2 =	sld [smem:$0x3FAE]  }
0x29: {  	s4 =	sld [smem:$0x3FB0]  }
0x2a: {  	p0 =	seq.s32 s5, $0x0;
	s5 =	sld [smem:$0x3FB1]  }
0x2b: {  	s6 =	sld [smem:$0x3FB2]  }
0x2c: {  	s7 =	sld [smem:$0x3FB3]  }
0x2d: {  	s3 =	simm.s32 $0x108;
	s8 =	sld [smem:$0x3FB4]  }
0x2e: {  	s3 =	simm.s32 @!p0 $0x1082;
	s9 =	sld [smem:$0x3FB5]  }
0x2f: {  	lr =	sadd.s32 s0, s3;
	s0 =	sld [smem:$0x3FAC]  }
0x30: {  	s3 =	sld [smem:$0x3FAF]  }
0x31: {  	[smem:$0x3FB8] =	sst s10  }
0x32: {  	s10 =	sld [smem:$0x3FB6];
	_ =	sdelay $0x3  }
0x33: {  	p0 =	seq.s32 s10, $0x1;
	s10 =	sld [smem:$0x3FB8];
	_ =	sdelay $0x3  }
0x34: {  	[smem:$0x3FB8] =	sst s10  }
0x35: {  	s10 =	sld [smem:$0x3FB7];
	_ =	sdelay $0x3  }
0x36: {  	p1 =	seq.s32 s10, $0x1;
	s10 =	sld [smem:$0x3FB8];
	_ =	sdelay $0x3  }
0x37: {  	[smem:$0x3FB8] =	sst s10  }
0x38: {  	s10 =	sld [smem:$0x3FB9]  }
0x39: {  	_ = 	snop;
	(pc) =	sbr.ind lr, $3  }
0x3a: {  	_ = 	snop  }
0x3b: {  	_ = 	snop  }
0x3c: {  	p2 =	seq.s32 s10, $0x1;
	s10 =	sld [smem:$0x3FB8]  }
0x3d: {  	_ =	shalt  }
0x3e: {  	_ =	shalt  }
0x3f: {  	_ =	shalt  }
0x40: {  	_ =	shalt  }
0x41: {  	_ =	shalt  }
0x42: {  	_ =	shalt  }
0x43: {  	_ =	shalt  }
0x44: {  	_ =	shalt  }
0x45: {  	_ =	shalt  }
0x46: {  	_ =	shalt  }
0x47: {  	_ =	shalt  }
0x48: {  	_ =	shalt  }
0x49: {  	_ =	shalt  }
0x4a: {  	_ =	shalt  }
0x4b: {  	_ =	shalt  }
0x4c: {  	_ =	shalt  }
0x4d: {  	_ =	shalt  }
0x4e: {  	_ =	shalt  }
0x4f: {  	_ =	shalt  }
0x50: {  	_ =	shalt  }
0x51: {  	_ =	shalt  }
0x52: {  	_ =	shalt  }
0x53: {  	_ =	shalt  }
0x54: {  	_ =	shalt  }
0x55: {  	_ =	shalt  }
0x56: {  	_ =	shalt  }
0x57: {  	_ =	shalt  }
0x58: {  	_ =	shalt  }
0x59: {  	_ =	shalt  }
0x5a: {  	_ =	shalt  }
0x5b: {  	_ =	shalt  }
0x5c: {  	_ =	shalt  }
0x5d: {  	_ =	shalt  }
0x5e: {  	_ =	shalt  }
0x5f: {  	_ =	shalt  }
0x60: {  	_ =	shalt  }
0x61: {  	_ =	shalt  }
0x62: {  	_ =	shalt  }
0x63: {  	_ =	shalt  }
0x64: {  	_ =	shalt  }
0x65: {  	_ =	shalt  }
0x66: {  	_ =	shalt  }
0x67: {  	_ =	shalt  }
0x68: {  	_ =	shalt  }
0x69: {  	_ =	shalt  }
0x6a: {  	_ =	shalt  }
0x6b: {  	_ =	shalt  }
0x6c: {  	_ =	shalt  }
0x6d: {  	_ =	shalt  }
0x6e: {  	_ =	shalt  }
0x6f: {  	_ =	shalt  }
0x70: {  	_ =	shalt  }
0x71: {  	_ =	shalt  }
0x72: {  	_ =	shalt  }
0x73: {  	_ =	shalt  }
0x74: {  	_ =	shalt  }
0x75: {  	_ =	shalt  }
0x76: {  	_ =	shalt  }
0x77: {  	_ =	shalt  }
0x78: {  	_ =	shalt  }
0x79: {  	_ =	shalt  }
0x7a: {  	_ =	shalt  }
0x7b: {  	_ =	shalt  }
0x7c: {  	_ =	shalt  }
0x7d: {  	_ =	shalt  }
0x7e: {  	_ =	shalt  }
0x7f: {  	_ =	shalt  }
0x80: {  	_ =	shalt  }
0x81: {  	_ =	shalt  }
0x82: {  	_ =	shalt  }
0x83: {  	_ =	shalt  }
0x84: {  	_ =	shalt  }
0x85: {  	_ =	shalt  }
0x86: {  	_ =	shalt  }
0x87: {  	_ =	shalt  }
.Lfunc_end0:
.L_simem_size_0:
called_computation.2_lowered:
.L_overlay_start_0:
0x88: {  	s2 =	sld [smem:$0x3FD9]  }
0x89: {  	s3 =	sld [smem:$0x3FFE];
	_ =	sdelay $0x1  }
0x8a: {  	s1 =	srdreg.scid  }
0x8b: {  	s0 =	sand.u32 $0x1, s1  }
0x8c: {  	s14 =	sshll.u32 s0, $0xA;
	s2 =	sadd.s32 s3, s2  }
0x8d: {  	s2 =	sadd.s32 s2, s14  }
0x8e: {  	[smem:$0x3FC4] =	sst s2  }
0x8f: {  	_ = 	snop  }
0x90: {  	s2 =	sld [smem:$0x3FD0];
	_ =	sdelay $0x2  }
0x91: {  	s15 =	simm.s32 $0xB;
	s4 =	simm.s32 $0x10  }
0x92: {  	[smem:s4], [sflag:s15] =	dma.local [hbm:s2], $0x1  }
0x93: {  	_ =	swait.eq [sflag:s15], $0x1  }
0x94: {  	[sflag:s15] =	ssyncset.done $0x0  }
0x95: {  	[sflag:s15] =	ssyncadd.s32 $0xFFFFFFFF  }
0x96: {  	s16 =	sld [smem:$0x10];
	(tm) =	ssettm $0x1  }
0x97: {  	s17 =	sld [smem:$0x3FFB];
	_ =	sdelay $0x3  }
0x98: {  	_ =	strace s17  }
0x99: {  	s3 =	sld [smem:$0x3FFC];
	_ =	sdelay $0x3  }
0x9a: {  	_ =	strace s3  }
0x9b: {  	s3 =	sld [smem:$0x3FFD];
	_ =	sdelay $0x3  }
0x9c: {  	_ =	strace s3  }
0x9d: {  	_ =	strace $0x8FFFFFFF  }
0x9e: {  	s18 =	sld [smem:$0x3FDB];
	_ =	sdelay $0x1  }
0x9f: {  	s19 =	simm.s32 $_scs_section_size  }
0xa0: {  	s5 =	simm.s32 $_size__tile_overlayer_lowered;
	s6 =	simm.s32 $_tile_overlayer_lowered  }
0xa1: {  	s22 =	simm.s32 $0x1BFF;
	s21 =	sshll.u32 s6, $0x1;
	s3 =	sadd.s32 s19, s18  }
0xa2: {  	s7 =	simm.s32 $0x0;
	s20 =	sshll.u32 s5, $0x1;
	s5 =	sadd.s32 s21, s3  }
0xa3: {  	[timem:s7], [sflag:s22] =	dma.local [hbm:s5], s20  }
0xa4: {  	_ =	swait.ge [sflag:s22], s20  }
0xa5: {  	s4 =	ssub.s32 $0x0, s20;
	[sflag:s22] =	ssyncset.done $0x0  }
0xa6: {  	[sflag:s22] =	ssyncadd.s32 s4;
	_ =	sdelay $0x1  }
0xa7: {  	s23 =	simm.s32 $0x1B8B  }
0xa8: {  	_ =	swait.ge [sflag:s23], $0x1  }
0xa9: {  	[sflag:s23] =	ssyncset.done $0x0  }
0xaa: {  	s25 =	simm.s32 $0x1B8E;
	s24 =	sld [smem:$0x3FFE];
	[sflag:s23] =	ssyncadd.s32 $0xFFFFFFFF  }
0xab: {  	s26 =	simm.s32 $execute0_lowered;
	[smem:$0x3FD2] =	sst s25  }
0xac: {  	s5 =	sshll.u32 s26, $0x1;
	_ =	strace $0x80000046;
	[dreg:$0x1] =	wrdreg $0xFFFFFFFF  }
0xad: {  	s28 =	simm.s32 $_size_execute0_lowered;
	s3 =	sadd.s32 s3, s5;
	[dreg:$0x0] =	wrdreg $0x0  }
0xae: {  	s5 =	sshll.u32 s28, $0x1;
	[dreg:$0x2] =	wrdreg s3  }
0xaf: {  	[dreg:$0x3] =	wrdreg s5  }
0xb0: {  	[dreg:$0x4] =	wrdreg $0xC0  }
0xb1: {  	_ =	task [dreg:s7], $0x5FFFF  }
0xb2: {  	[dreg:$0x1] =	wrdreg $0xFFFFFFFF  }
0xb3: {  	[dreg:$0x0] =	wrdreg $0x60  }
0xb4: {  	[dreg:$0x2] =	wrdreg s24  }
0xb5: {  	[dreg:$0x3] =	wrdreg s16  }
0xb6: {  	[dreg:$0x4] =	wrdreg $0x9  }
0xb7: {  	_ =	task.clear_ibuf [dreg:s7], $0x5FFFF;
	_ =	strace $0x90000046  }
0xb8: {  	s29 =	simm.s32 $0x9;
	_ =	strace $0x80000048  }
0xb9: {  	_ =	swait.ge [sflag:s29], $0x1  }
0xba: {  	[sflag:s29] =	ssyncadd.s32 $0xFFFFFFFF  }
0xbb: {  	_ =	strace $0x90000048  }
0xbc: {  	_ =	sfence  }
0xbd: {  	s30 =	sld [smem:$0x0];
	_ =	sdelay $0x2  }
0xbe: {  	s31 =	sshll.u32 s1, $0xD;
	s1 =	sshrl.u32 s1, $0x2  }
0xbf: {  	s3 =	sand.u32 $0x4000, s31;
	s1 =	sadd.s32 s1, s30  }
0xc0: {  	s0 =	sor.u32 s3, s0;
	s1 =	sshll.u32 s1, $0x11  }
0xc1: {  	s0 =	sor.u32 s1, s0  }
0xc2: {  	s0 =	sadd.s32 $0x8F2B, s0  }
0xc3: {  	[sflag:s0] =	ssyncadd.remote.s32 $0x1  }
0xc4: {  	_ =	sfence.sel $0xFFFF  }
0xc5: {  	[dreg:$0x0] =	wrdreg $0xFFFFFFFF;
	(pc) =	sbr.abs _section_cstart, $3  }
0xc6: {  	[dreg:$0x1] =	wrdreg $0xFFFFFFFF  }
0xc7: {  	_ =	task.clear_ibuf [dreg:s7], $0x2FFFF;
	_ =	strace $0x9FFFFFFF  }
0xc8: {  	(tm) =	ssettm $0x7FFFFFFF  }
0xc9: {  	_ =	shalt  }
tec
execute0_lowered:
.L_overlay_start_1:
0x0: {  	(tag) =	ssettag $0x1  }
0x1: {  	s0 =	srdreg.scid;
	s3 =	rddreg [dreg:$0x0]  }
0x2: {  	s5 =	stileid.u32;
	s4 =	rddreg [dreg:$0x1]  }
0x3: {  	s2 =	simm.s32 $0x0;
	s12 =	simm.s32 $0x80;
	s13 =	simm.s32 $0x1900  }
0x4: {  	s16 =	simm.s32 $0x5900;
	s20 =	simm.s32 $0x9900;
	s28 =	simm.s32 $0x1  }
0x5: {  	s29 =	simm.s32 $0x11900;
	s30 =	simm.s32 $0x13900;
	s31 =	simm.s32 $0x2  }
0x6: {  	s14 =	simm.s32 $0x5;
	s17 =	simm.s32 $0x7;
	s18 =	simm.s32 $0x8  }
0x7: {  	s0 =	sand.u32 $0x1, s0;
	s1 =	sshll.u32 s5, $0x1;
	s5 =	smul.u32 $0xC8000, s5  }
0x8: {  	s1 =	sor.u32 s0, s1;
	s6 =	ssub.s32 $0x2, s0;
	s0 =	smul.u32 $0x64000, s0  }
0x9: {  	s19 =	simm.s32 $0x9;
	[smem:$0x7FF] =	sst s2;
	s1 =	smul.u32 $0x320, s1  }
0xa: {  	s21 =	simm.s32 $0xA;
	_ =	strace $0x80000047;
	s7 =	sshrl.u32 s6, $0x1  }
0xb: {  	s6 =	ssub.s32 s6, s7;
	s0 =	sadd.s32 s0, s5;
	s1 =	sadd.s32 s1, s3  }
0xc: {  	s3 =	sadd.s32 $0x9200, s3;
	s22 =	sadd.s32 $0xC000, s0;
	s5 =	sadd.s32 $0x8000, s0  }
0xd: {  	s6 =	smax.u32 s6, $0x1;
	s24 =	sadd.s32 $0x4000, s0;
	s25 =	sshrl.u32 s0, $0x3  }
0xe: {  	s0 =	sadd.s32 $0x10000, s0;
	s1 =	sadd.s32 $0x2E00, s1;
	[dreg:$0x4] =	wrdreg s6  }
0xf: {  	s5 =	sshrl.u32 s5, $0x3;
	s26 =	sadd.s32 s25, s4;
	s0 =	sshrl.u32 s0, $0x3  }
0x10: {  	[dreg:$0x3] =	wrdreg s1;
	s1 =	sshrl.u32 s22, $0x3;
	s23 =	sadd.s32 s5, s4  }
.Ltmp0:
0x11: {  	[dreg:$0x8] =	wrdreg s26;
	s0 =	sadd.s32 s0, s4;
	(pc) =	sbr.rel .LBB2_1-.Ltmp0, $4  }
0x12: {  	s26 =	simm.s32 $0xF900;
	s1 =	sadd.s32 s1, s4;
	[dreg:$0x6] =	wrdreg s23  }
0x13: {  	s22 =	simm.s32 $0x0;
	[dreg:$0x5] =	wrdreg s1;
	s1 =	sshrl.u32 s24, $0x3  }
0x14: {  	[dreg:$0x9] =	wrdreg s0;
	s0 =	simm.s32 $0x4;
	s1 =	sadd.s32 s1, s4  }
0x15: {  	s24 =	simm.s32 $0xD900;
	[dreg:$0x7] =	wrdreg s1;
	s1 =	simm.s32 $0x3  }
.LBB2_4:
0x16: {  	s4 =	simm.s32 $0x6  }
0x17: {  	_ =	swait.ge [sflag:s4], $0x4000  }
0x18: {  	[sflag:s4] =	ssyncset.done $0x0  }
0x19: {  	[sflag:s4] =	ssyncadd.s32 $0xFFFFC000  }
0x1a: {  	_ =	swait.ge [sflag:s17], $0x4000  }
0x1b: {  	[sflag:s17] =	ssyncset.done $0x0  }
0x1c: {  	[sflag:s17] =	ssyncadd.s32 $0xFFFFC000  }
0x1d: {  	_ =	swait.ge [sflag:s18], $0x4000  }
0x1e: {  	[sflag:s18] =	ssyncset.done $0x0  }
0x1f: {  	[sflag:s18] =	ssyncadd.s32 $0xFFFFC000  }
0x20: {  	_ =	swait.ge [sflag:s19], $0x4000  }
0x21: {  	[sflag:s19] =	ssyncset.done $0x0  }
0x22: {  	[sflag:s19] =	ssyncadd.s32 $0xFFFFC000  }
0x23: {  	_ =	swait.ge [sflag:s21], $0x4000  }
0x24: {  	s22 =	sadd.s32 $0x1, s22;
	s25 =	rddreg [dreg:$0x4]  }
0x25: {  	p0 =	sne.s32 s22, s25  }
.Ltmp1:
0x26: {  	_ = 	snop;
	(pc) =	sbr.rel @!p0 .LBB2_5-.Ltmp1, $3  }
0x27: {  	_ =	sdelay $0x1  }
0x28: {  	[sflag:s21] =	ssyncset.done $0x0  }
0x29: {  	[sflag:s21] =	ssyncadd.s32 $0xFFFFC000  }
.LBB2_1:
0x2a: {  	s4 =	rddreg [dreg:$0x3];
	s6 =	simm.s32 $0xB  }
0x2b: {  	[tilespmem:s2], [sflag:$0xB] =	stream.linear.gather [hbm4b:s4+s2], $0x1900, $0x38;
	[tilespmem:$0x15900] =	vst v63  }
0x2c: {  	_ =	swait.ge [sflag:s6], $0x1900  }
0x2d: {  	[sflag:s6] =	ssyncset.done $0x0  }
0x2e: {  	[sflag:s6] =	ssyncadd.s32 $0xFFFFE700  }
0x2f: {  	[tilespmem:s13], [sflag:$0x1] =	stream.indirect.gather [hbm4b:s3+s12], $0x40, s2, s12, $0xb8;
	[tilespmem:$0x15900] =	vst v63  }
0x30: {  	s7 =	simm.s32 $0x3900  }
0x31: {  	[tilespmem:s7], [sflag:$0x1] =	stream.indirect.gather [hbm4b:s3+s12], $0x40, s12, s12, $0xb8;
	[tilespmem:$0x15900] =	vst v63  }
0x32: {  	s8 =	simm.s32 $0x100  }
0x33: {  	[tilespmem:s16], [sflag:$0x2] =	stream.indirect.gather [hbm4b:s3+s12], $0x40, s8, s12, $0xb8;
	[tilespmem:$0x15900] =	vst v63  }
0x34: {  	s9 =	simm.s32 $0x180;
	s5 =	simm.s32 $0x7900;
	s6 =	rddreg [dreg:$0x5]  }
0x35: {  	[tilespmem:s5], [sflag:$0x2] =	stream.indirect.gather [hbm4b:s3+s12], $0x40, s9, s12, $0xb8;
	[tilespmem:$0x15900] =	vst v63  }
0x36: {  	s10 =	simm.s32 $0x200;
	s7 =	rddreg [dreg:$0x6]  }
0x37: {  	[tilespmem:s20], [sflag:$0x3] =	stream.indirect.gather [hbm4b:s3+s12], $0x40, s10, s12, $0xb8;
	[tilespmem:$0x15900] =	vst v63  }
0x38: {  	s11 =	simm.s32 $0x280;
	s15 =	simm.s32 $0xB900;
	s8 =	rddreg [dreg:$0x7]  }
0x39: {  	[tilespmem:s15], [sflag:$0x3] =	stream.indirect.gather [hbm4b:s3+s12], $0x40, s11, s12, $0xb8;
	[tilespmem:$0x15900] =	vst v63  }
0x3a: {  	s23 =	simm.s32 $0x300;
	s9 =	rddreg [dreg:$0x8]  }
0x3b: {  	[tilespmem:s24], [sflag:$0x4] =	stream.indirect.gather [hbm4b:s3+s12], $0x40, s23, s12, $0xb8;
	[tilespmem:$0x15900] =	vst v63  }
0x3c: {  	s25 =	simm.s32 $0x380;
	s5 =	simm.s32 $0x0;
	s10 =	rddreg [dreg:$0x9]  }
0x3d: {  	[tilespmem:s26], [sflag:$0x4] =	stream.indirect.gather [hbm4b:s3+s12], $0x40, s25, s12, $0xb8;
	[tilespmem:$0x15900] =	vst v63  }
.LBB2_2:
0x3e: {  	_ =	swait.ge [sflag:s28], $0x2000  }
0x3f: {  	[sflag:s28] =	ssyncset.done $0x0  }
0x40: {  	[sflag:s28] =	ssyncadd.s32 $0xFFFFE000  }
0x41: {  	_ =	swait.ge [sflag:s28], $0x2000  }
0x42: {  	p0 =	seq.s32 s5, $0x0;
	[sflag:s28] =	ssyncset.done $0x0  }
0x43: {  	s25 =	simm.s32 @!p0 $0xA;
	[sflag:s28] =	ssyncadd.s32 $0xFFFFE000  }
0x44: {  	[hbm4b:s9+s2] =	stream.linear.scatter [tilespmem:s13], [sflag:$0x6], $0x4000, $0x38;
	[tilespmem:$0x15900] =	vst v63  }
0x45: {  	_ =	swait.ge @!p0 [sflag:s25], $0x4000  }
0x46: {  	s4 =	sshra.s32 s5, $0x2;
	[sflag:s25] =	ssyncset.done @!p0 $0x0  }
0x47: {  	s15 =	sadd.s32 $0x400, s4;
	[sflag:s25] =	ssyncadd.s32 @!p0 $0xFFFFC000  }
0x48: {  	[tilespmem:s29], [sflag:$0x5] =	stream.indirect.gather [hbm4b:s3+s12], $0x40, s15, s12, $0xb8;
	[tilespmem:$0x15900] =	vst v63  }
0x49: {  	s23 =	sadd.s32 $0x480, s4  }
0x4a: {  	[tilespmem:s30], [sflag:$0x5] =	stream.indirect.gather [hbm4b:s3+s12], $0x40, s23, s12, $0xb8;
	[tilespmem:$0x15900] =	vst v63  }
0x4b: {  	_ =	swait.ge [sflag:s31], $0x2000  }
0x4c: {  	[sflag:s31] =	ssyncset.done $0x0  }
0x4d: {  	[sflag:s31] =	ssyncadd.s32 $0xFFFFE000  }
0x4e: {  	_ =	swait.ge [sflag:s31], $0x2000  }
0x4f: {  	p0 =	seq.s32 s5, $0x5000;
	[sflag:s31] =	ssyncset.done $0x0  }
0x50: {  	s25 =	simm.s32 @!p0 $0x6;
	[sflag:s31] =	ssyncadd.s32 $0xFFFFE000  }
0x51: {  	[hbm4b:s8+s2] =	stream.linear.scatter [tilespmem:s16], [sflag:$0x7], $0x4000, $0x38;
	[tilespmem:$0x15900] =	vst v63  }
0x52: {  	_ =	swait.ge @!p0 [sflag:s25], $0x4000  }
0x53: {  	[sflag:s25] =	ssyncset.done @!p0 $0x0  }
0x54: {  	[sflag:s25] =	ssyncadd.s32 @!p0 $0xFFFFC000;
	s25 =	sshra.s32 @!p0 s5, $0x2  }
0x55: {  	s11 =	simm.s32 @!p0 $0x80;
	s15 =	simm.s32 @!p0 $0x1900;
	s23 =	sadd.s32 @!p0 $0x500, s25  }
0x56: {  	[tilespmem:s15], [sflag:$0x1] =	stream.indirect.gather @!p0 [hbm4b:s3+s11], $0x40, s23, s11, $0xb8;
	[tilespmem:$0x15900] =	vst v63  }
0x57: {  	s15 =	sadd.s32 @!p0 $0x580, s25;
	s23 =	simm.s32 @!p0 $0x3900  }
0x58: {  	[tilespmem:s23], [sflag:$0x1] =	stream.indirect.gather @!p0 [hbm4b:s3+s11], $0x40, s15, s11, $0xb8;
	[tilespmem:$0x15900] =	vst v63  }
0x59: {  	_ =	swait.ge [sflag:s1], $0x2000  }
0x5a: {  	[sflag:s1] =	ssyncset.done $0x0  }
0x5b: {  	[sflag:s1] =	ssyncadd.s32 $0xFFFFE000  }
0x5c: {  	_ =	swait.ge [sflag:s1], $0x2000  }
0x5d: {  	[sflag:s1] =	ssyncset.done $0x0  }
0x5e: {  	s15 =	simm.s32 @!p0 $0x7;
	[sflag:s1] =	ssyncadd.s32 $0xFFFFE000  }
0x5f: {  	[hbm4b:s7+s2] =	stream.linear.scatter [tilespmem:s20], [sflag:$0x8], $0x4000, $0x38;
	[tilespmem:$0x15900] =	vst v63  }
0x60: {  	_ =	swait.ge @!p0 [sflag:s15], $0x4000  }
0x61: {  	[sflag:s15] =	ssyncset.done @!p0 $0x0  }
0x62: {  	s23 =	simm.s32 @!p0 $0x5900;
	[sflag:s15] =	ssyncadd.s32 @!p0 $0xFFFFC000;
	s15 =	sadd.s32 @!p0 $0x600, s25  }
0x63: {  	[tilespmem:s23], [sflag:$0x2] =	stream.indirect.gather @!p0 [hbm4b:s3+s11], $0x40, s15, s11, $0xb8;
	[tilespmem:$0x15900] =	vst v63  }
0x64: {  	s15 =	sadd.s32 @!p0 $0x680, s25;
	s23 =	simm.s32 @!p0 $0x7900  }
0x65: {  	[tilespmem:s23], [sflag:$0x2] =	stream.indirect.gather @!p0 [hbm4b:s3+s11], $0x40, s15, s11, $0xb8;
	[tilespmem:$0x15900] =	vst v63  }
0x66: {  	_ =	swait.ge [sflag:s0], $0x2000  }
0x67: {  	[sflag:s0] =	ssyncset.done $0x0  }
0x68: {  	[sflag:s0] =	ssyncadd.s32 $0xFFFFE000  }
0x69: {  	_ =	swait.ge [sflag:s0], $0x2000  }
0x6a: {  	[sflag:s0] =	ssyncset.done $0x0  }
0x6b: {  	s15 =	simm.s32 @!p0 $0x8;
	[sflag:s0] =	ssyncadd.s32 $0xFFFFE000  }
0x6c: {  	[hbm4b:s6+s2] =	stream.linear.scatter [tilespmem:s24], [sflag:$0x9], $0x4000, $0x38;
	[tilespmem:$0x15900] =	vst v63  }
0x6d: {  	_ =	swait.ge @!p0 [sflag:s15], $0x4000  }
0x6e: {  	[sflag:s15] =	ssyncset.done @!p0 $0x0  }
0x6f: {  	s23 =	simm.s32 @!p0 $0x9900;
	[sflag:s15] =	ssyncadd.s32 @!p0 $0xFFFFC000;
	s15 =	sadd.s32 @!p0 $0x700, s25  }
0x70: {  	[tilespmem:s23], [sflag:$0x3] =	stream.indirect.gather @!p0 [hbm4b:s3+s11], $0x40, s15, s11, $0xb8;
	[tilespmem:$0x15900] =	vst v63  }
0x71: {  	s15 =	sadd.s32 @!p0 $0x780, s25;
	s23 =	simm.s32 @!p0 $0xB900  }
0x72: {  	[tilespmem:s23], [sflag:$0x3] =	stream.indirect.gather @!p0 [hbm4b:s3+s11], $0x40, s15, s11, $0xb8;
	[tilespmem:$0x15900] =	vst v63  }
0x73: {  	_ =	swait.ge [sflag:s14], $0x2000  }
0x74: {  	[sflag:s14] =	ssyncset.done $0x0  }
.Ltmp2:
0x75: {  	[sflag:s14] =	ssyncadd.s32 $0xFFFFE000;
	(pc) =	sbr.rel @p0 .LBB2_4-.Ltmp2, $4  }
0x76: {  	_ =	swait.ge [sflag:s14], $0x2000  }
0x77: {  	[sflag:s14] =	ssyncset.done $0x0  }
0x78: {  	[sflag:s14] =	ssyncadd.s32 $0xFFFFE000  }
0x79: {  	[hbm4b:s10+s2] =	stream.linear.scatter [tilespmem:s29], [sflag:$0xA], $0x4000, $0x38;
	[tilespmem:$0x15900] =	vst v63  }
0x7a: {  	_ =	swait.ge [sflag:s19], $0x4000;
	s11 =	sadd.s32 $0x800, s4;
	s25 =	sadd.s32 $0x880, s4  }
.Ltmp3:
0x7b: {  	s5 =	sadd.s32 $0x1400, s5;
	[sflag:s19] =	ssyncset.done $0x0;
	(pc) =	sbr.rel .LBB2_2-.Ltmp3, $4  }
0x7c: {  	s6 =	sadd.s32 $0x2800, s6;
	s7 =	sadd.s32 $0x2800, s7;
	[sflag:s19] =	ssyncadd.s32 $0xFFFFC000  }
0x7d: {  	[tilespmem:s24], [sflag:$0x4] =	stream.indirect.gather [hbm4b:s3+s12], $0x40, s11, s12, $0xb8;
	[tilespmem:$0x15900] =	vst v63  }
0x7e: {  	s8 =	sadd.s32 $0x2800, s8;
	s9 =	sadd.s32 $0x2800, s9;
	s10 =	sadd.s32 $0x2800, s10  }
0x7f: {  	[tilespmem:s26], [sflag:$0x4] =	stream.indirect.gather [hbm4b:s3+s12], $0x40, s25, s12, $0xb8;
	[tilespmem:$0x15900] =	vst v63  }
.LBB2_5:
0x80: {  	_ =	sfence.sel $0x180000  }
0x81: {  	[bflag:$0x0] =	sbarrier.arrive $0xFFFF  }
0x82: {  	_ =	strace $0x90000047  }
0x83: {  	s0 =	stileid.u32;
	[bflag:$0x2] =	sbarrier.arrive $0xFFFF  }
0x84: {  	p0 =	sne.s32 s0, $0x0;
	s0 =	rddreg [dreg:$0x2]  }
0x85: {  	s0 =	sadd.s32 @!p0 $0x100000, s0  }
0x86: {  	[sflag:s0] =	ssyncadd.tile.s32 @!p0 $0x1;
	_ =	shalt  }
.Lfunc_end2:
_tile_overlayer_lowered:
.L_overlay_start_2:
0x87: {  	(tag) =	ssettag $0x2  }
0x88: {  	s0 =	rddreg [dreg:$0x0];
	s2 =	stileid.u32  }
0x89: {  	s1 =	rddreg [dreg:$0x1];
	p0 =	sne.s32 s2, $0x0  }
0x8a: {  	s3 =	rddreg [dreg:$0x2];
	[bflag:$0x3] =	sbarrier.arrive $0xFFFF;
	s2 =	simm.s32 @!p0 $0x1C0B  }
0x8b: {  	[timem:s3], [sflag:s2] =	dma.local @!p0 [hbm:s0], s1  }
0x8c: {  	s0 =	simm.s32 @!p0 $0xB  }
0x8d: {  	_ =	swait.ge @!p0 [sflag:s0], s1  }
0x8e: {  	s1 =	ssub.s32 @!p0 $0x0, s1;
	[sflag:s0] =	ssyncset.done @!p0 $0x0  }
0x8f: {  	[sflag:s0] =	ssyncadd.s32 @!p0 s1  }
0x90: {  	[bflag:$0x3] =	sbarrier.arrive $0xFFFF  }
0x91: {  	_ =	shalt  }

// kernel: kernel.7.cloned.1.call-start
scs
__scs_entry_jumppad:
0x0: {  	(pc) =	sbr.rel $0x88, $3  }
0x1: {  	(tag) =	ssettag $0x0;
	lr =	simm.s32 $0x1  }
0x2: {  	[smem:$0x3F9D] =	sst lr;
	_ =	strace $0xD0000000  }
0x3: {  	_ = 	snop  }
0x4: {  	_ = 	snop  }
0x5: {  	_ = 	snop  }
0x6: {  	_ = 	snop  }
0x7: {  	_ = 	snop  }
__scs_overlays_trampoline_lowered:
0x8: {  	[smem:$0x3FAC] =	sst s0  }
0x9: {  	[smem:$0x3FAD] =	sst s1  }
0xa: {  	[smem:$0x3FAE] =	sst s2  }
0xb: {  	[smem:$0x3FAF] =	sst s3  }
0xc: {  	[smem:$0x3FB0] =	sst s4  }
0xd: {  	[smem:$0x3FB1] =	sst s5  }
0xe: {  	[smem:$0x3FB2] =	sst s6  }
0xf: {  	[smem:$0x3FB3] =	sst s7  }
0x10: {  	[smem:$0x3FB4] =	sst s8  }
0x11: {  	[smem:$0x3FB5] =	sst s9;
	s0 =	simm.s32 @!p0 $0x0  }
0x12: {  	s1 =	sld [smem:$0x3F9B];
	s0 =	simm.s32 @p0 $0x1  }
0x13: {  	[smem:$0x3FB6] =	sst s0;
	s0 =	simm.s32 @!p1 $0x0  }
0x14: {  	s2 =	sld [smem:$0x3F9A];
	s0 =	simm.s32 @p1 $0x1  }
0x15: {  	[smem:$0x3FB7] =	sst s0;
	s0 =	simm.s32 @!p2 $0x0  }
0x16: {  	s3 =	sld [smem:$0x3FDB];
	s0 =	simm.s32 @p2 $0x1  }
0x17: {  	s4 =	simm.s32 $0x1BF5;
	[smem:$0x3FB9] =	sst s0  }
0x18: {  	s0 =	sld [smem:$0x3F9C];
	_ =	swait.ge [sflag:s4], $0x0  }
0x19: {  	s7 =	sld [smem:$0x3F9D]  }
0x1a: {  	s8 =	sadd.s32 $0xFFFFE003, lr  }
0x1b: {  	s9 =	sadd.s32 $0xFFFFFEF7, lr;
	s5 =	simm.s32 $0xFFFFFFFF;
	p2 =	slt.u32 s8, $0xFFFFF086  }
0x1c: {  	p1 =	slt.u32 s9, $0xF7A;
	s5 =	simm.s32 @!p2 $0x0  }
0x1d: {  	s5 =	simm.s32 @p1 $0x1;
	p0 =	seq.s32 s7, s2  }
0x1e: {  	s7 =	smul.u32 @!p0 $0xF7A, s2;
	p2 =	seq.s32 @!p0 s5, $0x0  }
0x1f: {  	s9 =	smul.u32 $0xF7A, s1;
	s8 =	simm.s32 @!p0 $0x1BF5;
	p2 =	por !p2, p0  }
0x20: {  	[sflag:s8] =	ssyncset.s32 @!p0 $0xFFFFF086;
	s6 =	sadd.s32 @!p0 s3, s7;
	s7 =	simm.s32 @!p0 $0x108  }
0x21: {  	s3 =	sadd.s32 s3, s9;
	s6 =	sadd.s32 @!p0 $0x88, s6;
	s7 =	simm.s32 @p2 $0x1082  }
0x22: {  	[simem:s7], [sflag:s8] =	dma.local @!p0 [hbm:s6], $0xF7A  }
0x23: {  	s9 =	sor.u32 $0xD0000000, s2;
	s6 =	simm.s32 $0x108;
	_ =	swait.ge @!p0 [sflag:s8], $0x0  }
0x24: {  	s3 =	sadd.s32 $0x88, s3;
	s6 =	simm.s32 @!p1 $0x1082;
	[sflag:s4] =	ssyncset.s32 $0xFFFFF086  }
0x25: {  	[simem:s6], [sflag:s4] =	dma.local [hbm:s3], $0xF7A  }
0x26: {  	[smem:$0x3F9D] =	sst s1;
	(tag) =	ssettag s2;
	_ =	strace s9  }
0x27: {  	s1 =	sld [smem:$0x3FAD]  }
0x28: {  	s2 =	sld [smem:$0x3FAE]  }
0x29: {  	s4 =	sld [smem:$0x3FB0]  }
0x2a: {  	p0 =	seq.s32 s5, $0x0;
	s5 =	sld [smem:$0x3FB1]  }
0x2b: {  	s6 =	sld [smem:$0x3FB2]  }
0x2c: {  	s7 =	sld [smem:$0x3FB3]  }
0x2d: {  	s3 =	simm.s32 $0x108;
	s8 =	sld [smem:$0x3FB4]  }
0x2e: {  	s3 =	simm.s32 @!p0 $0x1082;
	s9 =	sld [smem:$0x3FB5]  }
0x2f: {  	lr =	sadd.s32 s0, s3;
	s0 =	sld [smem:$0x3FAC]  }
0x30: {  	s3 =	sld [smem:$0x3FAF]  }
0x31: {  	[smem:$0x3FB8] =	sst s10  }
0x32: {  	s10 =	sld [smem:$0x3FB6];
	_ =	sdelay $0x3  }
0x33: {  	p0 =	seq.s32 s10, $0x1;
	s10 =	sld [smem:$0x3FB8];
	_ =	sdelay $0x3  }
0x34: {  	[smem:$0x3FB8] =	sst s10  }
0x35: {  	s10 =	sld [smem:$0x3FB7];
	_ =	sdelay $0x3  }
0x36: {  	p1 =	seq.s32 s10, $0x1;
	s10 =	sld [smem:$0x3FB8];
	_ =	sdelay $0x3  }
0x37: {  	[smem:$0x3FB8] =	sst s10  }
0x38: {  	s10 =	sld [smem:$0x3FB9]  }
0x39: {  	_ = 	snop;
	(pc) =	sbr.ind lr, $3  }
0x3a: {  	_ = 	snop  }
0x3b: {  	_ = 	snop  }
0x3c: {  	p2 =	seq.s32 s10, $0x1;
	s10 =	sld [smem:$0x3FB8]  }
0x3d: {  	_ =	shalt  }
0x3e: {  	_ =	shalt  }
0x3f: {  	_ =	shalt  }
0x40: {  	_ =	shalt  }
0x41: {  	_ =	shalt  }
0x42: {  	_ =	shalt  }
0x43: {  	_ =	shalt  }
0x44: {  	_ =	shalt  }
0x45: {  	_ =	shalt  }
0x46: {  	_ =	shalt  }
0x47: {  	_ =	shalt  }
0x48: {  	_ =	shalt  }
0x49: {  	_ =	shalt  }
0x4a: {  	_ =	shalt  }
0x4b: {  	_ =	shalt  }
0x4c: {  	_ =	shalt  }
0x4d: {  	_ =	shalt  }
0x4e: {  	_ =	shalt  }
0x4f: {  	_ =	shalt  }
0x50: {  	_ =	shalt  }
0x51: {  	_ =	shalt  }
0x52: {  	_ =	shalt  }
0x53: {  	_ =	shalt  }
0x54: {  	_ =	shalt  }
0x55: {  	_ =	shalt  }
0x56: {  	_ =	shalt  }
0x57: {  	_ =	shalt  }
0x58: {  	_ =	shalt  }
0x59: {  	_ =	shalt  }
0x5a: {  	_ =	shalt  }
0x5b: {  	_ =	shalt  }
0x5c: {  	_ =	shalt  }
0x5d: {  	_ =	shalt  }
0x5e: {  	_ =	shalt  }
0x5f: {  	_ =	shalt  }
0x60: {  	_ =	shalt  }
0x61: {  	_ =	shalt  }
0x62: {  	_ =	shalt  }
0x63: {  	_ =	shalt  }
0x64: {  	_ =	shalt  }
0x65: {  	_ =	shalt  }
0x66: {  	_ =	shalt  }
0x67: {  	_ =	shalt  }
0x68: {  	_ =	shalt  }
0x69: {  	_ =	shalt  }
0x6a: {  	_ =	shalt  }
0x6b: {  	_ =	shalt  }
0x6c: {  	_ =	shalt  }
0x6d: {  	_ =	shalt  }
0x6e: {  	_ =	shalt  }
0x6f: {  	_ =	shalt  }
0x70: {  	_ =	shalt  }
0x71: {  	_ =	shalt  }
0x72: {  	_ =	shalt  }
0x73: {  	_ =	shalt  }
0x74: {  	_ =	shalt  }
0x75: {  	_ =	shalt  }
0x76: {  	_ =	shalt  }
0x77: {  	_ =	shalt  }
0x78: {  	_ =	shalt  }
0x79: {  	_ =	shalt  }
0x7a: {  	_ =	shalt  }
0x7b: {  	_ =	shalt  }
0x7c: {  	_ =	shalt  }
0x7d: {  	_ =	shalt  }
0x7e: {  	_ =	shalt  }
0x7f: {  	_ =	shalt  }
0x80: {  	_ =	shalt  }
0x81: {  	_ =	shalt  }
0x82: {  	_ =	shalt  }
0x83: {  	_ =	shalt  }
0x84: {  	_ =	shalt  }
0x85: {  	_ =	shalt  }
0x86: {  	_ =	shalt  }
0x87: {  	_ =	shalt  }
.Lfunc_end0:
.L_simem_size_0:
called_computation.3_lowered:
.L_overlay_start_0:
0x88: {  	s2 =	sld [smem:$0x3FD9]  }
0x89: {  	s3 =	sld [smem:$0x3FFE];
	_ =	sdelay $0x1  }
0x8a: {  	s1 =	srdreg.scid  }
0x8b: {  	s0 =	sand.u32 $0x1, s1  }
0x8c: {  	s15 =	sshll.u32 s0, $0xA;
	s2 =	sadd.s32 s3, s2  }
0x8d: {  	s2 =	sadd.s32 s2, s15  }
0x8e: {  	[smem:$0x3FC4] =	sst s2  }
0x8f: {  	_ = 	snop  }
0x90: {  	s2 =	sld [smem:$0x3FD0];
	_ =	sdelay $0x2  }
0x91: {  	s16 =	simm.s32 $0xB;
	s4 =	simm.s32 $0x10  }
0x92: {  	[smem:s4], [sflag:s16] =	dma.local [hbm:s2], $0x1  }
0x93: {  	_ =	swait.eq [sflag:s16], $0x1  }
0x94: {  	[sflag:s16] =	ssyncset.done $0x0  }
0x95: {  	[sflag:s16] =	ssyncadd.s32 $0xFFFFFFFF  }
0x96: {  	s17 =	sld [smem:$0x11];
	(tm) =	ssettm $0x1  }
0x97: {  	s18 =	sld [smem:$0x3FFB];
	_ =	sdelay $0x3  }
0x98: {  	_ =	strace s18  }
0x99: {  	s2 =	sld [smem:$0x3FFC];
	_ =	sdelay $0x3  }
0x9a: {  	_ =	strace s2  }
0x9b: {  	s2 =	sld [smem:$0x3FFD];
	_ =	sdelay $0x3  }
0x9c: {  	_ =	strace s2  }
0x9d: {  	_ =	strace $0x8FFFFFFF  }
0x9e: {  	s19 =	sld [smem:$0x3FDB];
	_ =	sdelay $0x1  }
0x9f: {  	s20 =	simm.s32 $_scs_section_size  }
0xa0: {  	s5 =	simm.s32 $_size__tile_overlayer_lowered;
	s6 =	simm.s32 $_tile_overlayer_lowered  }
0xa1: {  	s7 =	simm.s32 $0x1BFF;
	s21 =	sshll.u32 s6, $0x1;
	s4 =	sadd.s32 s20, s19  }
0xa2: {  	s22 =	simm.s32 $0x0;
	s5 =	sshll.u32 s5, $0x1;
	s6 =	sadd.s32 s21, s4  }
0xa3: {  	[timem:s22], [sflag:s7] =	dma.local [hbm:s6], s5  }
0xa4: {  	_ =	swait.ge [sflag:s7], s5  }
0xa5: {  	s5 =	ssub.s32 $0x0, s5;
	[sflag:s7] =	ssyncset.done $0x0  }
0xa6: {  	[sflag:s7] =	ssyncadd.s32 s5;
	_ =	sdelay $0x1  }
0xa7: {  	s23 =	simm.s32 $0x1B8B  }
0xa8: {  	_ =	swait.ge [sflag:s23], $0x1  }
0xa9: {  	[sflag:s23] =	ssyncset.done $0x0  }
0xaa: {  	[sflag:s23] =	ssyncadd.s32 $0xFFFFFFFF  }
0xab: {  	s5 =	sld [smem:$0x0]  }
0xac: {  	s6 =	sand.u32 $0xFFFFFFFE, s1  }
0xad: {  	p0 =	sne.s32 s1, s6  }
0xae: {  	s6 =	sshll.u32 @p0 s6, $0xE  }
0xaf: {  	s6 =	sadd.s32 @p0 $0x11B8D, s6;
	s7 =	sshll.u32 @p0 s5, $0x11  }
0xb0: {  	s6 =	sor.u32 @p0 s7, s6  }
0xb1: {  	[sflag:s6] =	ssyncadd.remote.s32 @p0 $0x1;
	_ =	sdelay $0x1  }
0xb2: {  	s6 =	simm.s32 @p0 $0x1B8D  }
0xb3: {  	_ =	swait.eq @p0 [sflag:s6], $0x1  }
0xb4: {  	[sflag:s6] =	ssyncadd.s32 @p0 $0xFFFFFFFF  }
0xb5: {  	s7 =	sshll.u32 @!p0 s1, $0xE  }
0xb6: {  	s7 =	sor.u32 @!p0 $0x4000, s7;
	s6 =	simm.s32 @!p0 $0x1B8D  }
0xb7: {  	s5 =	sshll.u32 @!p0 s5, $0x11;
	s7 =	sadd.s32 @!p0 $0x11B8D, s7;
	_ =	swait.eq @!p0 [sflag:s6], $0x1  }
0xb8: {  	s5 =	sor.u32 @!p0 s5, s7;
	[sflag:s6] =	ssyncadd.s32 @!p0 $0xFFFFFFFF  }
0xb9: {  	s25 =	simm.s32 $0x1B8E;
	s24 =	sld [smem:$0x3FFE];
	[sflag:s5] =	ssyncadd.remote.s32 @!p0 $0x1  }
0xba: {  	s26 =	simm.s32 $execute0_lowered;
	[smem:$0x3FD2] =	sst s25  }
0xbb: {  	s6 =	sshll.u32 s26, $0x1;
	_ =	strace $0x80000049;
	[dreg:$0x1] =	wrdreg $0xFFFFFFFF  }
0xbc: {  	s28 =	simm.s32 $_size_execute0_lowered;
	s4 =	sadd.s32 s4, s6;
	[dreg:$0x0] =	wrdreg $0x0  }
0xbd: {  	s6 =	sshll.u32 s28, $0x1;
	[dreg:$0x2] =	wrdreg s4  }
0xbe: {  	[dreg:$0x3] =	wrdreg s6  }
0xbf: {  	[dreg:$0x4] =	wrdreg $0xC0  }
0xc0: {  	_ =	task [dreg:s22], $0x5FFFF  }
0xc1: {  	[dreg:$0x1] =	wrdreg $0xFFFFFFFF  }
0xc2: {  	[dreg:$0x0] =	wrdreg $0x60  }
0xc3: {  	[dreg:$0x2] =	wrdreg s24  }
0xc4: {  	[dreg:$0x3] =	wrdreg s17  }
0xc5: {  	[dreg:$0x4] =	wrdreg $0xA  }
0xc6: {  	_ =	task.clear_ibuf [dreg:s22], $0x5FFFF;
	_ =	strace $0x90000049  }
0xc7: {  	s29 =	simm.s32 $0xA;
	_ =	strace $0x8000004B  }
0xc8: {  	_ =	swait.ge [sflag:s29], $0x1  }
0xc9: {  	[sflag:s29] =	ssyncadd.s32 $0xFFFFFFFF  }
0xca: {  	_ =	strace $0x9000004B  }
0xcb: {  	_ =	sfence  }
0xcc: {  	s30 =	sld [smem:$0x0];
	_ =	sdelay $0x2  }
0xcd: {  	s31 =	sshll.u32 s1, $0xD;
	s1 =	sshrl.u32 s1, $0x2  }
0xce: {  	s4 =	sand.u32 $0x4000, s31;
	s1 =	sadd.s32 s1, s30  }
0xcf: {  	s0 =	sor.u32 s4, s0;
	s1 =	sshll.u32 s1, $0x11  }
0xd0: {  	s0 =	sor.u32 s1, s0  }
0xd1: {  	s0 =	sadd.s32 $0x8F2B, s0  }
0xd2: {  	[sflag:s0] =	ssyncadd.remote.s32 $0x1  }
0xd3: {  	_ =	sfence.sel $0xFFFF  }
0xd4: {  	[dreg:$0x0] =	wrdreg $0xFFFFFFFF;
	(pc) =	sbr.abs _section_cstart, $3  }
0xd5: {  	[dreg:$0x1] =	wrdreg $0xFFFFFFFF  }
0xd6: {  	_ =	task.clear_ibuf [dreg:s22], $0x2FFFF;
	_ =	strace $0x9FFFFFFF  }
0xd7: {  	(tm) =	ssettm $0x7FFFFFFF  }
tec
execute0_lowered:
.L_overlay_start_1:
0x0: {  	(tag) =	ssettag $0x1  }
0x1: {  	s0 =	srdreg.scid;
	s3 =	rddreg [dreg:$0x0]  }
0x2: {  	s5 =	stileid.u32;
	s4 =	rddreg [dreg:$0x1]  }
0x3: {  	s2 =	simm.s32 $0x0;
	s12 =	simm.s32 $0x80;
	s13 =	simm.s32 $0x1900  }
0x4: {  	s16 =	simm.s32 $0x5900;
	s20 =	simm.s32 $0x9900;
	s28 =	simm.s32 $0x1  }
0x5: {  	s29 =	simm.s32 $0x11900;
	s30 =	simm.s32 $0x13900;
	s31 =	simm.s32 $0x2  }
0x6: {  	s14 =	simm.s32 $0x5;
	s17 =	simm.s32 $0x7;
	s18 =	simm.s32 $0x8  }
0x7: {  	s0 =	sand.u32 $0x1, s0;
	s1 =	sshll.u32 s5, $0x1;
	s5 =	smul.u32 $0xC8000, s5  }
0x8: {  	s1 =	sor.u32 s0, s1;
	s6 =	ssub.s32 $0x2, s0;
	s0 =	smul.u32 $0x64000, s0  }
0x9: {  	s19 =	simm.s32 $0x9;
	[smem:$0x7FF] =	sst s2;
	s1 =	smul.u32 $0x320, s1  }
0xa: {  	s21 =	simm.s32 $0xA;
	_ =	strace $0x8000004A;
	s7 =	sshrl.u32 s6, $0x1  }
0xb: {  	s6 =	ssub.s32 s6, s7;
	s0 =	sadd.s32 s0, s5;
	s1 =	sadd.s32 s1, s3  }
0xc: {  	s3 =	sadd.s32 $0xD2C00, s3;
	s22 =	sadd.s32 $0xC000, s0;
	s5 =	sadd.s32 $0x8000, s0  }
0xd: {  	s6 =	smax.u32 s6, $0x1;
	s24 =	sadd.s32 $0x4000, s0;
	s25 =	sshrl.u32 s0, $0x3  }
0xe: {  	s0 =	sadd.s32 $0x10000, s0;
	s1 =	sadd.s32 $0xCC800, s1;
	[dreg:$0x4] =	wrdreg s6  }
0xf: {  	s5 =	sshrl.u32 s5, $0x3;
	s26 =	sadd.s32 s25, s4;
	s0 =	sshrl.u32 s0, $0x3  }
0x10: {  	[dreg:$0x3] =	wrdreg s1;
	s1 =	sshrl.u32 s22, $0x3;
	s23 =	sadd.s32 s5, s4  }
.Ltmp0:
0x11: {  	[dreg:$0x8] =	wrdreg s26;
	s0 =	sadd.s32 s0, s4;
	(pc) =	sbr.rel .LBB2_1-.Ltmp0, $4  }
0x12: {  	s26 =	simm.s32 $0xF900;
	s1 =	sadd.s32 s1, s4;
	[dreg:$0x6] =	wrdreg s23  }
0x13: {  	s22 =	simm.s32 $0x0;
	[dreg:$0x5] =	wrdreg s1;
	s1 =	sshrl.u32 s24, $0x3  }
0x14: {  	[dreg:$0x9] =	wrdreg s0;
	s0 =	simm.s32 $0x4;
	s1 =	sadd.s32 s1, s4  }
0x15: {  	s24 =	simm.s32 $0xD900;
	[dreg:$0x7] =	wrdreg s1;
	s1 =	simm.s32 $0x3  }
.LBB2_4:
0x16: {  	s4 =	simm.s32 $0x6  }
0x17: {  	_ =	swait.ge [sflag:s4], $0x4000  }
0x18: {  	[sflag:s4] =	ssyncset.done $0x0  }
0x19: {  	[sflag:s4] =	ssyncadd.s32 $0xFFFFC000  }
0x1a: {  	_ =	swait.ge [sflag:s17], $0x4000  }
0x1b: {  	[sflag:s17] =	ssyncset.done $0x0  }
0x1c: {  	[sflag:s17] =	ssyncadd.s32 $0xFFFFC000  }
0x1d: {  	_ =	swait.ge [sflag:s18], $0x4000  }
0x1e: {  	[sflag:s18] =	ssyncset.done $0x0  }
0x1f: {  	[sflag:s18] =	ssyncadd.s32 $0xFFFFC000  }
0x20: {  	_ =	swait.ge [sflag:s19], $0x4000  }
0x21: {  	[sflag:s19] =	ssyncset.done $0x0  }
0x22: {  	[sflag:s19] =	ssyncadd.s32 $0xFFFFC000  }
0x23: {  	_ =	swait.ge [sflag:s21], $0x4000  }
0x24: {  	s22 =	sadd.s32 $0x1, s22;
	s25 =	rddreg [dreg:$0x4]  }
0x25: {  	p0 =	sne.s32 s22, s25  }
.Ltmp1:
0x26: {  	_ = 	snop;
	(pc) =	sbr.rel @!p0 .LBB2_5-.Ltmp1, $3  }
0x27: {  	_ =	sdelay $0x1  }
0x28: {  	[sflag:s21] =	ssyncset.done $0x0  }
0x29: {  	[sflag:s21] =	ssyncadd.s32 $0xFFFFC000  }
.LBB2_1:
0x2a: {  	s4 =	rddreg [dreg:$0x3];
	s6 =	simm.s32 $0xB  }
0x2b: {  	[tilespmem:s2], [sflag:$0xB] =	stream.linear.gather [hbm4b:s4+s2], $0x1900, $0x38;
	[tilespmem:$0x15900] =	vst v63  }
0x2c: {  	_ =	swait.ge [sflag:s6], $0x1900  }
0x2d: {  	[sflag:s6] =	ssyncset.done $0x0  }
0x2e: {  	[sflag:s6] =	ssyncadd.s32 $0xFFFFE700  }
0x2f: {  	[tilespmem:s13], [sflag:$0x1] =	stream.indirect.gather [hbm4b:s3+s12], $0x40, s2, s12, $0xb8;
	[tilespmem:$0x15900] =	vst v63  }
0x30: {  	s7 =	simm.s32 $0x3900  }
0x31: {  	[tilespmem:s7], [sflag:$0x1] =	stream.indirect.gather [hbm4b:s3+s12], $0x40, s12, s12, $0xb8;
	[tilespmem:$0x15900] =	vst v63  }
0x32: {  	s8 =	simm.s32 $0x100  }
0x33: {  	[tilespmem:s16], [sflag:$0x2] =	stream.indirect.gather [hbm4b:s3+s12], $0x40, s8, s12, $0xb8;
	[tilespmem:$0x15900] =	vst v63  }
0x34: {  	s9 =	simm.s32 $0x180;
	s5 =	simm.s32 $0x7900;
	s6 =	rddreg [dreg:$0x5]  }
0x35: {  	[tilespmem:s5], [sflag:$0x2] =	stream.indirect.gather [hbm4b:s3+s12], $0x40, s9, s12, $0xb8;
	[tilespmem:$0x15900] =	vst v63  }
0x36: {  	s10 =	simm.s32 $0x200;
	s7 =	rddreg [dreg:$0x6]  }
0x37: {  	[tilespmem:s20], [sflag:$0x3] =	stream.indirect.gather [hbm4b:s3+s12], $0x40, s10, s12, $0xb8;
	[tilespmem:$0x15900] =	vst v63  }
0x38: {  	s11 =	simm.s32 $0x280;
	s15 =	simm.s32 $0xB900;
	s8 =	rddreg [dreg:$0x7]  }
0x39: {  	[tilespmem:s15], [sflag:$0x3] =	stream.indirect.gather [hbm4b:s3+s12], $0x40, s11, s12, $0xb8;
	[tilespmem:$0x15900] =	vst v63  }
0x3a: {  	s23 =	simm.s32 $0x300;
	s9 =	rddreg [dreg:$0x8]  }
0x3b: {  	[tilespmem:s24], [sflag:$0x4] =	stream.indirect.gather [hbm4b:s3+s12], $0x40, s23, s12, $0xb8;
	[tilespmem:$0x15900] =	vst v63  }
0x3c: {  	s25 =	simm.s32 $0x380;
	s5 =	simm.s32 $0x0;
	s10 =	rddreg [dreg:$0x9]  }
0x3d: {  	[tilespmem:s26], [sflag:$0x4] =	stream.indirect.gather [hbm4b:s3+s12], $0x40, s25, s12, $0xb8;
	[tilespmem:$0x15900] =	vst v63  }
.LBB2_2:
0x3e: {  	_ =	swait.ge [sflag:s28], $0x2000  }
0x3f: {  	[sflag:s28] =	ssyncset.done $0x0  }
0x40: {  	[sflag:s28] =	ssyncadd.s32 $0xFFFFE000  }
0x41: {  	_ =	swait.ge [sflag:s28], $0x2000  }
0x42: {  	p0 =	seq.s32 s5, $0x0;
	[sflag:s28] =	ssyncset.done $0x0  }
0x43: {  	s25 =	simm.s32 @!p0 $0xA;
	[sflag:s28] =	ssyncadd.s32 $0xFFFFE000  }
0x44: {  	[hbm4b:s9+s2] =	stream.linear.scatter [tilespmem:s13], [sflag:$0x6], $0x4000, $0x38;
	[tilespmem:$0x15900] =	vst v63  }
0x45: {  	_ =	swait.ge @!p0 [sflag:s25], $0x4000  }
0x46: {  	s4 =	sshra.s32 s5, $0x2;
	[sflag:s25] =	ssyncset.done @!p0 $0x0  }
0x47: {  	s15 =	sadd.s32 $0x400, s4;
	[sflag:s25] =	ssyncadd.s32 @!p0 $0xFFFFC000  }
0x48: {  	[tilespmem:s29], [sflag:$0x5] =	stream.indirect.gather [hbm4b:s3+s12], $0x40, s15, s12, $0xb8;
	[tilespmem:$0x15900] =	vst v63  }
0x49: {  	s23 =	sadd.s32 $0x480, s4  }
0x4a: {  	[tilespmem:s30], [sflag:$0x5] =	stream.indirect.gather [hbm4b:s3+s12], $0x40, s23, s12, $0xb8;
	[tilespmem:$0x15900] =	vst v63  }
0x4b: {  	_ =	swait.ge [sflag:s31], $0x2000  }
0x4c: {  	[sflag:s31] =	ssyncset.done $0x0  }
0x4d: {  	[sflag:s31] =	ssyncadd.s32 $0xFFFFE000  }
0x4e: {  	_ =	swait.ge [sflag:s31], $0x2000  }
0x4f: {  	p0 =	seq.s32 s5, $0x5000;
	[sflag:s31] =	ssyncset.done $0x0  }
0x50: {  	s25 =	simm.s32 @!p0 $0x6;
	[sflag:s31] =	ssyncadd.s32 $0xFFFFE000  }
0x51: {  	[hbm4b:s8+s2] =	stream.linear.scatter [tilespmem:s16], [sflag:$0x7], $0x4000, $0x38;
	[tilespmem:$0x15900] =	vst v63  }
0x52: {  	_ =	swait.ge @!p0 [sflag:s25], $0x4000  }
0x53: {  	[sflag:s25] =	ssyncset.done @!p0 $0x0  }
0x54: {  	[sflag:s25] =	ssyncadd.s32 @!p0 $0xFFFFC000;
	s25 =	sshra.s32 @!p0 s5, $0x2  }
0x55: {  	s11 =	simm.s32 @!p0 $0x80;
	s15 =	simm.s32 @!p0 $0x1900;
	s23 =	sadd.s32 @!p0 $0x500, s25  }
0x56: {  	[tilespmem:s15], [sflag:$0x1] =	stream.indirect.gather @!p0 [hbm4b:s3+s11], $0x40, s23, s11, $0xb8;
	[tilespmem:$0x15900] =	vst v63  }
0x57: {  	s15 =	sadd.s32 @!p0 $0x580, s25;
	s23 =	simm.s32 @!p0 $0x3900  }
0x58: {  	[tilespmem:s23], [sflag:$0x1] =	stream.indirect.gather @!p0 [hbm4b:s3+s11], $0x40, s15, s11, $0xb8;
	[tilespmem:$0x15900] =	vst v63  }
0x59: {  	_ =	swait.ge [sflag:s1], $0x2000  }
0x5a: {  	[sflag:s1] =	ssyncset.done $0x0  }
0x5b: {  	[sflag:s1] =	ssyncadd.s32 $0xFFFFE000  }
0x5c: {  	_ =	swait.ge [sflag:s1], $0x2000  }
0x5d: {  	[sflag:s1] =	ssyncset.done $0x0  }
0x5e: {  	s15 =	simm.s32 @!p0 $0x7;
	[sflag:s1] =	ssyncadd.s32 $0xFFFFE000  }
0x5f: {  	[hbm4b:s7+s2] =	stream.linear.scatter [tilespmem:s20], [sflag:$0x8], $0x4000, $0x38;
	[tilespmem:$0x15900] =	vst v63  }
0x60: {  	_ =	swait.ge @!p0 [sflag:s15], $0x4000  }
0x61: {  	[sflag:s15] =	ssyncset.done @!p0 $0x0  }
0x62: {  	s23 =	simm.s32 @!p0 $0x5900;
	[sflag:s15] =	ssyncadd.s32 @!p0 $0xFFFFC000;
	s15 =	sadd.s32 @!p0 $0x600, s25  }
0x63: {  	[tilespmem:s23], [sflag:$0x2] =	stream.indirect.gather @!p0 [hbm4b:s3+s11], $0x40, s15, s11, $0xb8;
	[tilespmem:$0x15900] =	vst v63  }
0x64: {  	s15 =	sadd.s32 @!p0 $0x680, s25;
	s23 =	simm.s32 @!p0 $0x7900  }
0x65: {  	[tilespmem:s23], [sflag:$0x2] =	stream.indirect.gather @!p0 [hbm4b:s3+s11], $0x40, s15, s11, $0xb8;
	[tilespmem:$0x15900] =	vst v63  }
0x66: {  	_ =	swait.ge [sflag:s0], $0x2000  }
0x67: {  	[sflag:s0] =	ssyncset.done $0x0  }
0x68: {  	[sflag:s0] =	ssyncadd.s32 $0xFFFFE000  }
0x69: {  	_ =	swait.ge [sflag:s0], $0x2000  }
0x6a: {  	[sflag:s0] =	ssyncset.done $0x0  }
0x6b: {  	s15 =	simm.s32 @!p0 $0x8;
	[sflag:s0] =	ssyncadd.s32 $0xFFFFE000  }
0x6c: {  	[hbm4b:s6+s2] =	stream.linear.scatter [tilespmem:s24], [sflag:$0x9], $0x4000, $0x38;
	[tilespmem:$0x15900] =	vst v63  }
0x6d: {  	_ =	swait.ge @!p0 [sflag:s15], $0x4000  }
0x6e: {  	[sflag:s15] =	ssyncset.done @!p0 $0x0  }
0x6f: {  	s23 =	simm.s32 @!p0 $0x9900;
	[sflag:s15] =	ssyncadd.s32 @!p0 $0xFFFFC000;
	s15 =	sadd.s32 @!p0 $0x700, s25  }
0x70: {  	[tilespmem:s23], [sflag:$0x3] =	stream.indirect.gather @!p0 [hbm4b:s3+s11], $0x40, s15, s11, $0xb8;
	[tilespmem:$0x15900] =	vst v63  }
0x71: {  	s15 =	sadd.s32 @!p0 $0x780, s25;
	s23 =	simm.s32 @!p0 $0xB900  }
0x72: {  	[tilespmem:s23], [sflag:$0x3] =	stream.indirect.gather @!p0 [hbm4b:s3+s11], $0x40, s15, s11, $0xb8;
	[tilespmem:$0x15900] =	vst v63  }
0x73: {  	_ =	swait.ge [sflag:s14], $0x2000  }
0x74: {  	[sflag:s14] =	ssyncset.done $0x0  }
.Ltmp2:
0x75: {  	[sflag:s14] =	ssyncadd.s32 $0xFFFFE000;
	(pc) =	sbr.rel @p0 .LBB2_4-.Ltmp2, $4  }
0x76: {  	_ =	swait.ge [sflag:s14], $0x2000  }
0x77: {  	[sflag:s14] =	ssyncset.done $0x0  }
0x78: {  	[sflag:s14] =	ssyncadd.s32 $0xFFFFE000  }
0x79: {  	[hbm4b:s10+s2] =	stream.linear.scatter [tilespmem:s29], [sflag:$0xA], $0x4000, $0x38;
	[tilespmem:$0x15900] =	vst v63  }
0x7a: {  	_ =	swait.ge [sflag:s19], $0x4000;
	s11 =	sadd.s32 $0x800, s4;
	s25 =	sadd.s32 $0x880, s4  }
.Ltmp3:
0x7b: {  	s5 =	sadd.s32 $0x1400, s5;
	[sflag:s19] =	ssyncset.done $0x0;
	(pc) =	sbr.rel .LBB2_2-.Ltmp3, $4  }
0x7c: {  	s6 =	sadd.s32 $0x2800, s6;
	s7 =	sadd.s32 $0x2800, s7;
	[sflag:s19] =	ssyncadd.s32 $0xFFFFC000  }
0x7d: {  	[tilespmem:s24], [sflag:$0x4] =	stream.indirect.gather [hbm4b:s3+s12], $0x40, s11, s12, $0xb8;
	[tilespmem:$0x15900] =	vst v63  }
0x7e: {  	s8 =	sadd.s32 $0x2800, s8;
	s9 =	sadd.s32 $0x2800, s9;
	s10 =	sadd.s32 $0x2800, s10  }
0x7f: {  	[tilespmem:s26], [sflag:$0x4] =	stream.indirect.gather [hbm4b:s3+s12], $0x40, s25, s12, $0xb8;
	[tilespmem:$0x15900] =	vst v63  }
.LBB2_5:
0x80: {  	_ =	sfence.sel $0x180000  }
0x81: {  	[bflag:$0x0] =	sbarrier.arrive $0xFFFF  }
0x82: {  	_ =	strace $0x9000004A  }
0x83: {  	s0 =	stileid.u32;
	[bflag:$0x2] =	sbarrier.arrive $0xFFFF  }
0x84: {  	p0 =	sne.s32 s0, $0x0;
	s0 =	rddreg [dreg:$0x2]  }
0x85: {  	s0 =	sadd.s32 @!p0 $0x100000, s0  }
0x86: {  	[sflag:s0] =	ssyncadd.tile.s32 @!p0 $0x1;
	_ =	shalt  }
.Lfunc_end2:
_tile_overlayer_lowered:
.L_overlay_start_2:
0x87: {  	(tag) =	ssettag $0x2  }
0x88: {  	s0 =	rddreg [dreg:$0x0];
	s2 =	stileid.u32  }
0x89: {  	s1 =	rddreg [dreg:$0x1];
	p0 =	sne.s32 s2, $0x0  }
0x8a: {  	s3 =	rddreg [dreg:$0x2];
	[bflag:$0x3] =	sbarrier.arrive $0xFFFF;
	s2 =	simm.s32 @!p0 $0x1C0B  }
0x8b: {  	[timem:s3], [sflag:s2] =	dma.local @!p0 [hbm:s0], s1  }
0x8c: {  	s0 =	simm.s32 @!p0 $0xB  }
0x8d: {  	_ =	swait.ge @!p0 [sflag:s0], s1  }
0x8e: {  	s1 =	ssub.s32 @!p0 $0x0, s1;
	[sflag:s0] =	ssyncset.done @!p0 $0x0  }
0x8f: {  	[sflag:s0] =	ssyncadd.s32 @!p0 s1  }
0x90: {  	[bflag:$0x3] =	sbarrier.arrive $0xFFFF  }
0x91: {  	_ =	shalt  }

// kernel: sparse-core-data-format-call.1.cloned.1.call-start
scs
called_computation.1_lowered:
.L_overlay_start_0:
0x0: {  	s2 =	sld [smem:$0x3FD9]  }
0x1: {  	s3 =	sld [smem:$0x3FFE];
	_ =	sdelay $0x1  }
0x2: {  	s1 =	srdreg.scid  }
0x3: {  	s0 =	sand.u32 $0x1, s1  }
0x4: {  	s16 =	sshll.u32 s0, $0xA;
	s2 =	sadd.s32 s3, s2  }
0x5: {  	s2 =	sadd.s32 s2, s16  }
0x6: {  	[smem:$0x3FC4] =	sst s2  }
0x7: {  	_ = 	snop  }
0x8: {  	s2 =	sld [smem:$0x3FD0];
	_ =	sdelay $0x2  }
0x9: {  	s17 =	simm.s32 $0xB;
	s4 =	simm.s32 $0x10  }
0xa: {  	[smem:s4], [sflag:s17] =	dma.local [hbm:s2], $0x1  }
0xb: {  	_ =	swait.eq [sflag:s17], $0x1  }
0xc: {  	[sflag:s17] =	ssyncset.done $0x0  }
0xd: {  	[sflag:s17] =	ssyncadd.s32 $0xFFFFFFFF  }
0xe: {  	s18 =	sld [smem:$0x10];
	(tm) =	ssettm $0x1  }
0xf: {  	s19 =	sld [smem:$0x3FFB];
	_ =	sdelay $0x3  }
0x10: {  	_ =	strace s19  }
0x11: {  	s2 =	sld [smem:$0x3FFC];
	_ =	sdelay $0x3  }
0x12: {  	_ =	strace s2  }
0x13: {  	s2 =	sld [smem:$0x3FFD];
	_ =	sdelay $0x3  }
0x14: {  	_ =	strace s2  }
0x15: {  	_ =	strace $0x8FFFFFFF  }
0x16: {  	s20 =	sld [smem:$0x3FDB];
	_ =	sdelay $0x1  }
0x17: {  	s21 =	simm.s32 $_scs_section_size  }
0x18: {  	s5 =	simm.s32 $_size__tile_overlayer_lowered;
	s6 =	simm.s32 $_tile_overlayer_lowered  }
0x19: {  	s7 =	simm.s32 $0x1BFF;
	s22 =	sshll.u32 s6, $0x1;
	s4 =	sadd.s32 s21, s20  }
0x1a: {  	s23 =	simm.s32 $0x0;
	s5 =	sshll.u32 s5, $0x1;
	s6 =	sadd.s32 s22, s4  }
0x1b: {  	[timem:s23], [sflag:s7] =	dma.local [hbm:s6], s5  }
0x1c: {  	_ =	swait.ge [sflag:s7], s5  }
0x1d: {  	s5 =	ssub.s32 $0x0, s5;
	[sflag:s7] =	ssyncset.done $0x0  }
0x1e: {  	[sflag:s7] =	ssyncadd.s32 s5;
	_ =	sdelay $0x1  }
0x1f: {  	s24 =	simm.s32 $0x1B8B  }
0x20: {  	_ =	swait.ge [sflag:s24], $0x1  }
0x21: {  	[sflag:s24] =	ssyncset.done $0x0  }
0x22: {  	[sflag:s24] =	ssyncadd.s32 $0xFFFFFFFF  }
0x23: {  	s5 =	sld [smem:$0x0]  }
0x24: {  	s6 =	sand.u32 $0xFFFFFFFE, s1  }
0x25: {  	p0 =	sne.s32 s1, s6  }
0x26: {  	s6 =	sshll.u32 @p0 s6, $0xE  }
0x27: {  	s6 =	sadd.s32 @p0 $0x11B8D, s6;
	s7 =	sshll.u32 @p0 s5, $0x11  }
0x28: {  	s6 =	sor.u32 @p0 s7, s6  }
0x29: {  	[sflag:s6] =	ssyncadd.remote.s32 @p0 $0x1;
	_ =	sdelay $0x1  }
0x2a: {  	s6 =	simm.s32 @p0 $0x1B8D  }
0x2b: {  	_ =	swait.eq @p0 [sflag:s6], $0x1  }
0x2c: {  	[sflag:s6] =	ssyncadd.s32 @p0 $0xFFFFFFFF  }
0x2d: {  	s7 =	sshll.u32 @!p0 s1, $0xE  }
0x2e: {  	s7 =	sor.u32 @!p0 $0x4000, s7;
	s6 =	simm.s32 @!p0 $0x1B8D  }
0x2f: {  	s5 =	sshll.u32 @!p0 s5, $0x11;
	s7 =	sadd.s32 @!p0 $0x11B8D, s7;
	_ =	swait.eq @!p0 [sflag:s6], $0x1  }
0x30: {  	s5 =	sor.u32 @!p0 s5, s7;
	[sflag:s6] =	ssyncadd.s32 @!p0 $0xFFFFFFFF  }
0x31: {  	s26 =	simm.s32 $0x1B8E;
	s25 =	sld [smem:$0x3FFE];
	[sflag:s5] =	ssyncadd.remote.s32 @!p0 $0x1  }
0x32: {  	s27 =	simm.s32 $execute0_lowered;
	[smem:$0x3FD2] =	sst s26  }
0x33: {  	s6 =	sshll.u32 s27, $0x1;
	_ =	strace $0x8000004C;
	[dreg:$0x1] =	wrdreg $0xFFFFFFFF  }
0x34: {  	s28 =	simm.s32 $_size_execute0_lowered;
	s4 =	sadd.s32 s4, s6;
	[dreg:$0x0] =	wrdreg $0x0  }
0x35: {  	s6 =	sshll.u32 s28, $0x1;
	[dreg:$0x2] =	wrdreg s4  }
0x36: {  	[dreg:$0x3] =	wrdreg s6  }
0x37: {  	[dreg:$0x4] =	wrdreg $0xC0  }
0x38: {  	_ =	task [dreg:s23], $0x5FFFF  }
0x39: {  	[dreg:$0x1] =	wrdreg $0xFFFFFFFF  }
0x3a: {  	[dreg:$0x0] =	wrdreg $0x60  }
0x3b: {  	[dreg:$0x2] =	wrdreg s25  }
0x3c: {  	[dreg:$0x3] =	wrdreg s18  }
0x3d: {  	[dreg:$0x4] =	wrdreg $0x9  }
0x3e: {  	_ =	task.clear_ibuf [dreg:s23], $0x5FFFF;
	_ =	strace $0x9000004C  }
0x3f: {  	s29 =	simm.s32 $0x9;
	_ =	strace $0x8000004E  }
0x40: {  	_ =	swait.ge [sflag:s29], $0x1  }
0x41: {  	[sflag:s29] =	ssyncadd.s32 $0xFFFFFFFF  }
0x42: {  	_ =	strace $0x9000004E  }
0x43: {  	_ =	sfence  }
0x44: {  	s30 =	sld [smem:$0x0];
	_ =	sdelay $0x2  }
0x45: {  	s31 =	sshll.u32 s1, $0xD;
	s1 =	sshrl.u32 s1, $0x2  }
0x46: {  	s4 =	sand.u32 $0x4000, s31;
	s1 =	sadd.s32 s1, s30  }
0x47: {  	s0 =	sor.u32 s4, s0;
	s1 =	sshll.u32 s1, $0x11  }
0x48: {  	s0 =	sor.u32 s1, s0  }
0x49: {  	s0 =	sadd.s32 $0x8F2B, s0  }
0x4a: {  	[sflag:s0] =	ssyncadd.remote.s32 $0x1  }
0x4b: {  	_ =	sfence.sel $0xFFFF  }
0x4c: {  	[dreg:$0x0] =	wrdreg $0xFFFFFFFF;
	(pc) =	sbr.abs _section_cstart, $3  }
0x4d: {  	[dreg:$0x1] =	wrdreg $0xFFFFFFFF  }
0x4e: {  	_ =	task.clear_ibuf [dreg:s23], $0x2FFFF;
	_ =	strace $0x9FFFFFFF  }
0x4f: {  	(tm) =	ssettm $0x7FFFFFFF  }
tec
execute0_lowered:
.L_overlay_start_1:
0x0: {  	(tag) =	ssettag $0x1  }
0x1: {  	s0 =	srdreg.scid  }
0x2: {  	s1 =	sshll.u32 s0, $0x4  }
0x3: {  	s0 =	stileid.u32;
	s1 =	sand.u32 $0x10, s1  }
0x4: {  	s1 =	sor.u32 s0, s1  }
0x5: {  	s6 =	rddreg [dreg:$0x0];
	s4 =	simm.s32 $0x1;
	s2 =	sshll.u32 s1, $0x7  }
0x6: {  	s7 =	simm.s32 $0x2;
	s12 =	simm.s32 $0x0;
	s1 =	ssub.s32 $0x1000, s2  }
0x7: {  	s8 =	simm.s32 $0x8000;
	s13 =	simm.s32 $0x0;
	s3 =	sand.u32 $0xF80, s1  }
0x8: {  	s9 =	simm.s32 $0x0;
	s5 =	sshrl.u32 s1, $0xC;
	p0 =	sne.s32 s3, $0x0  }
.Ltmp0:
0x9: {  	s1 =	rddreg [dreg:$0x2];
	s4 =	simm.s32 @!p0 $0x0;
	(pc) =	sbr.rel .LBB1_1-.Ltmp0, $4  }
0xa: {  	s11 =	simm.s32 $0x0;
	s3 =	rddreg [dreg:$0x1];
	s5 =	sadd.s32 s4, s5  }
0xb: {  	_ =	strace $0x8000004D;
	s4 =	simm.s32 $0x1;
	s5 =	smul.u32 $0x32, s5  }
0xc: {  	s6 =	sadd.s32 $0x196200, s6;
	s10 =	smov.u32 s2;
	[sflag:s4] =	ssyncpa.u1 $0x0  }
0xd: {  	p0 =	por $0x0, $0x0;
	[sflag:s7] =	ssyncpa.u1 $0x0;
	s7 =	sor.u32 $0x1, s5  }
.LBB1_4:
0xe: {  	s16 =	sshll.u32 s13, $0x3;
	s17 =	sand.u32 $0x78, s13  }
0xf: {  	s30 =	sand.u32 $0x7E00, s13;
	s12 =	sshll.u32 s12, $0xF;
	s16 =	sand.u32 $0xC00, s16  }
0x10: {  	[tilespmem:s15+$0x810 ss:$0x81] =	vst.msk $0xffff, v2;
	s31 =	sand.u32 $0x7, s13;
	s16 =	sor.u32 s17, s16;
	s17 =	sadd.s32 s3, s30  }
0x11: {  	[tilespmem:s15+$0x1020 ss:$0x81] =	vst.msk $0xffff, v0;
	s13 =	sshll.u32 s31, $0x12;
	s12 =	sadd.s32 s12, s17;
	s16 =	sshrl.u32 s16, $0x3  }
0x12: {  	[tilespmem:s15+$0x0 ss:$0x81] =	vst.msk $0xffff, v1;
	s13 =	sor.u32 $0x400, s13;
	s12 =	sadd.s32 s16, s12  }
0x13: {  	[hbm4b:s12+s13] =	stream.strided.scatter [tilespmem:s14], [sflag:$0x2], $0x2000, s8, s13, $0x20;
	[tilespmem:$0x8080] =	vst v63  }
.LBB1_5:
0x14: {  	s14 =	sadd.s32 $0x1, s9  }
0x15: {  	s12 =	sadd.s32 $0x1000, s10;
	s16 =	smov.u32 s10;
	p2 =	sgt.s32 s14, $0x31  }
0x16: {  	s16 =	smov.u32 @p2 s12  }
0x17: {  	s14 =	simm.s32 @p2 $0x0;
	p2 =	sgt.s32 s16, $0xFFF  }
0x18: {  	s16 =	smov.u32 @p2 s2;
	p2 =	sne.s32 s11, s7  }
.Ltmp1:
0x19: {  	p1 =	slt.u32 s11, $0x2;
	(pc) =	sbr.rel @!p2 .LBB1_6-.Ltmp1, $4  }
0x1a: {  	s15 =	simm.s32 @!p1 $0x2  }
0x1b: {  	s13 =	smov.u32 s10;
	p0 =	por !p0, !p0;
	_ =	swait.ge @!p1 [sflag:s15], $0x2000  }
0x1c: {  	s12 =	smov.u32 s9;
	[sflag:s15] =	ssyncset.done @!p1 $0x0;
	s9 =	smov.u32 s14  }
0x1d: {  	s11 =	sadd.s32 $0x1, s11;
	[sflag:s15] =	ssyncadd.s32 @!p1 $0xFFFFE000;
	s10 =	smov.u32 s16  }
.LBB1_1:
0x1e: {  	p1 =	sge.u32 s11, s5  }
0x1f: {  	s14 =	sand.u32 @!p1 $0x1FFFFFF, s9  }
0x20: {  	s15 =	smulhi.u32 @!p1 $0x4924925, s14;
	_ =	sdelay $0x1  }
0x21: {  	s15 =	smul.u32 @!p1 $0x38, s15  }
0x22: {  	s16 =	sxor.u32 @!p1 $0xFFFFFFFF, s11;
	s17 =	smul.u32 @!p1 $0x380, s10  }
0x23: {  	s31 =	sadd.s32 $0xFFFFFFFF, s11;
	s16 =	sshll.u32 @!p1 s16, $0xD;
	s14 =	ssub.s32 @!p1 s14, s15  }
0x24: {  	s15 =	sand.u32 @!p1 $0x2000, s16;
	s16 =	sadd.s32 @!p1 s6, s17;
	s14 =	sshll.u32 @!p1 s14, $0x4  }
0x25: {  	s17 =	simm.s32 @!p1 $0x1C00;
	s14 =	sadd.s32 @!p1 s14, s16;
	s16 =	simm.s32 @!p1 $0x40  }
0x26: {  	[tilespmem:s15], [sflag:$0x1] =	stream.strided.gather @!p1 [hbm4b:s14+s16], $0x2000, s17, s16, $0x38;
	[tilespmem:$0x8080] =	vst v63  }
0x27: {  	p1 =	sge.u32 s31, s5  }
.Ltmp2:
0x28: {  	_ = 	snop;
	(pc) =	sbr.rel @p1 .LBB1_5-.Ltmp2, $1  }
0x29: {  	_ =	sdelay $0x3  }
0x2a: {  	s14 =	simm.s32 $0x1  }
0x2b: {  	_ =	swait.ge [sflag:s4], $0x2000;
	s14 =	simm.s32 @!p0 $0x0  }
0x2c: {  	[sflag:s4] =	ssyncset.done $0x0;
	s15 =	sshll.u32 s14, $0xD  }
0x2d: {  	[sflag:s4] =	ssyncadd.s32 $0xFFFFE000;
	s18 =	sor.u32 $0x20, s15  }
0x2e: {  	s14 =	smul.u32 $0x8100, s14;
	v3 =	vld [tilespmem:s18+$0x10]  }
0x2f: {  	s30 =	sand.u32 $0x1, s11;
	v2 =	vld [tilespmem:s18+$0xFFFFFFF0]  }
0x30: {  	s15 =	smul.u32 $0x8100, s30;
	s14 =	sshrl.u32 s14, $0x2;
	v0 =	vld [tilespmem:s18+$0x0]  }
0x31: {  	v1 =	vld [tilespmem:s18+$0xFFFFFFE0];
	s16 =	sor.u32 $0x4000, s14  }
0x32: {  	s31 =	sshrl.u32 s15, $0x2;
	s15 =	sadd.s32 $0x0, s16  }
0x33: {  	s17 =	simm.s32 $0x4;
	s18 =	sadd.s32 $0x40, s18;
	s14 =	sor.u32 $0x4000, s31;
	[tilespmem:s15+$0x1830 ss:$0x81] =	vst.msk $0xffff, v3  }
.LBB1_3:
0x34: {  	v3 =	vld [tilespmem:s18+$0x10];
	p1 =	sne.s32 s17, $0x1FC;
	[tilespmem:s15+$0x810 ss:$0x81] =	vst.msk $0xffff, v2;
	s19 =	smov.u32 s17;
	s17 =	sadd.s32 $0x4, s17  }
.Ltmp3:
0x35: {  	v2 =	vld [tilespmem:s18+$0xFFFFFFF0];
	[tilespmem:s15+$0x1020 ss:$0x81] =	vst.msk $0xffff, v0;
	(pc) =	sbr.rel @p1 .LBB1_3-.Ltmp3, $4  }
0x36: {  	v0 =	vld [tilespmem:s18+$0x0];
	[tilespmem:s15+$0x0 ss:$0x81] =	vst.msk $0xffff, v1  }
0x37: {  	s15 =	sshra.s32 s19, $0x2;
	v1 =	vld [tilespmem:s18+$0xFFFFFFE0]  }
0x38: {  	s15 =	sadd.s32 s15, s16  }
0x39: {  	s18 =	sadd.s32 $0x40, s18;
	[tilespmem:s15+$0x1830 ss:$0x81] =	vst.msk $0xffff, v3  }
.Ltmp4:
0x3a: {  	_ = 	snop;
	(pc) =	sbr.rel .LBB1_4-.Ltmp4, $1  }
0x3b: {  	_ =	sdelay $0x3  }
.LBB1_6:
0x3c: {  	_ =	sfence.sel $0x180000  }
0x3d: {  	s2 =	simm.s32 $0x1;
	[bflag:$0x0] =	sbarrier.arrive $0xFFFF  }
0x3e: {  	s31 =	simm.s32 $0x2;
	[sflag:s2] =	ssyncpa.u1 $0x1  }
0x3f: {  	[sflag:s31] =	ssyncpa.u1 $0x1  }
0x40: {  	p0 =	sne.s32 s0, $0x0;
	_ =	strace $0x9000004D  }
0x41: {  	s0 =	sadd.s32 @!p0 $0x100000, s1;
	[bflag:$0x2] =	sbarrier.arrive $0xFFFF  }
0x42: {  	[sflag:s0] =	ssyncadd.tile.s32 @!p0 $0x1;
	_ =	shalt  }
.Lfunc_end1:
_tile_overlayer_lowered:
.L_overlay_start_2:
0x43: {  	(tag) =	ssettag $0x2  }
0x44: {  	s0 =	rddreg [dreg:$0x0];
	s2 =	stileid.u32  }
0x45: {  	s1 =	rddreg [dreg:$0x1];
	p0 =	sne.s32 s2, $0x0  }
0x46: {  	s3 =	rddreg [dreg:$0x2];
	[bflag:$0x3] =	sbarrier.arrive $0xFFFF;
	s2 =	simm.s32 @!p0 $0x1C01  }
0x47: {  	[timem:s3], [sflag:s2] =	dma.local @!p0 [hbm:s0], s1  }
0x48: {  	s0 =	simm.s32 @!p0 $0x1  }
0x49: {  	_ =	swait.ge @!p0 [sflag:s0], s1  }
0x4a: {  	s1 =	ssub.s32 @!p0 $0x0, s1;
	[sflag:s0] =	ssyncset.done @!p0 $0x0  }
0x4b: {  	[sflag:s0] =	ssyncadd.s32 @!p0 s1  }
0x4c: {  	[bflag:$0x3] =	sbarrier.arrive $0xFFFF  }
0x4d: {  	_ =	shalt  }

// kernel: sparse-core-data-format-call.cloned.1.call-start
scs
called_computation_lowered:
.L_overlay_start_0:
0x0: {  	s2 =	sld [smem:$0x3FD9]  }
0x1: {  	s3 =	sld [smem:$0x3FFE];
	_ =	sdelay $0x1  }
0x2: {  	s1 =	srdreg.scid  }
0x3: {  	s0 =	sand.u32 $0x1, s1  }
0x4: {  	s16 =	sshll.u32 s0, $0xA;
	s2 =	sadd.s32 s3, s2  }
0x5: {  	s2 =	sadd.s32 s2, s16  }
0x6: {  	[smem:$0x3FC4] =	sst s2  }
0x7: {  	_ = 	snop  }
0x8: {  	s2 =	sld [smem:$0x3FD0];
	_ =	sdelay $0x2  }
0x9: {  	s17 =	simm.s32 $0xB;
	s4 =	simm.s32 $0x10  }
0xa: {  	[smem:s4], [sflag:s17] =	dma.local [hbm:s2], $0x1  }
0xb: {  	_ =	swait.eq [sflag:s17], $0x1  }
0xc: {  	[sflag:s17] =	ssyncset.done $0x0  }
0xd: {  	[sflag:s17] =	ssyncadd.s32 $0xFFFFFFFF  }
0xe: {  	s18 =	sld [smem:$0x11];
	(tm) =	ssettm $0x1  }
0xf: {  	s19 =	sld [smem:$0x3FFB];
	_ =	sdelay $0x3  }
0x10: {  	_ =	strace s19  }
0x11: {  	s2 =	sld [smem:$0x3FFC];
	_ =	sdelay $0x3  }
0x12: {  	_ =	strace s2  }
0x13: {  	s2 =	sld [smem:$0x3FFD];
	_ =	sdelay $0x3  }
0x14: {  	_ =	strace s2  }
0x15: {  	_ =	strace $0x8FFFFFFF  }
0x16: {  	s20 =	sld [smem:$0x3FDB];
	_ =	sdelay $0x1  }
0x17: {  	s21 =	simm.s32 $_scs_section_size  }
0x18: {  	s5 =	simm.s32 $_size__tile_overlayer_lowered;
	s6 =	simm.s32 $_tile_overlayer_lowered  }
0x19: {  	s7 =	simm.s32 $0x1BFF;
	s22 =	sshll.u32 s6, $0x1;
	s4 =	sadd.s32 s21, s20  }
0x1a: {  	s23 =	simm.s32 $0x0;
	s5 =	sshll.u32 s5, $0x1;
	s6 =	sadd.s32 s22, s4  }
0x1b: {  	[timem:s23], [sflag:s7] =	dma.local [hbm:s6], s5  }
0x1c: {  	_ =	swait.ge [sflag:s7], s5  }
0x1d: {  	s5 =	ssub.s32 $0x0, s5;
	[sflag:s7] =	ssyncset.done $0x0  }
0x1e: {  	[sflag:s7] =	ssyncadd.s32 s5;
	_ =	sdelay $0x1  }
0x1f: {  	s24 =	simm.s32 $0x1B8B  }
0x20: {  	_ =	swait.ge [sflag:s24], $0x1  }
0x21: {  	[sflag:s24] =	ssyncset.done $0x0  }
0x22: {  	[sflag:s24] =	ssyncadd.s32 $0xFFFFFFFF  }
0x23: {  	s5 =	sld [smem:$0x0]  }
0x24: {  	s6 =	sand.u32 $0xFFFFFFFE, s1  }
0x25: {  	p0 =	sne.s32 s1, s6  }
0x26: {  	s6 =	sshll.u32 @p0 s6, $0xE  }
0x27: {  	s6 =	sadd.s32 @p0 $0x11B8D, s6;
	s7 =	sshll.u32 @p0 s5, $0x11  }
0x28: {  	s6 =	sor.u32 @p0 s7, s6  }
0x29: {  	[sflag:s6] =	ssyncadd.remote.s32 @p0 $0x1;
	_ =	sdelay $0x1  }
0x2a: {  	s6 =	simm.s32 @p0 $0x1B8D  }
0x2b: {  	_ =	swait.eq @p0 [sflag:s6], $0x1  }
0x2c: {  	[sflag:s6] =	ssyncadd.s32 @p0 $0xFFFFFFFF  }
0x2d: {  	s7 =	sshll.u32 @!p0 s1, $0xE  }
0x2e: {  	s7 =	sor.u32 @!p0 $0x4000, s7;
	s6 =	simm.s32 @!p0 $0x1B8D  }
0x2f: {  	s5 =	sshll.u32 @!p0 s5, $0x11;
	s7 =	sadd.s32 @!p0 $0x11B8D, s7;
	_ =	swait.eq @!p0 [sflag:s6], $0x1  }
0x30: {  	s5 =	sor.u32 @!p0 s5, s7;
	[sflag:s6] =	ssyncadd.s32 @!p0 $0xFFFFFFFF  }
0x31: {  	s26 =	simm.s32 $0x1B8E;
	s25 =	sld [smem:$0x3FFE];
	[sflag:s5] =	ssyncadd.remote.s32 @!p0 $0x1  }
0x32: {  	s27 =	simm.s32 $execute0_lowered;
	[smem:$0x3FD2] =	sst s26  }
0x33: {  	s6 =	sshll.u32 s27, $0x1;
	_ =	strace $0x8000004F;
	[dreg:$0x1] =	wrdreg $0xFFFFFFFF  }
0x34: {  	s28 =	simm.s32 $_size_execute0_lowered;
	s4 =	sadd.s32 s4, s6;
	[dreg:$0x0] =	wrdreg $0x0  }
0x35: {  	s6 =	sshll.u32 s28, $0x1;
	[dreg:$0x2] =	wrdreg s4  }
0x36: {  	[dreg:$0x3] =	wrdreg s6  }
0x37: {  	[dreg:$0x4] =	wrdreg $0xC0  }
0x38: {  	_ =	task [dreg:s23], $0x5FFFF  }
0x39: {  	[dreg:$0x1] =	wrdreg $0xFFFFFFFF  }
0x3a: {  	[dreg:$0x0] =	wrdreg $0x60  }
0x3b: {  	[dreg:$0x2] =	wrdreg s25  }
0x3c: {  	[dreg:$0x3] =	wrdreg s18  }
0x3d: {  	[dreg:$0x4] =	wrdreg $0xA  }
0x3e: {  	_ =	task.clear_ibuf [dreg:s23], $0x5FFFF;
	_ =	strace $0x9000004F  }
0x3f: {  	s29 =	simm.s32 $0xA;
	_ =	strace $0x80000051  }
0x40: {  	_ =	swait.ge [sflag:s29], $0x1  }
0x41: {  	[sflag:s29] =	ssyncadd.s32 $0xFFFFFFFF  }
0x42: {  	_ =	strace $0x90000051  }
0x43: {  	_ =	sfence  }
0x44: {  	s30 =	sld [smem:$0x0];
	_ =	sdelay $0x2  }
0x45: {  	s31 =	sshll.u32 s1, $0xD;
	s1 =	sshrl.u32 s1, $0x2  }
0x46: {  	s4 =	sand.u32 $0x4000, s31;
	s1 =	sadd.s32 s1, s30  }
0x47: {  	s0 =	sor.u32 s4, s0;
	s1 =	sshll.u32 s1, $0x11  }
0x48: {  	s0 =	sor.u32 s1, s0  }
0x49: {  	s0 =	sadd.s32 $0x8F2B, s0  }
0x4a: {  	[sflag:s0] =	ssyncadd.remote.s32 $0x1  }
0x4b: {  	_ =	sfence.sel $0xFFFF  }
0x4c: {  	[dreg:$0x0] =	wrdreg $0xFFFFFFFF;
	(pc) =	sbr.abs _section_cstart, $3  }
0x4d: {  	[dreg:$0x1] =	wrdreg $0xFFFFFFFF  }
0x4e: {  	_ =	task.clear_ibuf [dreg:s23], $0x2FFFF;
	_ =	strace $0x9FFFFFFF  }
0x4f: {  	(tm) =	ssettm $0x7FFFFFFF  }
tec
execute0_lowered:
.L_overlay_start_1:
0x0: {  	(tag) =	ssettag $0x1  }
0x1: {  	s0 =	srdreg.scid  }
0x2: {  	s1 =	sshll.u32 s0, $0x4  }
0x3: {  	s0 =	stileid.u32;
	s1 =	sand.u32 $0x10, s1  }
0x4: {  	s1 =	sor.u32 s0, s1  }
0x5: {  	s6 =	rddreg [dreg:$0x0];
	s4 =	simm.s32 $0x1;
	s2 =	sshll.u32 s1, $0x7  }
0x6: {  	s7 =	simm.s32 $0x2;
	s12 =	simm.s32 $0x0;
	s1 =	ssub.s32 $0x1000, s2  }
0x7: {  	s8 =	simm.s32 $0x8000;
	s13 =	simm.s32 $0x0;
	s3 =	sand.u32 $0xF80, s1  }
0x8: {  	s9 =	simm.s32 $0x0;
	s5 =	sshrl.u32 s1, $0xC;
	p0 =	sne.s32 s3, $0x0  }
.Ltmp0:
0x9: {  	s1 =	rddreg [dreg:$0x2];
	s4 =	simm.s32 @!p0 $0x0;
	(pc) =	sbr.rel .LBB1_1-.Ltmp0, $4  }
0xa: {  	s11 =	simm.s32 $0x0;
	s3 =	rddreg [dreg:$0x1];
	s5 =	sadd.s32 s4, s5  }
0xb: {  	_ =	strace $0x80000050;
	s4 =	simm.s32 $0x1;
	s5 =	smul.u32 $0x32, s5  }
0xc: {  	s6 =	sadd.s32 $0x516200, s6;
	s10 =	smov.u32 s2;
	[sflag:s4] =	ssyncpa.u1 $0x0  }
0xd: {  	p0 =	por $0x0, $0x0;
	[sflag:s7] =	ssyncpa.u1 $0x0;
	s7 =	sor.u32 $0x1, s5  }
.LBB1_4:
0xe: {  	s16 =	sshll.u32 s13, $0x3;
	s17 =	sand.u32 $0x78, s13  }
0xf: {  	s30 =	sand.u32 $0x7E00, s13;
	s12 =	sshll.u32 s12, $0xF;
	s16 =	sand.u32 $0xC00, s16  }
0x10: {  	[tilespmem:s15+$0x810 ss:$0x81] =	vst.msk $0xffff, v2;
	s31 =	sand.u32 $0x7, s13;
	s16 =	sor.u32 s17, s16;
	s17 =	sadd.s32 s3, s30  }
0x11: {  	[tilespmem:s15+$0x1020 ss:$0x81] =	vst.msk $0xffff, v0;
	s13 =	sshll.u32 s31, $0x12;
	s12 =	sadd.s32 s12, s17;
	s16 =	sshrl.u32 s16, $0x3  }
0x12: {  	[tilespmem:s15+$0x0 ss:$0x81] =	vst.msk $0xffff, v1;
	s13 =	sor.u32 $0x400, s13;
	s12 =	sadd.s32 s16, s12  }
0x13: {  	[hbm4b:s12+s13] =	stream.strided.scatter [tilespmem:s14], [sflag:$0x2], $0x2000, s8, s13, $0x20;
	[tilespmem:$0x8080] =	vst v63  }
.LBB1_5:
0x14: {  	s14 =	sadd.s32 $0x1, s9  }
0x15: {  	s12 =	sadd.s32 $0x1000, s10;
	s16 =	smov.u32 s10;
	p2 =	sgt.s32 s14, $0x31  }
0x16: {  	s16 =	smov.u32 @p2 s12  }
0x17: {  	s14 =	simm.s32 @p2 $0x0;
	p2 =	sgt.s32 s16, $0xFFF  }
0x18: {  	s16 =	smov.u32 @p2 s2;
	p2 =	sne.s32 s11, s7  }
.Ltmp1:
0x19: {  	p1 =	slt.u32 s11, $0x2;
	(pc) =	sbr.rel @!p2 .LBB1_6-.Ltmp1, $4  }
0x1a: {  	s15 =	simm.s32 @!p1 $0x2  }
0x1b: {  	s13 =	smov.u32 s10;
	p0 =	por !p0, !p0;
	_ =	swait.ge @!p1 [sflag:s15], $0x2000  }
0x1c: {  	s12 =	smov.u32 s9;
	[sflag:s15] =	ssyncset.done @!p1 $0x0;
	s9 =	smov.u32 s14  }
0x1d: {  	s11 =	sadd.s32 $0x1, s11;
	[sflag:s15] =	ssyncadd.s32 @!p1 $0xFFFFE000;
	s10 =	smov.u32 s16  }
.LBB1_1:
0x1e: {  	p1 =	sge.u32 s11, s5  }
0x1f: {  	s14 =	sand.u32 @!p1 $0x1FFFFFF, s9  }
0x20: {  	s15 =	smulhi.u32 @!p1 $0x4924925, s14;
	_ =	sdelay $0x1  }
0x21: {  	s15 =	smul.u32 @!p1 $0x38, s15  }
0x22: {  	s16 =	sxor.u32 @!p1 $0xFFFFFFFF, s11;
	s17 =	smul.u32 @!p1 $0x380, s10  }
0x23: {  	s31 =	sadd.s32 $0xFFFFFFFF, s11;
	s16 =	sshll.u32 @!p1 s16, $0xD;
	s14 =	ssub.s32 @!p1 s14, s15  }
0x24: {  	s15 =	sand.u32 @!p1 $0x2000, s16;
	s16 =	sadd.s32 @!p1 s6, s17;
	s14 =	sshll.u32 @!p1 s14, $0x4  }
0x25: {  	s17 =	simm.s32 @!p1 $0x1C00;
	s14 =	sadd.s32 @!p1 s14, s16;
	s16 =	simm.s32 @!p1 $0x40  }
0x26: {  	[tilespmem:s15], [sflag:$0x1] =	stream.strided.gather @!p1 [hbm4b:s14+s16], $0x2000, s17, s16, $0x38;
	[tilespmem:$0x8080] =	vst v63  }
0x27: {  	p1 =	sge.u32 s31, s5  }
.Ltmp2:
0x28: {  	_ = 	snop;
	(pc) =	sbr.rel @p1 .LBB1_5-.Ltmp2, $1  }
0x29: {  	_ =	sdelay $0x3  }
0x2a: {  	s14 =	simm.s32 $0x1  }
0x2b: {  	_ =	swait.ge [sflag:s4], $0x2000;
	s14 =	simm.s32 @!p0 $0x0  }
0x2c: {  	[sflag:s4] =	ssyncset.done $0x0;
	s15 =	sshll.u32 s14, $0xD  }
0x2d: {  	[sflag:s4] =	ssyncadd.s32 $0xFFFFE000;
	s18 =	sor.u32 $0x20, s15  }
0x2e: {  	s14 =	smul.u32 $0x8100, s14;
	v3 =	vld [tilespmem:s18+$0x10]  }
0x2f: {  	s30 =	sand.u32 $0x1, s11;
	v2 =	vld [tilespmem:s18+$0xFFFFFFF0]  }
0x30: {  	s15 =	smul.u32 $0x8100, s30;
	s14 =	sshrl.u32 s14, $0x2;
	v0 =	vld [tilespmem:s18+$0x0]  }
0x31: {  	v1 =	vld [tilespmem:s18+$0xFFFFFFE0];
	s16 =	sor.u32 $0x4000, s14  }
0x32: {  	s31 =	sshrl.u32 s15, $0x2;
	s15 =	sadd.s32 $0x0, s16  }
0x33: {  	s17 =	simm.s32 $0x4;
	s18 =	sadd.s32 $0x40, s18;
	s14 =	sor.u32 $0x4000, s31;
	[tilespmem:s15+$0x1830 ss:$0x81] =	vst.msk $0xffff, v3  }
.LBB1_3:
0x34: {  	v3 =	vld [tilespmem:s18+$0x10];
	p1 =	sne.s32 s17, $0x1FC;
	[tilespmem:s15+$0x810 ss:$0x81] =	vst.msk $0xffff, v2;
	s19 =	smov.u32 s17;
	s17 =	sadd.s32 $0x4, s17  }
.Ltmp3:
0x35: {  	v2 =	vld [tilespmem:s18+$0xFFFFFFF0];
	[tilespmem:s15+$0x1020 ss:$0x81] =	vst.msk $0xffff, v0;
	(pc) =	sbr.rel @p1 .LBB1_3-.Ltmp3, $4  }
0x36: {  	v0 =	vld [tilespmem:s18+$0x0];
	[tilespmem:s15+$0x0 ss:$0x81] =	vst.msk $0xffff, v1  }
0x37: {  	s15 =	sshra.s32 s19, $0x2;
	v1 =	vld [tilespmem:s18+$0xFFFFFFE0]  }
0x38: {  	s15 =	sadd.s32 s15, s16  }
0x39: {  	s18 =	sadd.s32 $0x40, s18;
	[tilespmem:s15+$0x1830 ss:$0x81] =	vst.msk $0xffff, v3  }
.Ltmp4:
0x3a: {  	_ = 	snop;
	(pc) =	sbr.rel .LBB1_4-.Ltmp4, $1  }
0x3b: {  	_ =	sdelay $0x3  }
.LBB1_6:
0x3c: {  	_ =	sfence.sel $0x180000  }
0x3d: {  	s2 =	simm.s32 $0x1;
	[bflag:$0x0] =	sbarrier.arrive $0xFFFF  }
0x3e: {  	s31 =	simm.s32 $0x2;
	[sflag:s2] =	ssyncpa.u1 $0x1  }
0x3f: {  	[sflag:s31] =	ssyncpa.u1 $0x1  }
0x40: {  	p0 =	sne.s32 s0, $0x0;
	_ =	strace $0x90000050  }
0x41: {  	s0 =	sadd.s32 @!p0 $0x100000, s1;
	[bflag:$0x2] =	sbarrier.arrive $0xFFFF  }
0x42: {  	[sflag:s0] =	ssyncadd.tile.s32 @!p0 $0x1;
	_ =	shalt  }
.Lfunc_end1:
_tile_overlayer_lowered:
.L_overlay_start_2:
0x43: {  	(tag) =	ssettag $0x2  }
0x44: {  	s0 =	rddreg [dreg:$0x0];
	s2 =	stileid.u32  }
0x45: {  	s1 =	rddreg [dreg:$0x1];
	p0 =	sne.s32 s2, $0x0  }
0x46: {  	s3 =	rddreg [dreg:$0x2];
	[bflag:$0x3] =	sbarrier.arrive $0xFFFF;
	s2 =	simm.s32 @!p0 $0x1C01  }
0x47: {  	[timem:s3], [sflag:s2] =	dma.local @!p0 [hbm:s0], s1  }
0x48: {  	s0 =	simm.s32 @!p0 $0x1  }
0x49: {  	_ =	swait.ge @!p0 [sflag:s0], s1  }
0x4a: {  	s1 =	ssub.s32 @!p0 $0x0, s1;
	[sflag:s0] =	ssyncset.done @!p0 $0x0  }
0x4b: {  	[sflag:s0] =	ssyncadd.s32 @!p0 s1  }
0x4c: {  	[bflag:$0x3] =	sbarrier.arrive $0xFFFF  }
0x4d: {  	_ =	shalt  }

</sc_bundles>
